<compile_context>
chip_gen: v7x
topology: tpu7x:2x2x1
jax: 0.10.2.dev20260603
libtpu: 0.0.44.dev20260713+nightly
codegen_flags: <defaults>
</compile_context>

<pallas_src>
import functools

import jax
import jax.numpy as jnp
from jax import lax
from jax.experimental import pallas as pl
from jax.experimental.pallas import tpu as pltpu
from jax.experimental.pallas import tpu_sc as plsc

B = 16384
C = 100
BETA = 0.7
LAM = 3.0

NC = 2
NS = 16
NW = NC * NS
BPW = B // NW
CHUNK = 32
NCHUNK = BPW // CHUNK


def _sc_gather(index1d, target):
    mesh = plsc.VectorSubcoreMesh(core_axis_name="c", subcore_axis_name="s")

    @functools.partial(
        pl.kernel,
        mesh=mesh,
        out_type=jax.ShapeDtypeStruct((B, C), jnp.float32),
        scratch_types=[
            pltpu.VMEM((BPW,), jnp.int32),
            pltpu.VMEM((BPW, C), jnp.float32),
            pltpu.SemaphoreType.DMA,
        ],
    )
    def gather_k(idx_hbm, tab_hbm, out_hbm, idx_s, rows_v, sem):
        wid = lax.axis_index("s") * NC + lax.axis_index("c")
        base = pl.multiple_of(wid * BPW, BPW)
        pltpu.sync_copy(idx_hbm.at[pl.ds(base, BPW)], idx_s)

        def issue(cc):
            j0 = cc * CHUNK
            iv = idx_s[pl.ds(j0, CHUNK)]
            for u in range(CHUNK):
                pltpu.async_copy(
                    tab_hbm.at[pl.ds(iv[u], 1)],
                    rows_v.at[pl.ds(j0 + u, 1)],
                    sem,
                )

        def drain():
            for _ in range(CHUNK):
                pltpu.make_async_copy(
                    tab_hbm.at[pl.ds(0, 1)],
                    rows_v.at[pl.ds(0, 1)],
                    sem,
                ).wait()

        issue(0)
        def ring_body(cc, _):
            issue(cc + 1)
            drain()
            return ()
        lax.fori_loop(0, NCHUNK - 1, ring_body, ())
        drain()
        pltpu.sync_copy(rows_v, out_hbm.at[pl.ds(base, BPW)])

    return gather_k(index1d, target)


GRID = 4
BB = B // GRID


def _tc_loss_body(o_ref, lab_ref, g_ref, out_ref):
    i = pl.program_id(0)
    o = o_ref[...]
    lab = lab_ref[...]
    g = g_ref[...]
    m = jnp.max(o, axis=1, keepdims=True)
    e = jnp.exp(o - m)
    z = jnp.sum(e, axis=1, keepdims=True)
    onehot = lax.broadcasted_iota(jnp.int32, (BB, C), 1) == lab
    o_lab = jnp.sum(jnp.where(onehot, o, 0.0), axis=1, keepdims=True)
    ce = (m + jnp.log(z)) - o_lab
    y = jnp.clip(e / z, 1e-4, 1.0 - 1e-4)
    ssum = jnp.sum(y, axis=1, keepdims=True)
    gy = jnp.sum(g * y, axis=1, keepdims=True)
    yy = jnp.sum(y * y, axis=1, keepdims=True)
    d = BETA * gy + (1.0 - BETA) * (yy / ssum)
    elr = jnp.log(1.0 - d)
    part = (jnp.sum(ce) + LAM * jnp.sum(elr)) * (1.0 / B)

    @pl.when(i == 0)
    def _():
        out_ref[0, 0] = 0.0

    out_ref[0, 0] += part


def _tc_loss(output, label2d, g):
    out = pl.pallas_call(
        _tc_loss_body,
        grid=(GRID,),
        in_specs=[
            pl.BlockSpec((BB, C), lambda i: (i, 0)),
            pl.BlockSpec((BB, 1), lambda i: (i, 0)),
            pl.BlockSpec((BB, C), lambda i: (i, 0)),
        ],
        out_specs=pl.BlockSpec((1, 1), lambda i: (0, 0), memory_space=pltpu.SMEM),
        out_shape=jax.ShapeDtypeStruct((1, 1), jnp.float32),
    )(output, label2d, g)
    return out[0, 0]


def kernel(index, output, label, target):
    g = _sc_gather(index.astype(jnp.int32), target)
    return _tc_loss(output, label[:, None].astype(jnp.int32), g)

# --- scband reference (transcript-rebuilt; emitter-appended) ---
"""Pipeline reference for scband-elrloss-8830452761370 (READ-ONLY COPY).

The authoritative reference and input builder live on the scoring server;
editing this copy changes nothing except your own understanding.
"""

import jax, jax.numpy as jnp
import numpy as np

NUM_EXAMP = 1000000
NUM_CLASSES = 100
BATCH = 16384
BETA = 0.7
LAM = 3.0


def setup_inputs(seed: int = 0) -> dict:
    key = jax.random.key(seed)
    k1, k2, k3 = jax.random.split(key, 3)
    index = jax.random.randint(k1, (BATCH,), 0, NUM_EXAMP)
    output = jax.random.normal(k2, (BATCH, NUM_CLASSES), dtype=jnp.float32)
    label = jax.random.randint(k3, (BATCH,), 0, NUM_CLASSES)
    # persistent temporal-ensembling target buffer (zeros-initialized as in module)
    target = jnp.zeros((NUM_EXAMP, NUM_CLASSES), dtype=jnp.float32)
    return {"index": index, "output": output, "label": label, "target": target}


def reference(index, output, label, target):
    # y_pred = clamp(softmax(output))
    y_pred = jax.nn.softmax(output, axis=1)
    y_pred = jnp.clip(y_pred, 0.0001, 1.0 - 0.0001)
    y_pred_ = jax.lax.stop_gradient(y_pred)
    # temporal ensembling update: gather rows, EMA, scatter-overwrite
    gathered = jnp.take(target, index, axis=0)
    upd = BETA * gathered + (1.0 - BETA) * (y_pred_ / y_pred_.sum(axis=1, keepdims=True))
    new_target = target.at[index].set(upd)
    t = jnp.take(new_target, index, axis=0)
    # cross entropy (label_smoothing = 0)
    logp = jax.nn.log_softmax(output, axis=1)
    ce_loss = -jnp.take_along_axis(logp, label[:, None], axis=1).squeeze(1).mean()
    # ELR regularizer
    elr_reg = jnp.log(1.0 - (t * y_pred).sum(axis=1)).mean()
    final_loss = ce_loss + LAM * elr_reg
    return final_loss

if __name__ == "__main__":
    import jax
    _d = setup_inputs()
    print(jax.jit(kernel)(*tuple(_d.values())))

</pallas_src>

<mosaic_0001>
#map = affine_map<(d0, d1) -> (0)>
#map1 = affine_map<(d0, d1) -> (0, 0)>
module attributes {stable_mosaic.version = 14 : i64} {
  func.func @gather_k(%arg0: i32, %arg1: i32, %arg2: memref<16384xi32, #tpu.memory_space<hbm>>, %arg3: memref<1000000x100xf32, #tpu.memory_space<hbm>>, %arg4: memref<16384x100xf32, #tpu.memory_space<hbm>>, %arg5: memref<512xi32, #tpu.memory_space<vmem>>, %arg6: memref<512x100xf32, #tpu.memory_space<vmem>>, %arg7: memref<!tpu.dma_semaphore, #tpu.memory_space<semaphore_mem>>) attributes {dimension_semantics = [#tpu.dimension_semantics<core_parallel>, #tpu.dimension_semantics<subcore_parallel>], iteration_bounds = array<i64: 2, 16>, scalar_prefetch = 0 : i64, scratch_operands = 3 : i64, tpu.core_type = #tpu.core_type<sc_vector_subcore>, window_params = [{transform_indices = #map}, {transform_indices = #map1}, {transform_indices = #map1}]} {
    %mul3A = arith.constant 2 : i32
    %mul3A_0 = arith.muli %arg1, %mul3A : i32
    %add3A = arith.addi %mul3A_0, %arg0 : i32
    %mul3A_1 = arith.constant 512 : i32
    %mul3A_2 = arith.muli %add3A, %mul3A_1 : i32
    %multiple_of3A = tpu.assume_multiple %mul3A_2, 512 : i32
    "tpu.region"() ({
      %run_scoped3A = tpu.sem_alloc : memref<!tpu.dma_semaphore, #tpu.memory_space<semaphore_mem>>
      %dma_start3A_773 = tpu.memref_slice %arg2[%multiple_of3A] : memref<16384xi32, #tpu.memory_space<hbm>> -> memref<512xi32, #tpu.memory_space<hbm>>
      %dma_start3A_774 = tpu.memref_slice %arg2[%multiple_of3A] : memref<16384xi32, #tpu.memory_space<hbm>> -> memref<512xi32, #tpu.memory_space<hbm>>
      tpu.enqueue_dma source(%dma_start3A_774 : memref<512xi32, #tpu.memory_space<hbm>>) target(%arg5 : memref<512xi32, #tpu.memory_space<vmem>>) target_semaphore(%run_scoped3A : memref<!tpu.dma_semaphore, #tpu.memory_space<semaphore_mem>>)
      %dma_wait3A_775 = tpu.memref_slice %arg2[%multiple_of3A] : memref<16384xi32, #tpu.memory_space<hbm>> -> memref<512xi32, #tpu.memory_space<hbm>>
      %dma_wait3A_776 = tpu.memref_slice %arg2[%multiple_of3A] : memref<16384xi32, #tpu.memory_space<hbm>> -> memref<512xi32, #tpu.memory_space<hbm>>
      tpu.wait_dma2 semaphore(%run_scoped3A : memref<!tpu.dma_semaphore, #tpu.memory_space<semaphore_mem>>) src(%dma_wait3A_776 : memref<512xi32, #tpu.memory_space<hbm>>) dst(%arg5 : memref<512xi32, #tpu.memory_space<vmem>>)
      tpu.yield
    }) : () -> ()
    %get3A = arith.constant 0 : index
    %get3A_3 = tpu.vector_load %arg5[%get3A] {strides = array<i32>} : memref<512xi32, #tpu.memory_space<vmem>>, vector<32xi32>,
    %get3A_4 = vector.shape_cast %get3A_3 : vector<32xi32> to vector<32xi32>
    %slice3A = vector.extract_strided_slice %get3A_4 {offsets = [0], sizes = [1], strides = [1]} : vector<32xi32> to vector<1xi32>
    %squeeze3A = vector.extract %slice3A[0] : i32 from vector<1xi32>
    %dma_start3A = arith.constant 0 : i32
    %dma_start3A_5 = arith.constant 0 : i32
    %dma_start3A_6 = tpu.memref_slice %arg6[%dma_start3A, %dma_start3A_5] : memref<512x100xf32, #tpu.memory_space<vmem>> -> memref<1x100xf32, #tpu.memory_space<vmem>>
    %dma_start3A_7 = arith.constant 0 : i32
    %dma_start3A_8 = tpu.memref_slice %arg3[%squeeze3A, %dma_start3A_7] : memref<1000000x100xf32, #tpu.memory_space<hbm>> -> memref<1x100xf32, #tpu.memory_space<hbm>>
    %dma_start3A_9 = arith.constant 0 : i32
    %dma_start3A_10 = arith.constant 0 : i32
    %dma_start3A_11 = tpu.memref_slice %arg6[%dma_start3A_9, %dma_start3A_10] : memref<512x100xf32, #tpu.memory_space<vmem>> -> memref<1x100xf32, #tpu.memory_space<vmem>>
    %dma_start3A_12 = arith.constant 0 : i32
    %dma_start3A_13 = tpu.memref_slice %arg3[%squeeze3A, %dma_start3A_12] : memref<1000000x100xf32, #tpu.memory_space<hbm>> -> memref<1x100xf32, #tpu.memory_space<hbm>>
    tpu.enqueue_dma source(%dma_start3A_13 : memref<1x100xf32, #tpu.memory_space<hbm>>) target(%dma_start3A_11 : memref<1x100xf32, #tpu.memory_space<vmem>>) target_semaphore(%arg7 : memref<!tpu.dma_semaphore, #tpu.memory_space<semaphore_mem>>)
    %slice3A_14 = vector.extract_strided_slice %get3A_4 {offsets = [1], sizes = [1], strides = [1]} : vector<32xi32> to vector<1xi32>
    %squeeze3A_15 = vector.extract %slice3A_14[0] : i32 from vector<1xi32>
    %dma_start3A_16 = arith.constant 1 : i32
    %dma_start3A_17 = arith.constant 0 : i32
    %dma_start3A_18 = tpu.memref_slice %arg6[%dma_start3A_16, %dma_start3A_17] : memref<512x100xf32, #tpu.memory_space<vmem>> -> memref<1x100xf32, #tpu.memory_space<vmem>>
    %dma_start3A_19 = arith.constant 0 : i32
    %dma_start3A_20 = tpu.memref_slice %arg3[%squeeze3A_15, %dma_start3A_19] : memref<1000000x100xf32, #tpu.memory_space<hbm>> -> memref<1x100xf32, #tpu.memory_space<hbm>>
    %dma_start3A_21 = arith.constant 1 : i32
    %dma_start3A_22 = arith.constant 0 : i32
    %dma_start3A_23 = tpu.memref_slice %arg6[%dma_start3A_21, %dma_start3A_22] : memref<512x100xf32, #tpu.memory_space<vmem>> -> memref<1x100xf32, #tpu.memory_space<vmem>>
    %dma_start3A_24 = arith.constant 0 : i32
    %dma_start3A_25 = tpu.memref_slice %arg3[%squeeze3A_15, %dma_start3A_24] : memref<1000000x100xf32, #tpu.memory_space<hbm>> -> memref<1x100xf32, #tpu.memory_space<hbm>>
    tpu.enqueue_dma source(%dma_start3A_25 : memref<1x100xf32, #tpu.memory_space<hbm>>) target(%dma_start3A_23 : memref<1x100xf32, #tpu.memory_space<vmem>>) target_semaphore(%arg7 : memref<!tpu.dma_semaphore, #tpu.memory_space<semaphore_mem>>)
    %slice3A_26 = vector.extract_strided_slice %get3A_4 {offsets = [2], sizes = [1], strides = [1]} : vector<32xi32> to vector<1xi32>
    %squeeze3A_27 = vector.extract %slice3A_26[0] : i32 from vector<1xi32>
    %dma_start3A_28 = arith.constant 2 : i32
    %dma_start3A_29 = arith.constant 0 : i32
    %dma_start3A_30 = tpu.memref_slice %arg6[%dma_start3A_28, %dma_start3A_29] : memref<512x100xf32, #tpu.memory_space<vmem>> -> memref<1x100xf32, #tpu.memory_space<vmem>>
    %dma_start3A_31 = arith.constant 0 : i32
    %dma_start3A_32 = tpu.memref_slice %arg3[%squeeze3A_27, %dma_start3A_31] : memref<1000000x100xf32, #tpu.memory_space<hbm>> -> memref<1x100xf32, #tpu.memory_space<hbm>>
    %dma_start3A_33 = arith.constant 2 : i32
    %dma_start3A_34 = arith.constant 0 : i32
    %dma_start3A_35 = tpu.memref_slice %arg6[%dma_start3A_33, %dma_start3A_34] : memref<512x100xf32, #tpu.memory_space<vmem>> -> memref<1x100xf32, #tpu.memory_space<vmem>>
    %dma_start3A_36 = arith.constant 0 : i32
    %dma_start3A_37 = tpu.memref_slice %arg3[%squeeze3A_27, %dma_start3A_36] : memref<1000000x100xf32, #tpu.memory_space<hbm>> -> memref<1x100xf32, #tpu.memory_space<hbm>>
    tpu.enqueue_dma source(%dma_start3A_37 : memref<1x100xf32, #tpu.memory_space<hbm>>) target(%dma_start3A_35 : memref<1x100xf32, #tpu.memory_space<vmem>>) target_semaphore(%arg7 : memref<!tpu.dma_semaphore, #tpu.memory_space<semaphore_mem>>)
    %slice3A_38 = vector.extract_strided_slice %get3A_4 {offsets = [3], sizes = [1], strides = [1]} : vector<32xi32> to vector<1xi32>
    %squeeze3A_39 = vector.extract %slice3A_38[0] : i32 from vector<1xi32>
    %dma_start3A_40 = arith.constant 3 : i32
    %dma_start3A_41 = arith.constant 0 : i32
    %dma_start3A_42 = tpu.memref_slice %arg6[%dma_start3A_40, %dma_start3A_41] : memref<512x100xf32, #tpu.memory_space<vmem>> -> memref<1x100xf32, #tpu.memory_space<vmem>>
    %dma_start3A_43 = arith.constant 0 : i32
    %dma_start3A_44 = tpu.memref_slice %arg3[%squeeze3A_39, %dma_start3A_43] : memref<1000000x100xf32, #tpu.memory_space<hbm>> -> memref<1x100xf32, #tpu.memory_space<hbm>>
    %dma_start3A_45 = arith.constant 3 : i32
    %dma_start3A_46 = arith.constant 0 : i32
    %dma_start3A_47 = tpu.memref_slice %arg6[%dma_start3A_45, %dma_start3A_46] : memref<512x100xf32, #tpu.memory_space<vmem>> -> memref<1x100xf32, #tpu.memory_space<vmem>>
    %dma_start3A_48 = arith.constant 0 : i32
    %dma_start3A_49 = tpu.memref_slice %arg3[%squeeze3A_39, %dma_start3A_48] : memref<1000000x100xf32, #tpu.memory_space<hbm>> -> memref<1x100xf32, #tpu.memory_space<hbm>>
    tpu.enqueue_dma source(%dma_start3A_49 : memref<1x100xf32, #tpu.memory_space<hbm>>) target(%dma_start3A_47 : memref<1x100xf32, #tpu.memory_space<vmem>>) target_semaphore(%arg7 : memref<!tpu.dma_semaphore, #tpu.memory_space<semaphore_mem>>)
    %slice3A_50 = vector.extract_strided_slice %get3A_4 {offsets = [4], sizes = [1], strides = [1]} : vector<32xi32> to vector<1xi32>
    %squeeze3A_51 = vector.extract %slice3A_50[0] : i32 from vector<1xi32>
    %dma_start3A_52 = arith.constant 4 : i32
    %dma_start3A_53 = arith.constant 0 : i32
    %dma_start3A_54 = tpu.memref_slice %arg6[%dma_start3A_52, %dma_start3A_53] : memref<512x100xf32, #tpu.memory_space<vmem>> -> memref<1x100xf32, #tpu.memory_space<vmem>>
    %dma_start3A_55 = arith.constant 0 : i32
    %dma_start3A_56 = tpu.memref_slice %arg3[%squeeze3A_51, %dma_start3A_55] : memref<1000000x100xf32, #tpu.memory_space<hbm>> -> memref<1x100xf32, #tpu.memory_space<hbm>>
    %dma_start3A_57 = arith.constant 4 : i32
    %dma_start3A_58 = arith.constant 0 : i32
    %dma_start3A_59 = tpu.memref_slice %arg6[%dma_start3A_57, %dma_start3A_58] : memref<512x100xf32, #tpu.memory_space<vmem>> -> memref<1x100xf32, #tpu.memory_space<vmem>>
    %dma_start3A_60 = arith.constant 0 : i32
    %dma_start3A_61 = tpu.memref_slice %arg3[%squeeze3A_51, %dma_start3A_60] : memref<1000000x100xf32, #tpu.memory_space<hbm>> -> memref<1x100xf32, #tpu.memory_space<hbm>>
    tpu.enqueue_dma source(%dma_start3A_61 : memref<1x100xf32, #tpu.memory_space<hbm>>) target(%dma_start3A_59 : memref<1x100xf32, #tpu.memory_space<vmem>>) target_semaphore(%arg7 : memref<!tpu.dma_semaphore, #tpu.memory_space<semaphore_mem>>)
    %slice3A_62 = vector.extract_strided_slice %get3A_4 {offsets = [5], sizes = [1], strides = [1]} : vector<32xi32> to vector<1xi32>
    %squeeze3A_63 = vector.extract %slice3A_62[0] : i32 from vector<1xi32>
    %dma_start3A_64 = arith.constant 5 : i32
    %dma_start3A_65 = arith.constant 0 : i32
    %dma_start3A_66 = tpu.memref_slice %arg6[%dma_start3A_64, %dma_start3A_65] : memref<512x100xf32, #tpu.memory_space<vmem>> -> memref<1x100xf32, #tpu.memory_space<vmem>>
    %dma_start3A_67 = arith.constant 0 : i32
    %dma_start3A_68 = tpu.memref_slice %arg3[%squeeze3A_63, %dma_start3A_67] : memref<1000000x100xf32, #tpu.memory_space<hbm>> -> memref<1x100xf32, #tpu.memory_space<hbm>>
    %dma_start3A_69 = arith.constant 5 : i32
    %dma_start3A_70 = arith.constant 0 : i32
    %dma_start3A_71 = tpu.memref_slice %arg6[%dma_start3A_69, %dma_start3A_70] : memref<512x100xf32, #tpu.memory_space<vmem>> -> memref<1x100xf32, #tpu.memory_space<vmem>>
    %dma_start3A_72 = arith.constant 0 : i32
    %dma_start3A_73 = tpu.memref_slice %arg3[%squeeze3A_63, %dma_start3A_72] : memref<1000000x100xf32, #tpu.memory_space<hbm>> -> memref<1x100xf32, #tpu.memory_space<hbm>>
    tpu.enqueue_dma source(%dma_start3A_73 : memref<1x100xf32, #tpu.memory_space<hbm>>) target(%dma_start3A_71 : memref<1x100xf32, #tpu.memory_space<vmem>>) target_semaphore(%arg7 : memref<!tpu.dma_semaphore, #tpu.memory_space<semaphore_mem>>)
    %slice3A_74 = vector.extract_strided_slice %get3A_4 {offsets = [6], sizes = [1], strides = [1]} : vector<32xi32> to vector<1xi32>
    %squeeze3A_75 = vector.extract %slice3A_74[0] : i32 from vector<1xi32>
    %dma_start3A_76 = arith.constant 6 : i32
    %dma_start3A_77 = arith.constant 0 : i32
    %dma_start3A_78 = tpu.memref_slice %arg6[%dma_start3A_76, %dma_start3A_77] : memref<512x100xf32, #tpu.memory_space<vmem>> -> memref<1x100xf32, #tpu.memory_space<vmem>>
    %dma_start3A_79 = arith.constant 0 : i32
    %dma_start3A_80 = tpu.memref_slice %arg3[%squeeze3A_75, %dma_start3A_79] : memref<1000000x100xf32, #tpu.memory_space<hbm>> -> memref<1x100xf32, #tpu.memory_space<hbm>>
    %dma_start3A_81 = arith.constant 6 : i32
    %dma_start3A_82 = arith.constant 0 : i32
    %dma_start3A_83 = tpu.memref_slice %arg6[%dma_start3A_81, %dma_start3A_82] : memref<512x100xf32, #tpu.memory_space<vmem>> -> memref<1x100xf32, #tpu.memory_space<vmem>>
    %dma_start3A_84 = arith.constant 0 : i32
    %dma_start3A_85 = tpu.memref_slice %arg3[%squeeze3A_75, %dma_start3A_84] : memref<1000000x100xf32, #tpu.memory_space<hbm>> -> memref<1x100xf32, #tpu.memory_space<hbm>>
    tpu.enqueue_dma source(%dma_start3A_85 : memref<1x100xf32, #tpu.memory_space<hbm>>) target(%dma_start3A_83 : memref<1x100xf32, #tpu.memory_space<vmem>>) target_semaphore(%arg7 : memref<!tpu.dma_semaphore, #tpu.memory_space<semaphore_mem>>)
    %slice3A_86 = vector.extract_strided_slice %get3A_4 {offsets = [7], sizes = [1], strides = [1]} : vector<32xi32> to vector<1xi32>
    %squeeze3A_87 = vector.extract %slice3A_86[0] : i32 from vector<1xi32>
    %dma_start3A_88 = arith.constant 7 : i32
    %dma_start3A_89 = arith.constant 0 : i32
    %dma_start3A_90 = tpu.memref_slice %arg6[%dma_start3A_88, %dma_start3A_89] : memref<512x100xf32, #tpu.memory_space<vmem>> -> memref<1x100xf32, #tpu.memory_space<vmem>>
    %dma_start3A_91 = arith.constant 0 : i32
    %dma_start3A_92 = tpu.memref_slice %arg3[%squeeze3A_87, %dma_start3A_91] : memref<1000000x100xf32, #tpu.memory_space<hbm>> -> memref<1x100xf32, #tpu.memory_space<hbm>>
    %dma_start3A_93 = arith.constant 7 : i32
    %dma_start3A_94 = arith.constant 0 : i32
    %dma_start3A_95 = tpu.memref_slice %arg6[%dma_start3A_93, %dma_start3A_94] : memref<512x100xf32, #tpu.memory_space<vmem>> -> memref<1x100xf32, #tpu.memory_space<vmem>>
    %dma_start3A_96 = arith.constant 0 : i32
    %dma_start3A_97 = tpu.memref_slice %arg3[%squeeze3A_87, %dma_start3A_96] : memref<1000000x100xf32, #tpu.memory_space<hbm>> -> memref<1x100xf32, #tpu.memory_space<hbm>>
    tpu.enqueue_dma source(%dma_start3A_97 : memref<1x100xf32, #tpu.memory_space<hbm>>) target(%dma_start3A_95 : memref<1x100xf32, #tpu.memory_space<vmem>>) target_semaphore(%arg7 : memref<!tpu.dma_semaphore, #tpu.memory_space<semaphore_mem>>)
    %slice3A_98 = vector.extract_strided_slice %get3A_4 {offsets = [8], sizes = [1], strides = [1]} : vector<32xi32> to vector<1xi32>
    %squeeze3A_99 = vector.extract %slice3A_98[0] : i32 from vector<1xi32>
    %dma_start3A_100 = arith.constant 8 : i32
    %dma_start3A_101 = arith.constant 0 : i32
    %dma_start3A_102 = tpu.memref_slice %arg6[%dma_start3A_100, %dma_start3A_101] : memref<512x100xf32, #tpu.memory_space<vmem>> -> memref<1x100xf32, #tpu.memory_space<vmem>>
    %dma_start3A_103 = arith.constant 0 : i32
    %dma_start3A_104 = tpu.memref_slice %arg3[%squeeze3A_99, %dma_start3A_103] : memref<1000000x100xf32, #tpu.memory_space<hbm>> -> memref<1x100xf32, #tpu.memory_space<hbm>>
    %dma_start3A_105 = arith.constant 8 : i32
    %dma_start3A_106 = arith.constant 0 : i32
    %dma_start3A_107 = tpu.memref_slice %arg6[%dma_start3A_105, %dma_start3A_106] : memref<512x100xf32, #tpu.memory_space<vmem>> -> memref<1x100xf32, #tpu.memory_space<vmem>>
    %dma_start3A_108 = arith.constant 0 : i32
    %dma_start3A_109 = tpu.memref_slice %arg3[%squeeze3A_99, %dma_start3A_108] : memref<1000000x100xf32, #tpu.memory_space<hbm>> -> memref<1x100xf32, #tpu.memory_space<hbm>>
    tpu.enqueue_dma source(%dma_start3A_109 : memref<1x100xf32, #tpu.memory_space<hbm>>) target(%dma_start3A_107 : memref<1x100xf32, #tpu.memory_space<vmem>>) target_semaphore(%arg7 : memref<!tpu.dma_semaphore, #tpu.memory_space<semaphore_mem>>)
    %slice3A_110 = vector.extract_strided_slice %get3A_4 {offsets = [9], sizes = [1], strides = [1]} : vector<32xi32> to vector<1xi32>
    %squeeze3A_111 = vector.extract %slice3A_110[0] : i32 from vector<1xi32>
    %dma_start3A_112 = arith.constant 9 : i32
    %dma_start3A_113 = arith.constant 0 : i32
    %dma_start3A_114 = tpu.memref_slice %arg6[%dma_start3A_112, %dma_start3A_113] : memref<512x100xf32, #tpu.memory_space<vmem>> -> memref<1x100xf32, #tpu.memory_space<vmem>>
    %dma_start3A_115 = arith.constant 0 : i32
    %dma_start3A_116 = tpu.memref_slice %arg3[%squeeze3A_111, %dma_start3A_115] : memref<1000000x100xf32, #tpu.memory_space<hbm>> -> memref<1x100xf32, #tpu.memory_space<hbm>>
    %dma_start3A_117 = arith.constant 9 : i32
    %dma_start3A_118 = arith.constant 0 : i32
    %dma_start3A_119 = tpu.memref_slice %arg6[%dma_start3A_117, %dma_start3A_118] : memref<512x100xf32, #tpu.memory_space<vmem>> -> memref<1x100xf32, #tpu.memory_space<vmem>>
    %dma_start3A_120 = arith.constant 0 : i32
    %dma_start3A_121 = tpu.memref_slice %arg3[%squeeze3A_111, %dma_start3A_120] : memref<1000000x100xf32, #tpu.memory_space<hbm>> -> memref<1x100xf32, #tpu.memory_space<hbm>>
    tpu.enqueue_dma source(%dma_start3A_121 : memref<1x100xf32, #tpu.memory_space<hbm>>) target(%dma_start3A_119 : memref<1x100xf32, #tpu.memory_space<vmem>>) target_semaphore(%arg7 : memref<!tpu.dma_semaphore, #tpu.memory_space<semaphore_mem>>)
    %slice3A_122 = vector.extract_strided_slice %get3A_4 {offsets = [10], sizes = [1], strides = [1]} : vector<32xi32> to vector<1xi32>
    %squeeze3A_123 = vector.extract %slice3A_122[0] : i32 from vector<1xi32>
    %dma_start3A_124 = arith.constant 10 : i32
    %dma_start3A_125 = arith.constant 0 : i32
    %dma_start3A_126 = tpu.memref_slice %arg6[%dma_start3A_124, %dma_start3A_125] : memref<512x100xf32, #tpu.memory_space<vmem>> -> memref<1x100xf32, #tpu.memory_space<vmem>>
    %dma_start3A_127 = arith.constant 0 : i32
    %dma_start3A_128 = tpu.memref_slice %arg3[%squeeze3A_123, %dma_start3A_127] : memref<1000000x100xf32, #tpu.memory_space<hbm>> -> memref<1x100xf32, #tpu.memory_space<hbm>>
    %dma_start3A_129 = arith.constant 10 : i32
    %dma_start3A_130 = arith.constant 0 : i32
    %dma_start3A_131 = tpu.memref_slice %arg6[%dma_start3A_129, %dma_start3A_130] : memref<512x100xf32, #tpu.memory_space<vmem>> -> memref<1x100xf32, #tpu.memory_space<vmem>>
    %dma_start3A_132 = arith.constant 0 : i32
    %dma_start3A_133 = tpu.memref_slice %arg3[%squeeze3A_123, %dma_start3A_132] : memref<1000000x100xf32, #tpu.memory_space<hbm>> -> memref<1x100xf32, #tpu.memory_space<hbm>>
    tpu.enqueue_dma source(%dma_start3A_133 : memref<1x100xf32, #tpu.memory_space<hbm>>) target(%dma_start3A_131 : memref<1x100xf32, #tpu.memory_space<vmem>>) target_semaphore(%arg7 : memref<!tpu.dma_semaphore, #tpu.memory_space<semaphore_mem>>)
    %slice3A_134 = vector.extract_strided_slice %get3A_4 {offsets = [11], sizes = [1], strides = [1]} : vector<32xi32> to vector<1xi32>
    %squeeze3A_135 = vector.extract %slice3A_134[0] : i32 from vector<1xi32>
    %dma_start3A_136 = arith.constant 11 : i32
    %dma_start3A_137 = arith.constant 0 : i32
    %dma_start3A_138 = tpu.memref_slice %arg6[%dma_start3A_136, %dma_start3A_137] : memref<512x100xf32, #tpu.memory_space<vmem>> -> memref<1x100xf32, #tpu.memory_space<vmem>>
    %dma_start3A_139 = arith.constant 0 : i32
    %dma_start3A_140 = tpu.memref_slice %arg3[%squeeze3A_135, %dma_start3A_139] : memref<1000000x100xf32, #tpu.memory_space<hbm>> -> memref<1x100xf32, #tpu.memory_space<hbm>>
    %dma_start3A_141 = arith.constant 11 : i32
    %dma_start3A_142 = arith.constant 0 : i32
    %dma_start3A_143 = tpu.memref_slice %arg6[%dma_start3A_141, %dma_start3A_142] : memref<512x100xf32, #tpu.memory_space<vmem>> -> memref<1x100xf32, #tpu.memory_space<vmem>>
    %dma_start3A_144 = arith.constant 0 : i32
    %dma_start3A_145 = tpu.memref_slice %arg3[%squeeze3A_135, %dma_start3A_144] : memref<1000000x100xf32, #tpu.memory_space<hbm>> -> memref<1x100xf32, #tpu.memory_space<hbm>>
    tpu.enqueue_dma source(%dma_start3A_145 : memref<1x100xf32, #tpu.memory_space<hbm>>) target(%dma_start3A_143 : memref<1x100xf32, #tpu.memory_space<vmem>>) target_semaphore(%arg7 : memref<!tpu.dma_semaphore, #tpu.memory_space<semaphore_mem>>)
    %slice3A_146 = vector.extract_strided_slice %get3A_4 {offsets = [12], sizes = [1], strides = [1]} : vector<32xi32> to vector<1xi32>
    %squeeze3A_147 = vector.extract %slice3A_146[0] : i32 from vector<1xi32>
    %dma_start3A_148 = arith.constant 12 : i32
    %dma_start3A_149 = arith.constant 0 : i32
    %dma_start3A_150 = tpu.memref_slice %arg6[%dma_start3A_148, %dma_start3A_149] : memref<512x100xf32, #tpu.memory_space<vmem>> -> memref<1x100xf32, #tpu.memory_space<vmem>>
    %dma_start3A_151 = arith.constant 0 : i32
    %dma_start3A_152 = tpu.memref_slice %arg3[%squeeze3A_147, %dma_start3A_151] : memref<1000000x100xf32, #tpu.memory_space<hbm>> -> memref<1x100xf32, #tpu.memory_space<hbm>>
    %dma_start3A_153 = arith.constant 12 : i32
    %dma_start3A_154 = arith.constant 0 : i32
    %dma_start3A_155 = tpu.memref_slice %arg6[%dma_start3A_153, %dma_start3A_154] : memref<512x100xf32, #tpu.memory_space<vmem>> -> memref<1x100xf32, #tpu.memory_space<vmem>>
    %dma_start3A_156 = arith.constant 0 : i32
    %dma_start3A_157 = tpu.memref_slice %arg3[%squeeze3A_147, %dma_start3A_156] : memref<1000000x100xf32, #tpu.memory_space<hbm>> -> memref<1x100xf32, #tpu.memory_space<hbm>>
    tpu.enqueue_dma source(%dma_start3A_157 : memref<1x100xf32, #tpu.memory_space<hbm>>) target(%dma_start3A_155 : memref<1x100xf32, #tpu.memory_space<vmem>>) target_semaphore(%arg7 : memref<!tpu.dma_semaphore, #tpu.memory_space<semaphore_mem>>)
    %slice3A_158 = vector.extract_strided_slice %get3A_4 {offsets = [13], sizes = [1], strides = [1]} : vector<32xi32> to vector<1xi32>
    %squeeze3A_159 = vector.extract %slice3A_158[0] : i32 from vector<1xi32>
    %dma_start3A_160 = arith.constant 13 : i32
    %dma_start3A_161 = arith.constant 0 : i32
    %dma_start3A_162 = tpu.memref_slice %arg6[%dma_start3A_160, %dma_start3A_161] : memref<512x100xf32, #tpu.memory_space<vmem>> -> memref<1x100xf32, #tpu.memory_space<vmem>>
    %dma_start3A_163 = arith.constant 0 : i32
    %dma_start3A_164 = tpu.memref_slice %arg3[%squeeze3A_159, %dma_start3A_163] : memref<1000000x100xf32, #tpu.memory_space<hbm>> -> memref<1x100xf32, #tpu.memory_space<hbm>>
    %dma_start3A_165 = arith.constant 13 : i32
    %dma_start3A_166 = arith.constant 0 : i32
    %dma_start3A_167 = tpu.memref_slice %arg6[%dma_start3A_165, %dma_start3A_166] : memref<512x100xf32, #tpu.memory_space<vmem>> -> memref<1x100xf32, #tpu.memory_space<vmem>>
    %dma_start3A_168 = arith.constant 0 : i32
    %dma_start3A_169 = tpu.memref_slice %arg3[%squeeze3A_159, %dma_start3A_168] : memref<1000000x100xf32, #tpu.memory_space<hbm>> -> memref<1x100xf32, #tpu.memory_space<hbm>>
    tpu.enqueue_dma source(%dma_start3A_169 : memref<1x100xf32, #tpu.memory_space<hbm>>) target(%dma_start3A_167 : memref<1x100xf32, #tpu.memory_space<vmem>>) target_semaphore(%arg7 : memref<!tpu.dma_semaphore, #tpu.memory_space<semaphore_mem>>)
    %slice3A_170 = vector.extract_strided_slice %get3A_4 {offsets = [14], sizes = [1], strides = [1]} : vector<32xi32> to vector<1xi32>
    %squeeze3A_171 = vector.extract %slice3A_170[0] : i32 from vector<1xi32>
    %dma_start3A_172 = arith.constant 14 : i32
    %dma_start3A_173 = arith.constant 0 : i32
    %dma_start3A_174 = tpu.memref_slice %arg6[%dma_start3A_172, %dma_start3A_173] : memref<512x100xf32, #tpu.memory_space<vmem>> -> memref<1x100xf32, #tpu.memory_space<vmem>>
    %dma_start3A_175 = arith.constant 0 : i32
    %dma_start3A_176 = tpu.memref_slice %arg3[%squeeze3A_171, %dma_start3A_175] : memref<1000000x100xf32, #tpu.memory_space<hbm>> -> memref<1x100xf32, #tpu.memory_space<hbm>>
    %dma_start3A_177 = arith.constant 14 : i32
    %dma_start3A_178 = arith.constant 0 : i32
    %dma_start3A_179 = tpu.memref_slice %arg6[%dma_start3A_177, %dma_start3A_178] : memref<512x100xf32, #tpu.memory_space<vmem>> -> memref<1x100xf32, #tpu.memory_space<vmem>>
    %dma_start3A_180 = arith.constant 0 : i32
    %dma_start3A_181 = tpu.memref_slice %arg3[%squeeze3A_171, %dma_start3A_180] : memref<1000000x100xf32, #tpu.memory_space<hbm>> -> memref<1x100xf32, #tpu.memory_space<hbm>>
    tpu.enqueue_dma source(%dma_start3A_181 : memref<1x100xf32, #tpu.memory_space<hbm>>) target(%dma_start3A_179 : memref<1x100xf32, #tpu.memory_space<vmem>>) target_semaphore(%arg7 : memref<!tpu.dma_semaphore, #tpu.memory_space<semaphore_mem>>)
    %slice3A_182 = vector.extract_strided_slice %get3A_4 {offsets = [15], sizes = [1], strides = [1]} : vector<32xi32> to vector<1xi32>
    %squeeze3A_183 = vector.extract %slice3A_182[0] : i32 from vector<1xi32>
    %dma_start3A_184 = arith.constant 15 : i32
    %dma_start3A_185 = arith.constant 0 : i32
    %dma_start3A_186 = tpu.memref_slice %arg6[%dma_start3A_184, %dma_start3A_185] : memref<512x100xf32, #tpu.memory_space<vmem>> -> memref<1x100xf32, #tpu.memory_space<vmem>>
    %dma_start3A_187 = arith.constant 0 : i32
    %dma_start3A_188 = tpu.memref_slice %arg3[%squeeze3A_183, %dma_start3A_187] : memref<1000000x100xf32, #tpu.memory_space<hbm>> -> memref<1x100xf32, #tpu.memory_space<hbm>>
    %dma_start3A_189 = arith.constant 15 : i32
    %dma_start3A_190 = arith.constant 0 : i32
    %dma_start3A_191 = tpu.memref_slice %arg6[%dma_start3A_189, %dma_start3A_190] : memref<512x100xf32, #tpu.memory_space<vmem>> -> memref<1x100xf32, #tpu.memory_space<vmem>>
    %dma_start3A_192 = arith.constant 0 : i32
    %dma_start3A_193 = tpu.memref_slice %arg3[%squeeze3A_183, %dma_start3A_192] : memref<1000000x100xf32, #tpu.memory_space<hbm>> -> memref<1x100xf32, #tpu.memory_space<hbm>>
    tpu.enqueue_dma source(%dma_start3A_193 : memref<1x100xf32, #tpu.memory_space<hbm>>) target(%dma_start3A_191 : memref<1x100xf32, #tpu.memory_space<vmem>>) target_semaphore(%arg7 : memref<!tpu.dma_semaphore, #tpu.memory_space<semaphore_mem>>)
    %slice3A_194 = vector.extract_strided_slice %get3A_4 {offsets = [16], sizes = [1], strides = [1]} : vector<32xi32> to vector<1xi32>
    %squeeze3A_195 = vector.extract %slice3A_194[0] : i32 from vector<1xi32>
    %dma_start3A_196 = arith.constant 16 : i32
    %dma_start3A_197 = arith.constant 0 : i32
    %dma_start3A_198 = tpu.memref_slice %arg6[%dma_start3A_196, %dma_start3A_197] : memref<512x100xf32, #tpu.memory_space<vmem>> -> memref<1x100xf32, #tpu.memory_space<vmem>>
    %dma_start3A_199 = arith.constant 0 : i32
    %dma_start3A_200 = tpu.memref_slice %arg3[%squeeze3A_195, %dma_start3A_199] : memref<1000000x100xf32, #tpu.memory_space<hbm>> -> memref<1x100xf32, #tpu.memory_space<hbm>>
    %dma_start3A_201 = arith.constant 16 : i32
    %dma_start3A_202 = arith.constant 0 : i32
    %dma_start3A_203 = tpu.memref_slice %arg6[%dma_start3A_201, %dma_start3A_202] : memref<512x100xf32, #tpu.memory_space<vmem>> -> memref<1x100xf32, #tpu.memory_space<vmem>>
    %dma_start3A_204 = arith.constant 0 : i32
    %dma_start3A_205 = tpu.memref_slice %arg3[%squeeze3A_195, %dma_start3A_204] : memref<1000000x100xf32, #tpu.memory_space<hbm>> -> memref<1x100xf32, #tpu.memory_space<hbm>>
    tpu.enqueue_dma source(%dma_start3A_205 : memref<1x100xf32, #tpu.memory_space<hbm>>) target(%dma_start3A_203 : memref<1x100xf32, #tpu.memory_space<vmem>>) target_semaphore(%arg7 : memref<!tpu.dma_semaphore, #tpu.memory_space<semaphore_mem>>)
    %slice3A_206 = vector.extract_strided_slice %get3A_4 {offsets = [17], sizes = [1], strides = [1]} : vector<32xi32> to vector<1xi32>
    %squeeze3A_207 = vector.extract %slice3A_206[0] : i32 from vector<1xi32>
    %dma_start3A_208 = arith.constant 17 : i32
    %dma_start3A_209 = arith.constant 0 : i32
    %dma_start3A_210 = tpu.memref_slice %arg6[%dma_start3A_208, %dma_start3A_209] : memref<512x100xf32, #tpu.memory_space<vmem>> -> memref<1x100xf32, #tpu.memory_space<vmem>>
    %dma_start3A_211 = arith.constant 0 : i32
    %dma_start3A_212 = tpu.memref_slice %arg3[%squeeze3A_207, %dma_start3A_211] : memref<1000000x100xf32, #tpu.memory_space<hbm>> -> memref<1x100xf32, #tpu.memory_space<hbm>>
    %dma_start3A_213 = arith.constant 17 : i32
    %dma_start3A_214 = arith.constant 0 : i32
    %dma_start3A_215 = tpu.memref_slice %arg6[%dma_start3A_213, %dma_start3A_214] : memref<512x100xf32, #tpu.memory_space<vmem>> -> memref<1x100xf32, #tpu.memory_space<vmem>>
    %dma_start3A_216 = arith.constant 0 : i32
    %dma_start3A_217 = tpu.memref_slice %arg3[%squeeze3A_207, %dma_start3A_216] : memref<1000000x100xf32, #tpu.memory_space<hbm>> -> memref<1x100xf32, #tpu.memory_space<hbm>>
    tpu.enqueue_dma source(%dma_start3A_217 : memref<1x100xf32, #tpu.memory_space<hbm>>) target(%dma_start3A_215 : memref<1x100xf32, #tpu.memory_space<vmem>>) target_semaphore(%arg7 : memref<!tpu.dma_semaphore, #tpu.memory_space<semaphore_mem>>)
    %slice3A_218 = vector.extract_strided_slice %get3A_4 {offsets = [18], sizes = [1], strides = [1]} : vector<32xi32> to vector<1xi32>
    %squeeze3A_219 = vector.extract %slice3A_218[0] : i32 from vector<1xi32>
    %dma_start3A_220 = arith.constant 18 : i32
    %dma_start3A_221 = arith.constant 0 : i32
    %dma_start3A_222 = tpu.memref_slice %arg6[%dma_start3A_220, %dma_start3A_221] : memref<512x100xf32, #tpu.memory_space<vmem>> -> memref<1x100xf32, #tpu.memory_space<vmem>>
    %dma_start3A_223 = arith.constant 0 : i32
    %dma_start3A_224 = tpu.memref_slice %arg3[%squeeze3A_219, %dma_start3A_223] : memref<1000000x100xf32, #tpu.memory_space<hbm>> -> memref<1x100xf32, #tpu.memory_space<hbm>>
    %dma_start3A_225 = arith.constant 18 : i32
    %dma_start3A_226 = arith.constant 0 : i32
    %dma_start3A_227 = tpu.memref_slice %arg6[%dma_start3A_225, %dma_start3A_226] : memref<512x100xf32, #tpu.memory_space<vmem>> -> memref<1x100xf32, #tpu.memory_space<vmem>>
    %dma_start3A_228 = arith.constant 0 : i32
    %dma_start3A_229 = tpu.memref_slice %arg3[%squeeze3A_219, %dma_start3A_228] : memref<1000000x100xf32, #tpu.memory_space<hbm>> -> memref<1x100xf32, #tpu.memory_space<hbm>>
    tpu.enqueue_dma source(%dma_start3A_229 : memref<1x100xf32, #tpu.memory_space<hbm>>) target(%dma_start3A_227 : memref<1x100xf32, #tpu.memory_space<vmem>>) target_semaphore(%arg7 : memref<!tpu.dma_semaphore, #tpu.memory_space<semaphore_mem>>)
    %slice3A_230 = vector.extract_strided_slice %get3A_4 {offsets = [19], sizes = [1], strides = [1]} : vector<32xi32> to vector<1xi32>
    %squeeze3A_231 = vector.extract %slice3A_230[0] : i32 from vector<1xi32>
    %dma_start3A_232 = arith.constant 19 : i32
    %dma_start3A_233 = arith.constant 0 : i32
    %dma_start3A_234 = tpu.memref_slice %arg6[%dma_start3A_232, %dma_start3A_233] : memref<512x100xf32, #tpu.memory_space<vmem>> -> memref<1x100xf32, #tpu.memory_space<vmem>>
    %dma_start3A_235 = arith.constant 0 : i32
    %dma_start3A_236 = tpu.memref_slice %arg3[%squeeze3A_231, %dma_start3A_235] : memref<1000000x100xf32, #tpu.memory_space<hbm>> -> memref<1x100xf32, #tpu.memory_space<hbm>>
    %dma_start3A_237 = arith.constant 19 : i32
    %dma_start3A_238 = arith.constant 0 : i32
    %dma_start3A_239 = tpu.memref_slice %arg6[%dma_start3A_237, %dma_start3A_238] : memref<512x100xf32, #tpu.memory_space<vmem>> -> memref<1x100xf32, #tpu.memory_space<vmem>>
    %dma_start3A_240 = arith.constant 0 : i32
    %dma_start3A_241 = tpu.memref_slice %arg3[%squeeze3A_231, %dma_start3A_240] : memref<1000000x100xf32, #tpu.memory_space<hbm>> -> memref<1x100xf32, #tpu.memory_space<hbm>>
    tpu.enqueue_dma source(%dma_start3A_241 : memref<1x100xf32, #tpu.memory_space<hbm>>) target(%dma_start3A_239 : memref<1x100xf32, #tpu.memory_space<vmem>>) target_semaphore(%arg7 : memref<!tpu.dma_semaphore, #tpu.memory_space<semaphore_mem>>)
    %slice3A_242 = vector.extract_strided_slice %get3A_4 {offsets = [20], sizes = [1], strides = [1]} : vector<32xi32> to vector<1xi32>
    %squeeze3A_243 = vector.extract %slice3A_242[0] : i32 from vector<1xi32>
    %dma_start3A_244 = arith.constant 20 : i32
    %dma_start3A_245 = arith.constant 0 : i32
    %dma_start3A_246 = tpu.memref_slice %arg6[%dma_start3A_244, %dma_start3A_245] : memref<512x100xf32, #tpu.memory_space<vmem>> -> memref<1x100xf32, #tpu.memory_space<vmem>>
    %dma_start3A_247 = arith.constant 0 : i32
    %dma_start3A_248 = tpu.memref_slice %arg3[%squeeze3A_243, %dma_start3A_247] : memref<1000000x100xf32, #tpu.memory_space<hbm>> -> memref<1x100xf32, #tpu.memory_space<hbm>>
    %dma_start3A_249 = arith.constant 20 : i32
    %dma_start3A_250 = arith.constant 0 : i32
    %dma_start3A_251 = tpu.memref_slice %arg6[%dma_start3A_249, %dma_start3A_250] : memref<512x100xf32, #tpu.memory_space<vmem>> -> memref<1x100xf32, #tpu.memory_space<vmem>>
    %dma_start3A_252 = arith.constant 0 : i32
    %dma_start3A_253 = tpu.memref_slice %arg3[%squeeze3A_243, %dma_start3A_252] : memref<1000000x100xf32, #tpu.memory_space<hbm>> -> memref<1x100xf32, #tpu.memory_space<hbm>>
    tpu.enqueue_dma source(%dma_start3A_253 : memref<1x100xf32, #tpu.memory_space<hbm>>) target(%dma_start3A_251 : memref<1x100xf32, #tpu.memory_space<vmem>>) target_semaphore(%arg7 : memref<!tpu.dma_semaphore, #tpu.memory_space<semaphore_mem>>)
    %slice3A_254 = vector.extract_strided_slice %get3A_4 {offsets = [21], sizes = [1], strides = [1]} : vector<32xi32> to vector<1xi32>
    %squeeze3A_255 = vector.extract %slice3A_254[0] : i32 from vector<1xi32>
    %dma_start3A_256 = arith.constant 21 : i32
    %dma_start3A_257 = arith.constant 0 : i32
    %dma_start3A_258 = tpu.memref_slice %arg6[%dma_start3A_256, %dma_start3A_257] : memref<512x100xf32, #tpu.memory_space<vmem>> -> memref<1x100xf32, #tpu.memory_space<vmem>>
    %dma_start3A_259 = arith.constant 0 : i32
    %dma_start3A_260 = tpu.memref_slice %arg3[%squeeze3A_255, %dma_start3A_259] : memref<1000000x100xf32, #tpu.memory_space<hbm>> -> memref<1x100xf32, #tpu.memory_space<hbm>>
    %dma_start3A_261 = arith.constant 21 : i32
    %dma_start3A_262 = arith.constant 0 : i32
    %dma_start3A_263 = tpu.memref_slice %arg6[%dma_start3A_261, %dma_start3A_262] : memref<512x100xf32, #tpu.memory_space<vmem>> -> memref<1x100xf32, #tpu.memory_space<vmem>>
    %dma_start3A_264 = arith.constant 0 : i32
    %dma_start3A_265 = tpu.memref_slice %arg3[%squeeze3A_255, %dma_start3A_264] : memref<1000000x100xf32, #tpu.memory_space<hbm>> -> memref<1x100xf32, #tpu.memory_space<hbm>>
    tpu.enqueue_dma source(%dma_start3A_265 : memref<1x100xf32, #tpu.memory_space<hbm>>) target(%dma_start3A_263 : memref<1x100xf32, #tpu.memory_space<vmem>>) target_semaphore(%arg7 : memref<!tpu.dma_semaphore, #tpu.memory_space<semaphore_mem>>)
    %slice3A_266 = vector.extract_strided_slice %get3A_4 {offsets = [22], sizes = [1], strides = [1]} : vector<32xi32> to vector<1xi32>
    %squeeze3A_267 = vector.extract %slice3A_266[0] : i32 from vector<1xi32>
    %dma_start3A_268 = arith.constant 22 : i32
    %dma_start3A_269 = arith.constant 0 : i32
    %dma_start3A_270 = tpu.memref_slice %arg6[%dma_start3A_268, %dma_start3A_269] : memref<512x100xf32, #tpu.memory_space<vmem>> -> memref<1x100xf32, #tpu.memory_space<vmem>>
    %dma_start3A_271 = arith.constant 0 : i32
    %dma_start3A_272 = tpu.memref_slice %arg3[%squeeze3A_267, %dma_start3A_271] : memref<1000000x100xf32, #tpu.memory_space<hbm>> -> memref<1x100xf32, #tpu.memory_space<hbm>>
    %dma_start3A_273 = arith.constant 22 : i32
    %dma_start3A_274 = arith.constant 0 : i32
    %dma_start3A_275 = tpu.memref_slice %arg6[%dma_start3A_273, %dma_start3A_274] : memref<512x100xf32, #tpu.memory_space<vmem>> -> memref<1x100xf32, #tpu.memory_space<vmem>>
    %dma_start3A_276 = arith.constant 0 : i32
    %dma_start3A_277 = tpu.memref_slice %arg3[%squeeze3A_267, %dma_start3A_276] : memref<1000000x100xf32, #tpu.memory_space<hbm>> -> memref<1x100xf32, #tpu.memory_space<hbm>>
    tpu.enqueue_dma source(%dma_start3A_277 : memref<1x100xf32, #tpu.memory_space<hbm>>) target(%dma_start3A_275 : memref<1x100xf32, #tpu.memory_space<vmem>>) target_semaphore(%arg7 : memref<!tpu.dma_semaphore, #tpu.memory_space<semaphore_mem>>)
    %slice3A_278 = vector.extract_strided_slice %get3A_4 {offsets = [23], sizes = [1], strides = [1]} : vector<32xi32> to vector<1xi32>
    %squeeze3A_279 = vector.extract %slice3A_278[0] : i32 from vector<1xi32>
    %dma_start3A_280 = arith.constant 23 : i32
    %dma_start3A_281 = arith.constant 0 : i32
    %dma_start3A_282 = tpu.memref_slice %arg6[%dma_start3A_280, %dma_start3A_281] : memref<512x100xf32, #tpu.memory_space<vmem>> -> memref<1x100xf32, #tpu.memory_space<vmem>>
    %dma_start3A_283 = arith.constant 0 : i32
    %dma_start3A_284 = tpu.memref_slice %arg3[%squeeze3A_279, %dma_start3A_283] : memref<1000000x100xf32, #tpu.memory_space<hbm>> -> memref<1x100xf32, #tpu.memory_space<hbm>>
    %dma_start3A_285 = arith.constant 23 : i32
    %dma_start3A_286 = arith.constant 0 : i32
    %dma_start3A_287 = tpu.memref_slice %arg6[%dma_start3A_285, %dma_start3A_286] : memref<512x100xf32, #tpu.memory_space<vmem>> -> memref<1x100xf32, #tpu.memory_space<vmem>>
    %dma_start3A_288 = arith.constant 0 : i32
    %dma_start3A_289 = tpu.memref_slice %arg3[%squeeze3A_279, %dma_start3A_288] : memref<1000000x100xf32, #tpu.memory_space<hbm>> -> memref<1x100xf32, #tpu.memory_space<hbm>>
    tpu.enqueue_dma source(%dma_start3A_289 : memref<1x100xf32, #tpu.memory_space<hbm>>) target(%dma_start3A_287 : memref<1x100xf32, #tpu.memory_space<vmem>>) target_semaphore(%arg7 : memref<!tpu.dma_semaphore, #tpu.memory_space<semaphore_mem>>)
    %slice3A_290 = vector.extract_strided_slice %get3A_4 {offsets = [24], sizes = [1], strides = [1]} : vector<32xi32> to vector<1xi32>
    %squeeze3A_291 = vector.extract %slice3A_290[0] : i32 from vector<1xi32>
    %dma_start3A_292 = arith.constant 24 : i32
    %dma_start3A_293 = arith.constant 0 : i32
    %dma_start3A_294 = tpu.memref_slice %arg6[%dma_start3A_292, %dma_start3A_293] : memref<512x100xf32, #tpu.memory_space<vmem>> -> memref<1x100xf32, #tpu.memory_space<vmem>>
    %dma_start3A_295 = arith.constant 0 : i32
    %dma_start3A_296 = tpu.memref_slice %arg3[%squeeze3A_291, %dma_start3A_295] : memref<1000000x100xf32, #tpu.memory_space<hbm>> -> memref<1x100xf32, #tpu.memory_space<hbm>>
    %dma_start3A_297 = arith.constant 24 : i32
    %dma_start3A_298 = arith.constant 0 : i32
    %dma_start3A_299 = tpu.memref_slice %arg6[%dma_start3A_297, %dma_start3A_298] : memref<512x100xf32, #tpu.memory_space<vmem>> -> memref<1x100xf32, #tpu.memory_space<vmem>>
    %dma_start3A_300 = arith.constant 0 : i32
    %dma_start3A_301 = tpu.memref_slice %arg3[%squeeze3A_291, %dma_start3A_300] : memref<1000000x100xf32, #tpu.memory_space<hbm>> -> memref<1x100xf32, #tpu.memory_space<hbm>>
    tpu.enqueue_dma source(%dma_start3A_301 : memref<1x100xf32, #tpu.memory_space<hbm>>) target(%dma_start3A_299 : memref<1x100xf32, #tpu.memory_space<vmem>>) target_semaphore(%arg7 : memref<!tpu.dma_semaphore, #tpu.memory_space<semaphore_mem>>)
    %slice3A_302 = vector.extract_strided_slice %get3A_4 {offsets = [25], sizes = [1], strides = [1]} : vector<32xi32> to vector<1xi32>
    %squeeze3A_303 = vector.extract %slice3A_302[0] : i32 from vector<1xi32>
    %dma_start3A_304 = arith.constant 25 : i32
    %dma_start3A_305 = arith.constant 0 : i32
    %dma_start3A_306 = tpu.memref_slice %arg6[%dma_start3A_304, %dma_start3A_305] : memref<512x100xf32, #tpu.memory_space<vmem>> -> memref<1x100xf32, #tpu.memory_space<vmem>>
    %dma_start3A_307 = arith.constant 0 : i32
    %dma_start3A_308 = tpu.memref_slice %arg3[%squeeze3A_303, %dma_start3A_307] : memref<1000000x100xf32, #tpu.memory_space<hbm>> -> memref<1x100xf32, #tpu.memory_space<hbm>>
    %dma_start3A_309 = arith.constant 25 : i32
    %dma_start3A_310 = arith.constant 0 : i32
    %dma_start3A_311 = tpu.memref_slice %arg6[%dma_start3A_309, %dma_start3A_310] : memref<512x100xf32, #tpu.memory_space<vmem>> -> memref<1x100xf32, #tpu.memory_space<vmem>>
    %dma_start3A_312 = arith.constant 0 : i32
    %dma_start3A_313 = tpu.memref_slice %arg3[%squeeze3A_303, %dma_start3A_312] : memref<1000000x100xf32, #tpu.memory_space<hbm>> -> memref<1x100xf32, #tpu.memory_space<hbm>>
    tpu.enqueue_dma source(%dma_start3A_313 : memref<1x100xf32, #tpu.memory_space<hbm>>) target(%dma_start3A_311 : memref<1x100xf32, #tpu.memory_space<vmem>>) target_semaphore(%arg7 : memref<!tpu.dma_semaphore, #tpu.memory_space<semaphore_mem>>)
    %slice3A_314 = vector.extract_strided_slice %get3A_4 {offsets = [26], sizes = [1], strides = [1]} : vector<32xi32> to vector<1xi32>
    %squeeze3A_315 = vector.extract %slice3A_314[0] : i32 from vector<1xi32>
    %dma_start3A_316 = arith.constant 26 : i32
    %dma_start3A_317 = arith.constant 0 : i32
    %dma_start3A_318 = tpu.memref_slice %arg6[%dma_start3A_316, %dma_start3A_317] : memref<512x100xf32, #tpu.memory_space<vmem>> -> memref<1x100xf32, #tpu.memory_space<vmem>>
    %dma_start3A_319 = arith.constant 0 : i32
    %dma_start3A_320 = tpu.memref_slice %arg3[%squeeze3A_315, %dma_start3A_319] : memref<1000000x100xf32, #tpu.memory_space<hbm>> -> memref<1x100xf32, #tpu.memory_space<hbm>>
    %dma_start3A_321 = arith.constant 26 : i32
    %dma_start3A_322 = arith.constant 0 : i32
    %dma_start3A_323 = tpu.memref_slice %arg6[%dma_start3A_321, %dma_start3A_322] : memref<512x100xf32, #tpu.memory_space<vmem>> -> memref<1x100xf32, #tpu.memory_space<vmem>>
    %dma_start3A_324 = arith.constant 0 : i32
    %dma_start3A_325 = tpu.memref_slice %arg3[%squeeze3A_315, %dma_start3A_324] : memref<1000000x100xf32, #tpu.memory_space<hbm>> -> memref<1x100xf32, #tpu.memory_space<hbm>>
    tpu.enqueue_dma source(%dma_start3A_325 : memref<1x100xf32, #tpu.memory_space<hbm>>) target(%dma_start3A_323 : memref<1x100xf32, #tpu.memory_space<vmem>>) target_semaphore(%arg7 : memref<!tpu.dma_semaphore, #tpu.memory_space<semaphore_mem>>)
    %slice3A_326 = vector.extract_strided_slice %get3A_4 {offsets = [27], sizes = [1], strides = [1]} : vector<32xi32> to vector<1xi32>
    %squeeze3A_327 = vector.extract %slice3A_326[0] : i32 from vector<1xi32>
    %dma_start3A_328 = arith.constant 27 : i32
    %dma_start3A_329 = arith.constant 0 : i32
    %dma_start3A_330 = tpu.memref_slice %arg6[%dma_start3A_328, %dma_start3A_329] : memref<512x100xf32, #tpu.memory_space<vmem>> -> memref<1x100xf32, #tpu.memory_space<vmem>>
    %dma_start3A_331 = arith.constant 0 : i32
    %dma_start3A_332 = tpu.memref_slice %arg3[%squeeze3A_327, %dma_start3A_331] : memref<1000000x100xf32, #tpu.memory_space<hbm>> -> memref<1x100xf32, #tpu.memory_space<hbm>>
    %dma_start3A_333 = arith.constant 27 : i32
    %dma_start3A_334 = arith.constant 0 : i32
    %dma_start3A_335 = tpu.memref_slice %arg6[%dma_start3A_333, %dma_start3A_334] : memref<512x100xf32, #tpu.memory_space<vmem>> -> memref<1x100xf32, #tpu.memory_space<vmem>>
    %dma_start3A_336 = arith.constant 0 : i32
    %dma_start3A_337 = tpu.memref_slice %arg3[%squeeze3A_327, %dma_start3A_336] : memref<1000000x100xf32, #tpu.memory_space<hbm>> -> memref<1x100xf32, #tpu.memory_space<hbm>>
    tpu.enqueue_dma source(%dma_start3A_337 : memref<1x100xf32, #tpu.memory_space<hbm>>) target(%dma_start3A_335 : memref<1x100xf32, #tpu.memory_space<vmem>>) target_semaphore(%arg7 : memref<!tpu.dma_semaphore, #tpu.memory_space<semaphore_mem>>)
    %slice3A_338 = vector.extract_strided_slice %get3A_4 {offsets = [28], sizes = [1], strides = [1]} : vector<32xi32> to vector<1xi32>
    %squeeze3A_339 = vector.extract %slice3A_338[0] : i32 from vector<1xi32>
    %dma_start3A_340 = arith.constant 28 : i32
    %dma_start3A_341 = arith.constant 0 : i32
    %dma_start3A_342 = tpu.memref_slice %arg6[%dma_start3A_340, %dma_start3A_341] : memref<512x100xf32, #tpu.memory_space<vmem>> -> memref<1x100xf32, #tpu.memory_space<vmem>>
    %dma_start3A_343 = arith.constant 0 : i32
    %dma_start3A_344 = tpu.memref_slice %arg3[%squeeze3A_339, %dma_start3A_343] : memref<1000000x100xf32, #tpu.memory_space<hbm>> -> memref<1x100xf32, #tpu.memory_space<hbm>>
    %dma_start3A_345 = arith.constant 28 : i32
    %dma_start3A_346 = arith.constant 0 : i32
    %dma_start3A_347 = tpu.memref_slice %arg6[%dma_start3A_345, %dma_start3A_346] : memref<512x100xf32, #tpu.memory_space<vmem>> -> memref<1x100xf32, #tpu.memory_space<vmem>>
    %dma_start3A_348 = arith.constant 0 : i32
    %dma_start3A_349 = tpu.memref_slice %arg3[%squeeze3A_339, %dma_start3A_348] : memref<1000000x100xf32, #tpu.memory_space<hbm>> -> memref<1x100xf32, #tpu.memory_space<hbm>>
    tpu.enqueue_dma source(%dma_start3A_349 : memref<1x100xf32, #tpu.memory_space<hbm>>) target(%dma_start3A_347 : memref<1x100xf32, #tpu.memory_space<vmem>>) target_semaphore(%arg7 : memref<!tpu.dma_semaphore, #tpu.memory_space<semaphore_mem>>)
    %slice3A_350 = vector.extract_strided_slice %get3A_4 {offsets = [29], sizes = [1], strides = [1]} : vector<32xi32> to vector<1xi32>
    %squeeze3A_351 = vector.extract %slice3A_350[0] : i32 from vector<1xi32>
    %dma_start3A_352 = arith.constant 29 : i32
    %dma_start3A_353 = arith.constant 0 : i32
    %dma_start3A_354 = tpu.memref_slice %arg6[%dma_start3A_352, %dma_start3A_353] : memref<512x100xf32, #tpu.memory_space<vmem>> -> memref<1x100xf32, #tpu.memory_space<vmem>>
    %dma_start3A_355 = arith.constant 0 : i32
    %dma_start3A_356 = tpu.memref_slice %arg3[%squeeze3A_351, %dma_start3A_355] : memref<1000000x100xf32, #tpu.memory_space<hbm>> -> memref<1x100xf32, #tpu.memory_space<hbm>>
    %dma_start3A_357 = arith.constant 29 : i32
    %dma_start3A_358 = arith.constant 0 : i32
    %dma_start3A_359 = tpu.memref_slice %arg6[%dma_start3A_357, %dma_start3A_358] : memref<512x100xf32, #tpu.memory_space<vmem>> -> memref<1x100xf32, #tpu.memory_space<vmem>>
    %dma_start3A_360 = arith.constant 0 : i32
    %dma_start3A_361 = tpu.memref_slice %arg3[%squeeze3A_351, %dma_start3A_360] : memref<1000000x100xf32, #tpu.memory_space<hbm>> -> memref<1x100xf32, #tpu.memory_space<hbm>>
    tpu.enqueue_dma source(%dma_start3A_361 : memref<1x100xf32, #tpu.memory_space<hbm>>) target(%dma_start3A_359 : memref<1x100xf32, #tpu.memory_space<vmem>>) target_semaphore(%arg7 : memref<!tpu.dma_semaphore, #tpu.memory_space<semaphore_mem>>)
    %slice3A_362 = vector.extract_strided_slice %get3A_4 {offsets = [30], sizes = [1], strides = [1]} : vector<32xi32> to vector<1xi32>
    %squeeze3A_363 = vector.extract %slice3A_362[0] : i32 from vector<1xi32>
    %dma_start3A_364 = arith.constant 30 : i32
    %dma_start3A_365 = arith.constant 0 : i32
    %dma_start3A_366 = tpu.memref_slice %arg6[%dma_start3A_364, %dma_start3A_365] : memref<512x100xf32, #tpu.memory_space<vmem>> -> memref<1x100xf32, #tpu.memory_space<vmem>>
    %dma_start3A_367 = arith.constant 0 : i32
    %dma_start3A_368 = tpu.memref_slice %arg3[%squeeze3A_363, %dma_start3A_367] : memref<1000000x100xf32, #tpu.memory_space<hbm>> -> memref<1x100xf32, #tpu.memory_space<hbm>>
    %dma_start3A_369 = arith.constant 30 : i32
    %dma_start3A_370 = arith.constant 0 : i32
    %dma_start3A_371 = tpu.memref_slice %arg6[%dma_start3A_369, %dma_start3A_370] : memref<512x100xf32, #tpu.memory_space<vmem>> -> memref<1x100xf32, #tpu.memory_space<vmem>>
    %dma_start3A_372 = arith.constant 0 : i32
    %dma_start3A_373 = tpu.memref_slice %arg3[%squeeze3A_363, %dma_start3A_372] : memref<1000000x100xf32, #tpu.memory_space<hbm>> -> memref<1x100xf32, #tpu.memory_space<hbm>>
    tpu.enqueue_dma source(%dma_start3A_373 : memref<1x100xf32, #tpu.memory_space<hbm>>) target(%dma_start3A_371 : memref<1x100xf32, #tpu.memory_space<vmem>>) target_semaphore(%arg7 : memref<!tpu.dma_semaphore, #tpu.memory_space<semaphore_mem>>)
    %slice3A_374 = vector.extract_strided_slice %get3A_4 {offsets = [31], sizes = [1], strides = [1]} : vector<32xi32> to vector<1xi32>
    %squeeze3A_375 = vector.extract %slice3A_374[0] : i32 from vector<1xi32>
    %dma_start3A_376 = arith.constant 31 : i32
    %dma_start3A_377 = arith.constant 0 : i32
    %dma_start3A_378 = tpu.memref_slice %arg6[%dma_start3A_376, %dma_start3A_377] : memref<512x100xf32, #tpu.memory_space<vmem>> -> memref<1x100xf32, #tpu.memory_space<vmem>>
    %dma_start3A_379 = arith.constant 0 : i32
    %dma_start3A_380 = tpu.memref_slice %arg3[%squeeze3A_375, %dma_start3A_379] : memref<1000000x100xf32, #tpu.memory_space<hbm>> -> memref<1x100xf32, #tpu.memory_space<hbm>>
    %dma_start3A_381 = arith.constant 31 : i32
    %dma_start3A_382 = arith.constant 0 : i32
    %dma_start3A_383 = tpu.memref_slice %arg6[%dma_start3A_381, %dma_start3A_382] : memref<512x100xf32, #tpu.memory_space<vmem>> -> memref<1x100xf32, #tpu.memory_space<vmem>>
    %dma_start3A_384 = arith.constant 0 : i32
    %dma_start3A_385 = tpu.memref_slice %arg3[%squeeze3A_375, %dma_start3A_384] : memref<1000000x100xf32, #tpu.memory_space<hbm>> -> memref<1x100xf32, #tpu.memory_space<hbm>>
    tpu.enqueue_dma source(%dma_start3A_385 : memref<1x100xf32, #tpu.memory_space<hbm>>) target(%dma_start3A_383 : memref<1x100xf32, #tpu.memory_space<vmem>>) target_semaphore(%arg7 : memref<!tpu.dma_semaphore, #tpu.memory_space<semaphore_mem>>)
    %scan3A = arith.constant 0 : i32
    %scan3A_386 = arith.constant 15 : i32
    %scan3A_387 = arith.addi %scan3A, %scan3A_386 : i32
    %scan3A_388 = arith.constant 1 : i32
    scf.for %scan3A_773 = %scan3A to %scan3A_387 step %scan3A_388  : i32 {
      %add3A_774 = arith.constant 1 : i32
      %add3A_775 = arith.addi %scan3A_773, %add3A_774 : i32
      %mul3A_776 = arith.constant 32 : i32
      %mul3A_777 = arith.muli %add3A_775, %mul3A_776 : i32
      %get3A_778 = arith.index_cast %mul3A_777 : i32 to index
      %get3A_779 = tpu.vector_load %arg5[%get3A_778] {strides = array<i32>} : memref<512xi32, #tpu.memory_space<vmem>>, vector<32xi32>,
      %get3A_780 = vector.shape_cast %get3A_779 : vector<32xi32> to vector<32xi32>
      %slice3A_781 = vector.extract_strided_slice %get3A_780 {offsets = [0], sizes = [1], strides = [1]} : vector<32xi32> to vector<1xi32>
      %squeeze3A_782 = vector.extract %slice3A_781[0] : i32 from vector<1xi32>
      %add3A_783 = arith.constant 0 : i32
      %add3A_784 = arith.addi %mul3A_777, %add3A_783 : i32
      %dma_start3A_785 = arith.constant 0 : i32
      %dma_start3A_786 = tpu.memref_slice %arg6[%add3A_784, %dma_start3A_785] : memref<512x100xf32, #tpu.memory_space<vmem>> -> memref<1x100xf32, #tpu.memory_space<vmem>>
      %dma_start3A_787 = arith.constant 0 : i32
      %dma_start3A_788 = tpu.memref_slice %arg3[%squeeze3A_782, %dma_start3A_787] : memref<1000000x100xf32, #tpu.memory_space<hbm>> -> memref<1x100xf32, #tpu.memory_space<hbm>>
      %dma_start3A_789 = arith.constant 0 : i32
      %dma_start3A_790 = tpu.memref_slice %arg6[%add3A_784, %dma_start3A_789] : memref<512x100xf32, #tpu.memory_space<vmem>> -> memref<1x100xf32, #tpu.memory_space<vmem>>
      %dma_start3A_791 = arith.constant 0 : i32
      %dma_start3A_792 = tpu.memref_slice %arg3[%squeeze3A_782, %dma_start3A_791] : memref<1000000x100xf32, #tpu.memory_space<hbm>> -> memref<1x100xf32, #tpu.memory_space<hbm>>
      tpu.enqueue_dma source(%dma_start3A_792 : memref<1x100xf32, #tpu.memory_space<hbm>>) target(%dma_start3A_790 : memref<1x100xf32, #tpu.memory_space<vmem>>) target_semaphore(%arg7 : memref<!tpu.dma_semaphore, #tpu.memory_space<semaphore_mem>>)
      %slice3A_793 = vector.extract_strided_slice %get3A_780 {offsets = [1], sizes = [1], strides = [1]} : vector<32xi32> to vector<1xi32>
      %squeeze3A_794 = vector.extract %slice3A_793[0] : i32 from vector<1xi32>
      %add3A_795 = arith.constant 1 : i32
      %add3A_796 = arith.addi %mul3A_777, %add3A_795 : i32
      %dma_start3A_797 = arith.constant 0 : i32
      %dma_start3A_798 = tpu.memref_slice %arg6[%add3A_796, %dma_start3A_797] : memref<512x100xf32, #tpu.memory_space<vmem>> -> memref<1x100xf32, #tpu.memory_space<vmem>>
      %dma_start3A_799 = arith.constant 0 : i32
      %dma_start3A_800 = tpu.memref_slice %arg3[%squeeze3A_794, %dma_start3A_799] : memref<1000000x100xf32, #tpu.memory_space<hbm>> -> memref<1x100xf32, #tpu.memory_space<hbm>>
      %dma_start3A_801 = arith.constant 0 : i32
      %dma_start3A_802 = tpu.memref_slice %arg6[%add3A_796, %dma_start3A_801] : memref<512x100xf32, #tpu.memory_space<vmem>> -> memref<1x100xf32, #tpu.memory_space<vmem>>
      %dma_start3A_803 = arith.constant 0 : i32
      %dma_start3A_804 = tpu.memref_slice %arg3[%squeeze3A_794, %dma_start3A_803] : memref<1000000x100xf32, #tpu.memory_space<hbm>> -> memref<1x100xf32, #tpu.memory_space<hbm>>
      tpu.enqueue_dma source(%dma_start3A_804 : memref<1x100xf32, #tpu.memory_space<hbm>>) target(%dma_start3A_802 : memref<1x100xf32, #tpu.memory_space<vmem>>) target_semaphore(%arg7 : memref<!tpu.dma_semaphore, #tpu.memory_space<semaphore_mem>>)
      %slice3A_805 = vector.extract_strided_slice %get3A_780 {offsets = [2], sizes = [1], strides = [1]} : vector<32xi32> to vector<1xi32>
      %squeeze3A_806 = vector.extract %slice3A_805[0] : i32 from vector<1xi32>
      %add3A_807 = arith.constant 2 : i32
      %add3A_808 = arith.addi %mul3A_777, %add3A_807 : i32
      %dma_start3A_809 = arith.constant 0 : i32
      %dma_start3A_810 = tpu.memref_slice %arg6[%add3A_808, %dma_start3A_809] : memref<512x100xf32, #tpu.memory_space<vmem>> -> memref<1x100xf32, #tpu.memory_space<vmem>>
      %dma_start3A_811 = arith.constant 0 : i32
      %dma_start3A_812 = tpu.memref_slice %arg3[%squeeze3A_806, %dma_start3A_811] : memref<1000000x100xf32, #tpu.memory_space<hbm>> -> memref<1x100xf32, #tpu.memory_space<hbm>>
      %dma_start3A_813 = arith.constant 0 : i32
      %dma_start3A_814 = tpu.memref_slice %arg6[%add3A_808, %dma_start3A_813] : memref<512x100xf32, #tpu.memory_space<vmem>> -> memref<1x100xf32, #tpu.memory_space<vmem>>
      %dma_start3A_815 = arith.constant 0 : i32
      %dma_start3A_816 = tpu.memref_slice %arg3[%squeeze3A_806, %dma_start3A_815] : memref<1000000x100xf32, #tpu.memory_space<hbm>> -> memref<1x100xf32, #tpu.memory_space<hbm>>
      tpu.enqueue_dma source(%dma_start3A_816 : memref<1x100xf32, #tpu.memory_space<hbm>>) target(%dma_start3A_814 : memref<1x100xf32, #tpu.memory_space<vmem>>) target_semaphore(%arg7 : memref<!tpu.dma_semaphore, #tpu.memory_space<semaphore_mem>>)
      %slice3A_817 = vector.extract_strided_slice %get3A_780 {offsets = [3], sizes = [1], strides = [1]} : vector<32xi32> to vector<1xi32>
      %squeeze3A_818 = vector.extract %slice3A_817[0] : i32 from vector<1xi32>
      %add3A_819 = arith.constant 3 : i32
      %add3A_820 = arith.addi %mul3A_777, %add3A_819 : i32
      %dma_start3A_821 = arith.constant 0 : i32
      %dma_start3A_822 = tpu.memref_slice %arg6[%add3A_820, %dma_start3A_821] : memref<512x100xf32, #tpu.memory_space<vmem>> -> memref<1x100xf32, #tpu.memory_space<vmem>>
      %dma_start3A_823 = arith.constant 0 : i32
      %dma_start3A_824 = tpu.memref_slice %arg3[%squeeze3A_818, %dma_start3A_823] : memref<1000000x100xf32, #tpu.memory_space<hbm>> -> memref<1x100xf32, #tpu.memory_space<hbm>>
      %dma_start3A_825 = arith.constant 0 : i32
      %dma_start3A_826 = tpu.memref_slice %arg6[%add3A_820, %dma_start3A_825] : memref<512x100xf32, #tpu.memory_space<vmem>> -> memref<1x100xf32, #tpu.memory_space<vmem>>
      %dma_start3A_827 = arith.constant 0 : i32
      %dma_start3A_828 = tpu.memref_slice %arg3[%squeeze3A_818, %dma_start3A_827] : memref<1000000x100xf32, #tpu.memory_space<hbm>> -> memref<1x100xf32, #tpu.memory_space<hbm>>
      tpu.enqueue_dma source(%dma_start3A_828 : memref<1x100xf32, #tpu.memory_space<hbm>>) target(%dma_start3A_826 : memref<1x100xf32, #tpu.memory_space<vmem>>) target_semaphore(%arg7 : memref<!tpu.dma_semaphore, #tpu.memory_space<semaphore_mem>>)
      %slice3A_829 = vector.extract_strided_slice %get3A_780 {offsets = [4], sizes = [1], strides = [1]} : vector<32xi32> to vector<1xi32>
      %squeeze3A_830 = vector.extract %slice3A_829[0] : i32 from vector<1xi32>
      %add3A_831 = arith.constant 4 : i32
      %add3A_832 = arith.addi %mul3A_777, %add3A_831 : i32
      %dma_start3A_833 = arith.constant 0 : i32
      %dma_start3A_834 = tpu.memref_slice %arg6[%add3A_832, %dma_start3A_833] : memref<512x100xf32, #tpu.memory_space<vmem>> -> memref<1x100xf32, #tpu.memory_space<vmem>>
      %dma_start3A_835 = arith.constant 0 : i32
      %dma_start3A_836 = tpu.memref_slice %arg3[%squeeze3A_830, %dma_start3A_835] : memref<1000000x100xf32, #tpu.memory_space<hbm>> -> memref<1x100xf32, #tpu.memory_space<hbm>>
      %dma_start3A_837 = arith.constant 0 : i32
      %dma_start3A_838 = tpu.memref_slice %arg6[%add3A_832, %dma_start3A_837] : memref<512x100xf32, #tpu.memory_space<vmem>> -> memref<1x100xf32, #tpu.memory_space<vmem>>
      %dma_start3A_839 = arith.constant 0 : i32
      %dma_start3A_840 = tpu.memref_slice %arg3[%squeeze3A_830, %dma_start3A_839] : memref<1000000x100xf32, #tpu.memory_space<hbm>> -> memref<1x100xf32, #tpu.memory_space<hbm>>
      tpu.enqueue_dma source(%dma_start3A_840 : memref<1x100xf32, #tpu.memory_space<hbm>>) target(%dma_start3A_838 : memref<1x100xf32, #tpu.memory_space<vmem>>) target_semaphore(%arg7 : memref<!tpu.dma_semaphore, #tpu.memory_space<semaphore_mem>>)
      %slice3A_841 = vector.extract_strided_slice %get3A_780 {offsets = [5], sizes = [1], strides = [1]} : vector<32xi32> to vector<1xi32>
      %squeeze3A_842 = vector.extract %slice3A_841[0] : i32 from vector<1xi32>
      %add3A_843 = arith.constant 5 : i32
      %add3A_844 = arith.addi %mul3A_777, %add3A_843 : i32
      %dma_start3A_845 = arith.constant 0 : i32
      %dma_start3A_846 = tpu.memref_slice %arg6[%add3A_844, %dma_start3A_845] : memref<512x100xf32, #tpu.memory_space<vmem>> -> memref<1x100xf32, #tpu.memory_space<vmem>>
      %dma_start3A_847 = arith.constant 0 : i32
      %dma_start3A_848 = tpu.memref_slice %arg3[%squeeze3A_842, %dma_start3A_847] : memref<1000000x100xf32, #tpu.memory_space<hbm>> -> memref<1x100xf32, #tpu.memory_space<hbm>>
      %dma_start3A_849 = arith.constant 0 : i32
      %dma_start3A_850 = tpu.memref_slice %arg6[%add3A_844, %dma_start3A_849] : memref<512x100xf32, #tpu.memory_space<vmem>> -> memref<1x100xf32, #tpu.memory_space<vmem>>
      %dma_start3A_851 = arith.constant 0 : i32
      %dma_start3A_852 = tpu.memref_slice %arg3[%squeeze3A_842, %dma_start3A_851] : memref<1000000x100xf32, #tpu.memory_space<hbm>> -> memref<1x100xf32, #tpu.memory_space<hbm>>
      tpu.enqueue_dma source(%dma_start3A_852 : memref<1x100xf32, #tpu.memory_space<hbm>>) target(%dma_start3A_850 : memref<1x100xf32, #tpu.memory_space<vmem>>) target_semaphore(%arg7 : memref<!tpu.dma_semaphore, #tpu.memory_space<semaphore_mem>>)
      %slice3A_853 = vector.extract_strided_slice %get3A_780 {offsets = [6], sizes = [1], strides = [1]} : vector<32xi32> to vector<1xi32>
      %squeeze3A_854 = vector.extract %slice3A_853[0] : i32 from vector<1xi32>
      %add3A_855 = arith.constant 6 : i32
      %add3A_856 = arith.addi %mul3A_777, %add3A_855 : i32
      %dma_start3A_857 = arith.constant 0 : i32
      %dma_start3A_858 = tpu.memref_slice %arg6[%add3A_856, %dma_start3A_857] : memref<512x100xf32, #tpu.memory_space<vmem>> -> memref<1x100xf32, #tpu.memory_space<vmem>>
      %dma_start3A_859 = arith.constant 0 : i32
      %dma_start3A_860 = tpu.memref_slice %arg3[%squeeze3A_854, %dma_start3A_859] : memref<1000000x100xf32, #tpu.memory_space<hbm>> -> memref<1x100xf32, #tpu.memory_space<hbm>>
      %dma_start3A_861 = arith.constant 0 : i32
      %dma_start3A_862 = tpu.memref_slice %arg6[%add3A_856, %dma_start3A_861] : memref<512x100xf32, #tpu.memory_space<vmem>> -> memref<1x100xf32, #tpu.memory_space<vmem>>
      %dma_start3A_863 = arith.constant 0 : i32
      %dma_start3A_864 = tpu.memref_slice %arg3[%squeeze3A_854, %dma_start3A_863] : memref<1000000x100xf32, #tpu.memory_space<hbm>> -> memref<1x100xf32, #tpu.memory_space<hbm>>
      tpu.enqueue_dma source(%dma_start3A_864 : memref<1x100xf32, #tpu.memory_space<hbm>>) target(%dma_start3A_862 : memref<1x100xf32, #tpu.memory_space<vmem>>) target_semaphore(%arg7 : memref<!tpu.dma_semaphore, #tpu.memory_space<semaphore_mem>>)
      %slice3A_865 = vector.extract_strided_slice %get3A_780 {offsets = [7], sizes = [1], strides = [1]} : vector<32xi32> to vector<1xi32>
      %squeeze3A_866 = vector.extract %slice3A_865[0] : i32 from vector<1xi32>
      %add3A_867 = arith.constant 7 : i32
      %add3A_868 = arith.addi %mul3A_777, %add3A_867 : i32
      %dma_start3A_869 = arith.constant 0 : i32
      %dma_start3A_870 = tpu.memref_slice %arg6[%add3A_868, %dma_start3A_869] : memref<512x100xf32, #tpu.memory_space<vmem>> -> memref<1x100xf32, #tpu.memory_space<vmem>>
      %dma_start3A_871 = arith.constant 0 : i32
      %dma_start3A_872 = tpu.memref_slice %arg3[%squeeze3A_866, %dma_start3A_871] : memref<1000000x100xf32, #tpu.memory_space<hbm>> -> memref<1x100xf32, #tpu.memory_space<hbm>>
      %dma_start3A_873 = arith.constant 0 : i32
      %dma_start3A_874 = tpu.memref_slice %arg6[%add3A_868, %dma_start3A_873] : memref<512x100xf32, #tpu.memory_space<vmem>> -> memref<1x100xf32, #tpu.memory_space<vmem>>
      %dma_start3A_875 = arith.constant 0 : i32
      %dma_start3A_876 = tpu.memref_slice %arg3[%squeeze3A_866, %dma_start3A_875] : memref<1000000x100xf32, #tpu.memory_space<hbm>> -> memref<1x100xf32, #tpu.memory_space<hbm>>
      tpu.enqueue_dma source(%dma_start3A_876 : memref<1x100xf32, #tpu.memory_space<hbm>>) target(%dma_start3A_874 : memref<1x100xf32, #tpu.memory_space<vmem>>) target_semaphore(%arg7 : memref<!tpu.dma_semaphore, #tpu.memory_space<semaphore_mem>>)
      %slice3A_877 = vector.extract_strided_slice %get3A_780 {offsets = [8], sizes = [1], strides = [1]} : vector<32xi32> to vector<1xi32>
      %squeeze3A_878 = vector.extract %slice3A_877[0] : i32 from vector<1xi32>
      %add3A_879 = arith.constant 8 : i32
      %add3A_880 = arith.addi %mul3A_777, %add3A_879 : i32
      %dma_start3A_881 = arith.constant 0 : i32
      %dma_start3A_882 = tpu.memref_slice %arg6[%add3A_880, %dma_start3A_881] : memref<512x100xf32, #tpu.memory_space<vmem>> -> memref<1x100xf32, #tpu.memory_space<vmem>>
      %dma_start3A_883 = arith.constant 0 : i32
      %dma_start3A_884 = tpu.memref_slice %arg3[%squeeze3A_878, %dma_start3A_883] : memref<1000000x100xf32, #tpu.memory_space<hbm>> -> memref<1x100xf32, #tpu.memory_space<hbm>>
      %dma_start3A_885 = arith.constant 0 : i32
      %dma_start3A_886 = tpu.memref_slice %arg6[%add3A_880, %dma_start3A_885] : memref<512x100xf32, #tpu.memory_space<vmem>> -> memref<1x100xf32, #tpu.memory_space<vmem>>
      %dma_start3A_887 = arith.constant 0 : i32
      %dma_start3A_888 = tpu.memref_slice %arg3[%squeeze3A_878, %dma_start3A_887] : memref<1000000x100xf32, #tpu.memory_space<hbm>> -> memref<1x100xf32, #tpu.memory_space<hbm>>
      tpu.enqueue_dma source(%dma_start3A_888 : memref<1x100xf32, #tpu.memory_space<hbm>>) target(%dma_start3A_886 : memref<1x100xf32, #tpu.memory_space<vmem>>) target_semaphore(%arg7 : memref<!tpu.dma_semaphore, #tpu.memory_space<semaphore_mem>>)
      %slice3A_889 = vector.extract_strided_slice %get3A_780 {offsets = [9], sizes = [1], strides = [1]} : vector<32xi32> to vector<1xi32>
      %squeeze3A_890 = vector.extract %slice3A_889[0] : i32 from vector<1xi32>
      %add3A_891 = arith.constant 9 : i32
      %add3A_892 = arith.addi %mul3A_777, %add3A_891 : i32
      %dma_start3A_893 = arith.constant 0 : i32
      %dma_start3A_894 = tpu.memref_slice %arg6[%add3A_892, %dma_start3A_893] : memref<512x100xf32, #tpu.memory_space<vmem>> -> memref<1x100xf32, #tpu.memory_space<vmem>>
      %dma_start3A_895 = arith.constant 0 : i32
      %dma_start3A_896 = tpu.memref_slice %arg3[%squeeze3A_890, %dma_start3A_895] : memref<1000000x100xf32, #tpu.memory_space<hbm>> -> memref<1x100xf32, #tpu.memory_space<hbm>>
      %dma_start3A_897 = arith.constant 0 : i32
      %dma_start3A_898 = tpu.memref_slice %arg6[%add3A_892, %dma_start3A_897] : memref<512x100xf32, #tpu.memory_space<vmem>> -> memref<1x100xf32, #tpu.memory_space<vmem>>
      %dma_start3A_899 = arith.constant 0 : i32
      %dma_start3A_900 = tpu.memref_slice %arg3[%squeeze3A_890, %dma_start3A_899] : memref<1000000x100xf32, #tpu.memory_space<hbm>> -> memref<1x100xf32, #tpu.memory_space<hbm>>
      tpu.enqueue_dma source(%dma_start3A_900 : memref<1x100xf32, #tpu.memory_space<hbm>>) target(%dma_start3A_898 : memref<1x100xf32, #tpu.memory_space<vmem>>) target_semaphore(%arg7 : memref<!tpu.dma_semaphore, #tpu.memory_space<semaphore_mem>>)
      %slice3A_901 = vector.extract_strided_slice %get3A_780 {offsets = [10], sizes = [1], strides = [1]} : vector<32xi32> to vector<1xi32>
      %squeeze3A_902 = vector.extract %slice3A_901[0] : i32 from vector<1xi32>
      %add3A_903 = arith.constant 10 : i32
      %add3A_904 = arith.addi %mul3A_777, %add3A_903 : i32
      %dma_start3A_905 = arith.constant 0 : i32
      %dma_start3A_906 = tpu.memref_slice %arg6[%add3A_904, %dma_start3A_905] : memref<512x100xf32, #tpu.memory_space<vmem>> -> memref<1x100xf32, #tpu.memory_space<vmem>>
      %dma_start3A_907 = arith.constant 0 : i32
      %dma_start3A_908 = tpu.memref_slice %arg3[%squeeze3A_902, %dma_start3A_907] : memref<1000000x100xf32, #tpu.memory_space<hbm>> -> memref<1x100xf32, #tpu.memory_space<hbm>>
      %dma_start3A_909 = arith.constant 0 : i32
      %dma_start3A_910 = tpu.memref_slice %arg6[%add3A_904, %dma_start3A_909] : memref<512x100xf32, #tpu.memory_space<vmem>> -> memref<1x100xf32, #tpu.memory_space<vmem>>
      %dma_start3A_911 = arith.constant 0 : i32
      %dma_start3A_912 = tpu.memref_slice %arg3[%squeeze3A_902, %dma_start3A_911] : memref<1000000x100xf32, #tpu.memory_space<hbm>> -> memref<1x100xf32, #tpu.memory_space<hbm>>
      tpu.enqueue_dma source(%dma_start3A_912 : memref<1x100xf32, #tpu.memory_space<hbm>>) target(%dma_start3A_910 : memref<1x100xf32, #tpu.memory_space<vmem>>) target_semaphore(%arg7 : memref<!tpu.dma_semaphore, #tpu.memory_space<semaphore_mem>>)
      %slice3A_913 = vector.extract_strided_slice %get3A_780 {offsets = [11], sizes = [1], strides = [1]} : vector<32xi32> to vector<1xi32>
      %squeeze3A_914 = vector.extract %slice3A_913[0] : i32 from vector<1xi32>
      %add3A_915 = arith.constant 11 : i32
      %add3A_916 = arith.addi %mul3A_777, %add3A_915 : i32
      %dma_start3A_917 = arith.constant 0 : i32
      %dma_start3A_918 = tpu.memref_slice %arg6[%add3A_916, %dma_start3A_917] : memref<512x100xf32, #tpu.memory_space<vmem>> -> memref<1x100xf32, #tpu.memory_space<vmem>>
      %dma_start3A_919 = arith.constant 0 : i32
      %dma_start3A_920 = tpu.memref_slice %arg3[%squeeze3A_914, %dma_start3A_919] : memref<1000000x100xf32, #tpu.memory_space<hbm>> -> memref<1x100xf32, #tpu.memory_space<hbm>>
      %dma_start3A_921 = arith.constant 0 : i32
      %dma_start3A_922 = tpu.memref_slice %arg6[%add3A_916, %dma_start3A_921] : memref<512x100xf32, #tpu.memory_space<vmem>> -> memref<1x100xf32, #tpu.memory_space<vmem>>
      %dma_start3A_923 = arith.constant 0 : i32
      %dma_start3A_924 = tpu.memref_slice %arg3[%squeeze3A_914, %dma_start3A_923] : memref<1000000x100xf32, #tpu.memory_space<hbm>> -> memref<1x100xf32, #tpu.memory_space<hbm>>
      tpu.enqueue_dma source(%dma_start3A_924 : memref<1x100xf32, #tpu.memory_space<hbm>>) target(%dma_start3A_922 : memref<1x100xf32, #tpu.memory_space<vmem>>) target_semaphore(%arg7 : memref<!tpu.dma_semaphore, #tpu.memory_space<semaphore_mem>>)
      %slice3A_925 = vector.extract_strided_slice %get3A_780 {offsets = [12], sizes = [1], strides = [1]} : vector<32xi32> to vector<1xi32>
      %squeeze3A_926 = vector.extract %slice3A_925[0] : i32 from vector<1xi32>
      %add3A_927 = arith.constant 12 : i32
      %add3A_928 = arith.addi %mul3A_777, %add3A_927 : i32
      %dma_start3A_929 = arith.constant 0 : i32
      %dma_start3A_930 = tpu.memref_slice %arg6[%add3A_928, %dma_start3A_929] : memref<512x100xf32, #tpu.memory_space<vmem>> -> memref<1x100xf32, #tpu.memory_space<vmem>>
      %dma_start3A_931 = arith.constant 0 : i32
      %dma_start3A_932 = tpu.memref_slice %arg3[%squeeze3A_926, %dma_start3A_931] : memref<1000000x100xf32, #tpu.memory_space<hbm>> -> memref<1x100xf32, #tpu.memory_space<hbm>>
      %dma_start3A_933 = arith.constant 0 : i32
      %dma_start3A_934 = tpu.memref_slice %arg6[%add3A_928, %dma_start3A_933] : memref<512x100xf32, #tpu.memory_space<vmem>> -> memref<1x100xf32, #tpu.memory_space<vmem>>
      %dma_start3A_935 = arith.constant 0 : i32
      %dma_start3A_936 = tpu.memref_slice %arg3[%squeeze3A_926, %dma_start3A_935] : memref<1000000x100xf32, #tpu.memory_space<hbm>> -> memref<1x100xf32, #tpu.memory_space<hbm>>
      tpu.enqueue_dma source(%dma_start3A_936 : memref<1x100xf32, #tpu.memory_space<hbm>>) target(%dma_start3A_934 : memref<1x100xf32, #tpu.memory_space<vmem>>) target_semaphore(%arg7 : memref<!tpu.dma_semaphore, #tpu.memory_space<semaphore_mem>>)
      %slice3A_937 = vector.extract_strided_slice %get3A_780 {offsets = [13], sizes = [1], strides = [1]} : vector<32xi32> to vector<1xi32>
      %squeeze3A_938 = vector.extract %slice3A_937[0] : i32 from vector<1xi32>
      %add3A_939 = arith.constant 13 : i32
      %add3A_940 = arith.addi %mul3A_777, %add3A_939 : i32
      %dma_start3A_941 = arith.constant 0 : i32
      %dma_start3A_942 = tpu.memref_slice %arg6[%add3A_940, %dma_start3A_941] : memref<512x100xf32, #tpu.memory_space<vmem>> -> memref<1x100xf32, #tpu.memory_space<vmem>>
      %dma_start3A_943 = arith.constant 0 : i32
      %dma_start3A_944 = tpu.memref_slice %arg3[%squeeze3A_938, %dma_start3A_943] : memref<1000000x100xf32, #tpu.memory_space<hbm>> -> memref<1x100xf32, #tpu.memory_space<hbm>>
      %dma_start3A_945 = arith.constant 0 : i32
      %dma_start3A_946 = tpu.memref_slice %arg6[%add3A_940, %dma_start3A_945] : memref<512x100xf32, #tpu.memory_space<vmem>> -> memref<1x100xf32, #tpu.memory_space<vmem>>
      %dma_start3A_947 = arith.constant 0 : i32
      %dma_start3A_948 = tpu.memref_slice %arg3[%squeeze3A_938, %dma_start3A_947] : memref<1000000x100xf32, #tpu.memory_space<hbm>> -> memref<1x100xf32, #tpu.memory_space<hbm>>
      tpu.enqueue_dma source(%dma_start3A_948 : memref<1x100xf32, #tpu.memory_space<hbm>>) target(%dma_start3A_946 : memref<1x100xf32, #tpu.memory_space<vmem>>) target_semaphore(%arg7 : memref<!tpu.dma_semaphore, #tpu.memory_space<semaphore_mem>>)
      %slice3A_949 = vector.extract_strided_slice %get3A_780 {offsets = [14], sizes = [1], strides = [1]} : vector<32xi32> to vector<1xi32>
      %squeeze3A_950 = vector.extract %slice3A_949[0] : i32 from vector<1xi32>
      %add3A_951 = arith.constant 14 : i32
      %add3A_952 = arith.addi %mul3A_777, %add3A_951 : i32
      %dma_start3A_953 = arith.constant 0 : i32
      %dma_start3A_954 = tpu.memref_slice %arg6[%add3A_952, %dma_start3A_953] : memref<512x100xf32, #tpu.memory_space<vmem>> -> memref<1x100xf32, #tpu.memory_space<vmem>>
      %dma_start3A_955 = arith.constant 0 : i32
      %dma_start3A_956 = tpu.memref_slice %arg3[%squeeze3A_950, %dma_start3A_955] : memref<1000000x100xf32, #tpu.memory_space<hbm>> -> memref<1x100xf32, #tpu.memory_space<hbm>>
      %dma_start3A_957 = arith.constant 0 : i32
      %dma_start3A_958 = tpu.memref_slice %arg6[%add3A_952, %dma_start3A_957] : memref<512x100xf32, #tpu.memory_space<vmem>> -> memref<1x100xf32, #tpu.memory_space<vmem>>
      %dma_start3A_959 = arith.constant 0 : i32
      %dma_start3A_960 = tpu.memref_slice %arg3[%squeeze3A_950, %dma_start3A_959] : memref<1000000x100xf32, #tpu.memory_space<hbm>> -> memref<1x100xf32, #tpu.memory_space<hbm>>
      tpu.enqueue_dma source(%dma_start3A_960 : memref<1x100xf32, #tpu.memory_space<hbm>>) target(%dma_start3A_958 : memref<1x100xf32, #tpu.memory_space<vmem>>) target_semaphore(%arg7 : memref<!tpu.dma_semaphore, #tpu.memory_space<semaphore_mem>>)
      %slice3A_961 = vector.extract_strided_slice %get3A_780 {offsets = [15], sizes = [1], strides = [1]} : vector<32xi32> to vector<1xi32>
      %squeeze3A_962 = vector.extract %slice3A_961[0] : i32 from vector<1xi32>
      %add3A_963 = arith.constant 15 : i32
      %add3A_964 = arith.addi %mul3A_777, %add3A_963 : i32
      %dma_start3A_965 = arith.constant 0 : i32
      %dma_start3A_966 = tpu.memref_slice %arg6[%add3A_964, %dma_start3A_965] : memref<512x100xf32, #tpu.memory_space<vmem>> -> memref<1x100xf32, #tpu.memory_space<vmem>>
      %dma_start3A_967 = arith.constant 0 : i32
      %dma_start3A_968 = tpu.memref_slice %arg3[%squeeze3A_962, %dma_start3A_967] : memref<1000000x100xf32, #tpu.memory_space<hbm>> -> memref<1x100xf32, #tpu.memory_space<hbm>>
      %dma_start3A_969 = arith.constant 0 : i32
      %dma_start3A_970 = tpu.memref_slice %arg6[%add3A_964, %dma_start3A_969] : memref<512x100xf32, #tpu.memory_space<vmem>> -> memref<1x100xf32, #tpu.memory_space<vmem>>
      %dma_start3A_971 = arith.constant 0 : i32
      %dma_start3A_972 = tpu.memref_slice %arg3[%squeeze3A_962, %dma_start3A_971] : memref<1000000x100xf32, #tpu.memory_space<hbm>> -> memref<1x100xf32, #tpu.memory_space<hbm>>
      tpu.enqueue_dma source(%dma_start3A_972 : memref<1x100xf32, #tpu.memory_space<hbm>>) target(%dma_start3A_970 : memref<1x100xf32, #tpu.memory_space<vmem>>) target_semaphore(%arg7 : memref<!tpu.dma_semaphore, #tpu.memory_space<semaphore_mem>>)
      %slice3A_973 = vector.extract_strided_slice %get3A_780 {offsets = [16], sizes = [1], strides = [1]} : vector<32xi32> to vector<1xi32>
      %squeeze3A_974 = vector.extract %slice3A_973[0] : i32 from vector<1xi32>
      %add3A_975 = arith.constant 16 : i32
      %add3A_976 = arith.addi %mul3A_777, %add3A_975 : i32
      %dma_start3A_977 = arith.constant 0 : i32
      %dma_start3A_978 = tpu.memref_slice %arg6[%add3A_976, %dma_start3A_977] : memref<512x100xf32, #tpu.memory_space<vmem>> -> memref<1x100xf32, #tpu.memory_space<vmem>>
      %dma_start3A_979 = arith.constant 0 : i32
      %dma_start3A_980 = tpu.memref_slice %arg3[%squeeze3A_974, %dma_start3A_979] : memref<1000000x100xf32, #tpu.memory_space<hbm>> -> memref<1x100xf32, #tpu.memory_space<hbm>>
      %dma_start3A_981 = arith.constant 0 : i32
      %dma_start3A_982 = tpu.memref_slice %arg6[%add3A_976, %dma_start3A_981] : memref<512x100xf32, #tpu.memory_space<vmem>> -> memref<1x100xf32, #tpu.memory_space<vmem>>
      %dma_start3A_983 = arith.constant 0 : i32
      %dma_start3A_984 = tpu.memref_slice %arg3[%squeeze3A_974, %dma_start3A_983] : memref<1000000x100xf32, #tpu.memory_space<hbm>> -> memref<1x100xf32, #tpu.memory_space<hbm>>
      tpu.enqueue_dma source(%dma_start3A_984 : memref<1x100xf32, #tpu.memory_space<hbm>>) target(%dma_start3A_982 : memref<1x100xf32, #tpu.memory_space<vmem>>) target_semaphore(%arg7 : memref<!tpu.dma_semaphore, #tpu.memory_space<semaphore_mem>>)
      %slice3A_985 = vector.extract_strided_slice %get3A_780 {offsets = [17], sizes = [1], strides = [1]} : vector<32xi32> to vector<1xi32>
      %squeeze3A_986 = vector.extract %slice3A_985[0] : i32 from vector<1xi32>
      %add3A_987 = arith.constant 17 : i32
      %add3A_988 = arith.addi %mul3A_777, %add3A_987 : i32
      %dma_start3A_989 = arith.constant 0 : i32
      %dma_start3A_990 = tpu.memref_slice %arg6[%add3A_988, %dma_start3A_989] : memref<512x100xf32, #tpu.memory_space<vmem>> -> memref<1x100xf32, #tpu.memory_space<vmem>>
      %dma_start3A_991 = arith.constant 0 : i32
      %dma_start3A_992 = tpu.memref_slice %arg3[%squeeze3A_986, %dma_start3A_991] : memref<1000000x100xf32, #tpu.memory_space<hbm>> -> memref<1x100xf32, #tpu.memory_space<hbm>>
      %dma_start3A_993 = arith.constant 0 : i32
      %dma_start3A_994 = tpu.memref_slice %arg6[%add3A_988, %dma_start3A_993] : memref<512x100xf32, #tpu.memory_space<vmem>> -> memref<1x100xf32, #tpu.memory_space<vmem>>
      %dma_start3A_995 = arith.constant 0 : i32
      %dma_start3A_996 = tpu.memref_slice %arg3[%squeeze3A_986, %dma_start3A_995] : memref<1000000x100xf32, #tpu.memory_space<hbm>> -> memref<1x100xf32, #tpu.memory_space<hbm>>
      tpu.enqueue_dma source(%dma_start3A_996 : memref<1x100xf32, #tpu.memory_space<hbm>>) target(%dma_start3A_994 : memref<1x100xf32, #tpu.memory_space<vmem>>) target_semaphore(%arg7 : memref<!tpu.dma_semaphore, #tpu.memory_space<semaphore_mem>>)
      %slice3A_997 = vector.extract_strided_slice %get3A_780 {offsets = [18], sizes = [1], strides = [1]} : vector<32xi32> to vector<1xi32>
      %squeeze3A_998 = vector.extract %slice3A_997[0] : i32 from vector<1xi32>
      %add3A_999 = arith.constant 18 : i32
      %add3A_1000 = arith.addi %mul3A_777, %add3A_999 : i32
      %dma_start3A_1001 = arith.constant 0 : i32
      %dma_start3A_1002 = tpu.memref_slice %arg6[%add3A_1000, %dma_start3A_1001] : memref<512x100xf32, #tpu.memory_space<vmem>> -> memref<1x100xf32, #tpu.memory_space<vmem>>
      %dma_start3A_1003 = arith.constant 0 : i32
      %dma_start3A_1004 = tpu.memref_slice %arg3[%squeeze3A_998, %dma_start3A_1003] : memref<1000000x100xf32, #tpu.memory_space<hbm>> -> memref<1x100xf32, #tpu.memory_space<hbm>>
      %dma_start3A_1005 = arith.constant 0 : i32
      %dma_start3A_1006 = tpu.memref_slice %arg6[%add3A_1000, %dma_start3A_1005] : memref<512x100xf32, #tpu.memory_space<vmem>> -> memref<1x100xf32, #tpu.memory_space<vmem>>
      %dma_start3A_1007 = arith.constant 0 : i32
      %dma_start3A_1008 = tpu.memref_slice %arg3[%squeeze3A_998, %dma_start3A_1007] : memref<1000000x100xf32, #tpu.memory_space<hbm>> -> memref<1x100xf32, #tpu.memory_space<hbm>>
      tpu.enqueue_dma source(%dma_start3A_1008 : memref<1x100xf32, #tpu.memory_space<hbm>>) target(%dma_start3A_1006 : memref<1x100xf32, #tpu.memory_space<vmem>>) target_semaphore(%arg7 : memref<!tpu.dma_semaphore, #tpu.memory_space<semaphore_mem>>)
      %slice3A_1009 = vector.extract_strided_slice %get3A_780 {offsets = [19], sizes = [1], strides = [1]} : vector<32xi32> to vector<1xi32>
      %squeeze3A_1010 = vector.extract %slice3A_1009[0] : i32 from vector<1xi32>
      %add3A_1011 = arith.constant 19 : i32
      %add3A_1012 = arith.addi %mul3A_777, %add3A_1011 : i32
      %dma_start3A_1013 = arith.constant 0 : i32
      %dma_start3A_1014 = tpu.memref_slice %arg6[%add3A_1012, %dma_start3A_1013] : memref<512x100xf32, #tpu.memory_space<vmem>> -> memref<1x100xf32, #tpu.memory_space<vmem>>
      %dma_start3A_1015 = arith.constant 0 : i32
      %dma_start3A_1016 = tpu.memref_slice %arg3[%squeeze3A_1010, %dma_start3A_1015] : memref<1000000x100xf32, #tpu.memory_space<hbm>> -> memref<1x100xf32, #tpu.memory_space<hbm>>
      %dma_start3A_1017 = arith.constant 0 : i32
      %dma_start3A_1018 = tpu.memref_slice %arg6[%add3A_1012, %dma_start3A_1017] : memref<512x100xf32, #tpu.memory_space<vmem>> -> memref<1x100xf32, #tpu.memory_space<vmem>>
      %dma_start3A_1019 = arith.constant 0 : i32
      %dma_start3A_1020 = tpu.memref_slice %arg3[%squeeze3A_1010, %dma_start3A_1019] : memref<1000000x100xf32, #tpu.memory_space<hbm>> -> memref<1x100xf32, #tpu.memory_space<hbm>>
      tpu.enqueue_dma source(%dma_start3A_1020 : memref<1x100xf32, #tpu.memory_space<hbm>>) target(%dma_start3A_1018 : memref<1x100xf32, #tpu.memory_space<vmem>>) target_semaphore(%arg7 : memref<!tpu.dma_semaphore, #tpu.memory_space<semaphore_mem>>)
      %slice3A_1021 = vector.extract_strided_slice %get3A_780 {offsets = [20], sizes = [1], strides = [1]} : vector<32xi32> to vector<1xi32>
      %squeeze3A_1022 = vector.extract %slice3A_1021[0] : i32 from vector<1xi32>
      %add3A_1023 = arith.constant 20 : i32
      %add3A_1024 = arith.addi %mul3A_777, %add3A_1023 : i32
      %dma_start3A_1025 = arith.constant 0 : i32
      %dma_start3A_1026 = tpu.memref_slice %arg6[%add3A_1024, %dma_start3A_1025] : memref<512x100xf32, #tpu.memory_space<vmem>> -> memref<1x100xf32, #tpu.memory_space<vmem>>
      %dma_start3A_1027 = arith.constant 0 : i32
      %dma_start3A_1028 = tpu.memref_slice %arg3[%squeeze3A_1022, %dma_start3A_1027] : memref<1000000x100xf32, #tpu.memory_space<hbm>> -> memref<1x100xf32, #tpu.memory_space<hbm>>
      %dma_start3A_1029 = arith.constant 0 : i32
      %dma_start3A_1030 = tpu.memref_slice %arg6[%add3A_1024, %dma_start3A_1029] : memref<512x100xf32, #tpu.memory_space<vmem>> -> memref<1x100xf32, #tpu.memory_space<vmem>>
      %dma_start3A_1031 = arith.constant 0 : i32
      %dma_start3A_1032 = tpu.memref_slice %arg3[%squeeze3A_1022, %dma_start3A_1031] : memref<1000000x100xf32, #tpu.memory_space<hbm>> -> memref<1x100xf32, #tpu.memory_space<hbm>>
      tpu.enqueue_dma source(%dma_start3A_1032 : memref<1x100xf32, #tpu.memory_space<hbm>>) target(%dma_start3A_1030 : memref<1x100xf32, #tpu.memory_space<vmem>>) target_semaphore(%arg7 : memref<!tpu.dma_semaphore, #tpu.memory_space<semaphore_mem>>)
      %slice3A_1033 = vector.extract_strided_slice %get3A_780 {offsets = [21], sizes = [1], strides = [1]} : vector<32xi32> to vector<1xi32>
      %squeeze3A_1034 = vector.extract %slice3A_1033[0] : i32 from vector<1xi32>
      %add3A_1035 = arith.constant 21 : i32
      %add3A_1036 = arith.addi %mul3A_777, %add3A_1035 : i32
      %dma_start3A_1037 = arith.constant 0 : i32
      %dma_start3A_1038 = tpu.memref_slice %arg6[%add3A_1036, %dma_start3A_1037] : memref<512x100xf32, #tpu.memory_space<vmem>> -> memref<1x100xf32, #tpu.memory_space<vmem>>
      %dma_start3A_1039 = arith.constant 0 : i32
      %dma_start3A_1040 = tpu.memref_slice %arg3[%squeeze3A_1034, %dma_start3A_1039] : memref<1000000x100xf32, #tpu.memory_space<hbm>> -> memref<1x100xf32, #tpu.memory_space<hbm>>
      %dma_start3A_1041 = arith.constant 0 : i32
      %dma_start3A_1042 = tpu.memref_slice %arg6[%add3A_1036, %dma_start3A_1041] : memref<512x100xf32, #tpu.memory_space<vmem>> -> memref<1x100xf32, #tpu.memory_space<vmem>>
      %dma_start3A_1043 = arith.constant 0 : i32
      %dma_start3A_1044 = tpu.memref_slice %arg3[%squeeze3A_1034, %dma_start3A_1043] : memref<1000000x100xf32, #tpu.memory_space<hbm>> -> memref<1x100xf32, #tpu.memory_space<hbm>>
      tpu.enqueue_dma source(%dma_start3A_1044 : memref<1x100xf32, #tpu.memory_space<hbm>>) target(%dma_start3A_1042 : memref<1x100xf32, #tpu.memory_space<vmem>>) target_semaphore(%arg7 : memref<!tpu.dma_semaphore, #tpu.memory_space<semaphore_mem>>)
      %slice3A_1045 = vector.extract_strided_slice %get3A_780 {offsets = [22], sizes = [1], strides = [1]} : vector<32xi32> to vector<1xi32>
      %squeeze3A_1046 = vector.extract %slice3A_1045[0] : i32 from vector<1xi32>
      %add3A_1047 = arith.constant 22 : i32
      %add3A_1048 = arith.addi %mul3A_777, %add3A_1047 : i32
      %dma_start3A_1049 = arith.constant 0 : i32
      %dma_start3A_1050 = tpu.memref_slice %arg6[%add3A_1048, %dma_start3A_1049] : memref<512x100xf32, #tpu.memory_space<vmem>> -> memref<1x100xf32, #tpu.memory_space<vmem>>
      %dma_start3A_1051 = arith.constant 0 : i32
      %dma_start3A_1052 = tpu.memref_slice %arg3[%squeeze3A_1046, %dma_start3A_1051] : memref<1000000x100xf32, #tpu.memory_space<hbm>> -> memref<1x100xf32, #tpu.memory_space<hbm>>
      %dma_start3A_1053 = arith.constant 0 : i32
      %dma_start3A_1054 = tpu.memref_slice %arg6[%add3A_1048, %dma_start3A_1053] : memref<512x100xf32, #tpu.memory_space<vmem>> -> memref<1x100xf32, #tpu.memory_space<vmem>>
      %dma_start3A_1055 = arith.constant 0 : i32
      %dma_start3A_1056 = tpu.memref_slice %arg3[%squeeze3A_1046, %dma_start3A_1055] : memref<1000000x100xf32, #tpu.memory_space<hbm>> -> memref<1x100xf32, #tpu.memory_space<hbm>>
      tpu.enqueue_dma source(%dma_start3A_1056 : memref<1x100xf32, #tpu.memory_space<hbm>>) target(%dma_start3A_1054 : memref<1x100xf32, #tpu.memory_space<vmem>>) target_semaphore(%arg7 : memref<!tpu.dma_semaphore, #tpu.memory_space<semaphore_mem>>)
      %slice3A_1057 = vector.extract_strided_slice %get3A_780 {offsets = [23], sizes = [1], strides = [1]} : vector<32xi32> to vector<1xi32>
      %squeeze3A_1058 = vector.extract %slice3A_1057[0] : i32 from vector<1xi32>
      %add3A_1059 = arith.constant 23 : i32
      %add3A_1060 = arith.addi %mul3A_777, %add3A_1059 : i32
      %dma_start3A_1061 = arith.constant 0 : i32
      %dma_start3A_1062 = tpu.memref_slice %arg6[%add3A_1060, %dma_start3A_1061] : memref<512x100xf32, #tpu.memory_space<vmem>> -> memref<1x100xf32, #tpu.memory_space<vmem>>
      %dma_start3A_1063 = arith.constant 0 : i32
      %dma_start3A_1064 = tpu.memref_slice %arg3[%squeeze3A_1058, %dma_start3A_1063] : memref<1000000x100xf32, #tpu.memory_space<hbm>> -> memref<1x100xf32, #tpu.memory_space<hbm>>
      %dma_start3A_1065 = arith.constant 0 : i32
      %dma_start3A_1066 = tpu.memref_slice %arg6[%add3A_1060, %dma_start3A_1065] : memref<512x100xf32, #tpu.memory_space<vmem>> -> memref<1x100xf32, #tpu.memory_space<vmem>>
      %dma_start3A_1067 = arith.constant 0 : i32
      %dma_start3A_1068 = tpu.memref_slice %arg3[%squeeze3A_1058, %dma_start3A_1067] : memref<1000000x100xf32, #tpu.memory_space<hbm>> -> memref<1x100xf32, #tpu.memory_space<hbm>>
      tpu.enqueue_dma source(%dma_start3A_1068 : memref<1x100xf32, #tpu.memory_space<hbm>>) target(%dma_start3A_1066 : memref<1x100xf32, #tpu.memory_space<vmem>>) target_semaphore(%arg7 : memref<!tpu.dma_semaphore, #tpu.memory_space<semaphore_mem>>)
      %slice3A_1069 = vector.extract_strided_slice %get3A_780 {offsets = [24], sizes = [1], strides = [1]} : vector<32xi32> to vector<1xi32>
      %squeeze3A_1070 = vector.extract %slice3A_1069[0] : i32 from vector<1xi32>
      %add3A_1071 = arith.constant 24 : i32
      %add3A_1072 = arith.addi %mul3A_777, %add3A_1071 : i32
      %dma_start3A_1073 = arith.constant 0 : i32
      %dma_start3A_1074 = tpu.memref_slice %arg6[%add3A_1072, %dma_start3A_1073] : memref<512x100xf32, #tpu.memory_space<vmem>> -> memref<1x100xf32, #tpu.memory_space<vmem>>
      %dma_start3A_1075 = arith.constant 0 : i32
      %dma_start3A_1076 = tpu.memref_slice %arg3[%squeeze3A_1070, %dma_start3A_1075] : memref<1000000x100xf32, #tpu.memory_space<hbm>> -> memref<1x100xf32, #tpu.memory_space<hbm>>
      %dma_start3A_1077 = arith.constant 0 : i32
      %dma_start3A_1078 = tpu.memref_slice %arg6[%add3A_1072, %dma_start3A_1077] : memref<512x100xf32, #tpu.memory_space<vmem>> -> memref<1x100xf32, #tpu.memory_space<vmem>>
      %dma_start3A_1079 = arith.constant 0 : i32
      %dma_start3A_1080 = tpu.memref_slice %arg3[%squeeze3A_1070, %dma_start3A_1079] : memref<1000000x100xf32, #tpu.memory_space<hbm>> -> memref<1x100xf32, #tpu.memory_space<hbm>>
      tpu.enqueue_dma source(%dma_start3A_1080 : memref<1x100xf32, #tpu.memory_space<hbm>>) target(%dma_start3A_1078 : memref<1x100xf32, #tpu.memory_space<vmem>>) target_semaphore(%arg7 : memref<!tpu.dma_semaphore, #tpu.memory_space<semaphore_mem>>)
      %slice3A_1081 = vector.extract_strided_slice %get3A_780 {offsets = [25], sizes = [1], strides = [1]} : vector<32xi32> to vector<1xi32>
      %squeeze3A_1082 = vector.extract %slice3A_1081[0] : i32 from vector<1xi32>
      %add3A_1083 = arith.constant 25 : i32
      %add3A_1084 = arith.addi %mul3A_777, %add3A_1083 : i32
      %dma_start3A_1085 = arith.constant 0 : i32
      %dma_start3A_1086 = tpu.memref_slice %arg6[%add3A_1084, %dma_start3A_1085] : memref<512x100xf32, #tpu.memory_space<vmem>> -> memref<1x100xf32, #tpu.memory_space<vmem>>
      %dma_start3A_1087 = arith.constant 0 : i32
      %dma_start3A_1088 = tpu.memref_slice %arg3[%squeeze3A_1082, %dma_start3A_1087] : memref<1000000x100xf32, #tpu.memory_space<hbm>> -> memref<1x100xf32, #tpu.memory_space<hbm>>
      %dma_start3A_1089 = arith.constant 0 : i32
      %dma_start3A_1090 = tpu.memref_slice %arg6[%add3A_1084, %dma_start3A_1089] : memref<512x100xf32, #tpu.memory_space<vmem>> -> memref<1x100xf32, #tpu.memory_space<vmem>>
      %dma_start3A_1091 = arith.constant 0 : i32
      %dma_start3A_1092 = tpu.memref_slice %arg3[%squeeze3A_1082, %dma_start3A_1091] : memref<1000000x100xf32, #tpu.memory_space<hbm>> -> memref<1x100xf32, #tpu.memory_space<hbm>>
      tpu.enqueue_dma source(%dma_start3A_1092 : memref<1x100xf32, #tpu.memory_space<hbm>>) target(%dma_start3A_1090 : memref<1x100xf32, #tpu.memory_space<vmem>>) target_semaphore(%arg7 : memref<!tpu.dma_semaphore, #tpu.memory_space<semaphore_mem>>)
      %slice3A_1093 = vector.extract_strided_slice %get3A_780 {offsets = [26], sizes = [1], strides = [1]} : vector<32xi32> to vector<1xi32>
      %squeeze3A_1094 = vector.extract %slice3A_1093[0] : i32 from vector<1xi32>
      %add3A_1095 = arith.constant 26 : i32
      %add3A_1096 = arith.addi %mul3A_777, %add3A_1095 : i32
      %dma_start3A_1097 = arith.constant 0 : i32
      %dma_start3A_1098 = tpu.memref_slice %arg6[%add3A_1096, %dma_start3A_1097] : memref<512x100xf32, #tpu.memory_space<vmem>> -> memref<1x100xf32, #tpu.memory_space<vmem>>
      %dma_start3A_1099 = arith.constant 0 : i32
      %dma_start3A_1100 = tpu.memref_slice %arg3[%squeeze3A_1094, %dma_start3A_1099] : memref<1000000x100xf32, #tpu.memory_space<hbm>> -> memref<1x100xf32, #tpu.memory_space<hbm>>
      %dma_start3A_1101 = arith.constant 0 : i32
      %dma_start3A_1102 = tpu.memref_slice %arg6[%add3A_1096, %dma_start3A_1101] : memref<512x100xf32, #tpu.memory_space<vmem>> -> memref<1x100xf32, #tpu.memory_space<vmem>>
      %dma_start3A_1103 = arith.constant 0 : i32
      %dma_start3A_1104 = tpu.memref_slice %arg3[%squeeze3A_1094, %dma_start3A_1103] : memref<1000000x100xf32, #tpu.memory_space<hbm>> -> memref<1x100xf32, #tpu.memory_space<hbm>>
      tpu.enqueue_dma source(%dma_start3A_1104 : memref<1x100xf32, #tpu.memory_space<hbm>>) target(%dma_start3A_1102 : memref<1x100xf32, #tpu.memory_space<vmem>>) target_semaphore(%arg7 : memref<!tpu.dma_semaphore, #tpu.memory_space<semaphore_mem>>)
      %slice3A_1105 = vector.extract_strided_slice %get3A_780 {offsets = [27], sizes = [1], strides = [1]} : vector<32xi32> to vector<1xi32>
      %squeeze3A_1106 = vector.extract %slice3A_1105[0] : i32 from vector<1xi32>
      %add3A_1107 = arith.constant 27 : i32
      %add3A_1108 = arith.addi %mul3A_777, %add3A_1107 : i32
      %dma_start3A_1109 = arith.constant 0 : i32
      %dma_start3A_1110 = tpu.memref_slice %arg6[%add3A_1108, %dma_start3A_1109] : memref<512x100xf32, #tpu.memory_space<vmem>> -> memref<1x100xf32, #tpu.memory_space<vmem>>
      %dma_start3A_1111 = arith.constant 0 : i32
      %dma_start3A_1112 = tpu.memref_slice %arg3[%squeeze3A_1106, %dma_start3A_1111] : memref<1000000x100xf32, #tpu.memory_space<hbm>> -> memref<1x100xf32, #tpu.memory_space<hbm>>
      %dma_start3A_1113 = arith.constant 0 : i32
      %dma_start3A_1114 = tpu.memref_slice %arg6[%add3A_1108, %dma_start3A_1113] : memref<512x100xf32, #tpu.memory_space<vmem>> -> memref<1x100xf32, #tpu.memory_space<vmem>>
      %dma_start3A_1115 = arith.constant 0 : i32
      %dma_start3A_1116 = tpu.memref_slice %arg3[%squeeze3A_1106, %dma_start3A_1115] : memref<1000000x100xf32, #tpu.memory_space<hbm>> -> memref<1x100xf32, #tpu.memory_space<hbm>>
      tpu.enqueue_dma source(%dma_start3A_1116 : memref<1x100xf32, #tpu.memory_space<hbm>>) target(%dma_start3A_1114 : memref<1x100xf32, #tpu.memory_space<vmem>>) target_semaphore(%arg7 : memref<!tpu.dma_semaphore, #tpu.memory_space<semaphore_mem>>)
      %slice3A_1117 = vector.extract_strided_slice %get3A_780 {offsets = [28], sizes = [1], strides = [1]} : vector<32xi32> to vector<1xi32>
      %squeeze3A_1118 = vector.extract %slice3A_1117[0] : i32 from vector<1xi32>
      %add3A_1119 = arith.constant 28 : i32
      %add3A_1120 = arith.addi %mul3A_777, %add3A_1119 : i32
      %dma_start3A_1121 = arith.constant 0 : i32
      %dma_start3A_1122 = tpu.memref_slice %arg6[%add3A_1120, %dma_start3A_1121] : memref<512x100xf32, #tpu.memory_space<vmem>> -> memref<1x100xf32, #tpu.memory_space<vmem>>
      %dma_start3A_1123 = arith.constant 0 : i32
      %dma_start3A_1124 = tpu.memref_slice %arg3[%squeeze3A_1118, %dma_start3A_1123] : memref<1000000x100xf32, #tpu.memory_space<hbm>> -> memref<1x100xf32, #tpu.memory_space<hbm>>
      %dma_start3A_1125 = arith.constant 0 : i32
      %dma_start3A_1126 = tpu.memref_slice %arg6[%add3A_1120, %dma_start3A_1125] : memref<512x100xf32, #tpu.memory_space<vmem>> -> memref<1x100xf32, #tpu.memory_space<vmem>>
      %dma_start3A_1127 = arith.constant 0 : i32
      %dma_start3A_1128 = tpu.memref_slice %arg3[%squeeze3A_1118, %dma_start3A_1127] : memref<1000000x100xf32, #tpu.memory_space<hbm>> -> memref<1x100xf32, #tpu.memory_space<hbm>>
      tpu.enqueue_dma source(%dma_start3A_1128 : memref<1x100xf32, #tpu.memory_space<hbm>>) target(%dma_start3A_1126 : memref<1x100xf32, #tpu.memory_space<vmem>>) target_semaphore(%arg7 : memref<!tpu.dma_semaphore, #tpu.memory_space<semaphore_mem>>)
      %slice3A_1129 = vector.extract_strided_slice %get3A_780 {offsets = [29], sizes = [1], strides = [1]} : vector<32xi32> to vector<1xi32>
      %squeeze3A_1130 = vector.extract %slice3A_1129[0] : i32 from vector<1xi32>
      %add3A_1131 = arith.constant 29 : i32
      %add3A_1132 = arith.addi %mul3A_777, %add3A_1131 : i32
      %dma_start3A_1133 = arith.constant 0 : i32
      %dma_start3A_1134 = tpu.memref_slice %arg6[%add3A_1132, %dma_start3A_1133] : memref<512x100xf32, #tpu.memory_space<vmem>> -> memref<1x100xf32, #tpu.memory_space<vmem>>
      %dma_start3A_1135 = arith.constant 0 : i32
      %dma_start3A_1136 = tpu.memref_slice %arg3[%squeeze3A_1130, %dma_start3A_1135] : memref<1000000x100xf32, #tpu.memory_space<hbm>> -> memref<1x100xf32, #tpu.memory_space<hbm>>
      %dma_start3A_1137 = arith.constant 0 : i32
      %dma_start3A_1138 = tpu.memref_slice %arg6[%add3A_1132, %dma_start3A_1137] : memref<512x100xf32, #tpu.memory_space<vmem>> -> memref<1x100xf32, #tpu.memory_space<vmem>>
      %dma_start3A_1139 = arith.constant 0 : i32
      %dma_start3A_1140 = tpu.memref_slice %arg3[%squeeze3A_1130, %dma_start3A_1139] : memref<1000000x100xf32, #tpu.memory_space<hbm>> -> memref<1x100xf32, #tpu.memory_space<hbm>>
      tpu.enqueue_dma source(%dma_start3A_1140 : memref<1x100xf32, #tpu.memory_space<hbm>>) target(%dma_start3A_1138 : memref<1x100xf32, #tpu.memory_space<vmem>>) target_semaphore(%arg7 : memref<!tpu.dma_semaphore, #tpu.memory_space<semaphore_mem>>)
      %slice3A_1141 = vector.extract_strided_slice %get3A_780 {offsets = [30], sizes = [1], strides = [1]} : vector<32xi32> to vector<1xi32>
      %squeeze3A_1142 = vector.extract %slice3A_1141[0] : i32 from vector<1xi32>
      %add3A_1143 = arith.constant 30 : i32
      %add3A_1144 = arith.addi %mul3A_777, %add3A_1143 : i32
      %dma_start3A_1145 = arith.constant 0 : i32
      %dma_start3A_1146 = tpu.memref_slice %arg6[%add3A_1144, %dma_start3A_1145] : memref<512x100xf32, #tpu.memory_space<vmem>> -> memref<1x100xf32, #tpu.memory_space<vmem>>
      %dma_start3A_1147 = arith.constant 0 : i32
      %dma_start3A_1148 = tpu.memref_slice %arg3[%squeeze3A_1142, %dma_start3A_1147] : memref<1000000x100xf32, #tpu.memory_space<hbm>> -> memref<1x100xf32, #tpu.memory_space<hbm>>
      %dma_start3A_1149 = arith.constant 0 : i32
      %dma_start3A_1150 = tpu.memref_slice %arg6[%add3A_1144, %dma_start3A_1149] : memref<512x100xf32, #tpu.memory_space<vmem>> -> memref<1x100xf32, #tpu.memory_space<vmem>>
      %dma_start3A_1151 = arith.constant 0 : i32
      %dma_start3A_1152 = tpu.memref_slice %arg3[%squeeze3A_1142, %dma_start3A_1151] : memref<1000000x100xf32, #tpu.memory_space<hbm>> -> memref<1x100xf32, #tpu.memory_space<hbm>>
      tpu.enqueue_dma source(%dma_start3A_1152 : memref<1x100xf32, #tpu.memory_space<hbm>>) target(%dma_start3A_1150 : memref<1x100xf32, #tpu.memory_space<vmem>>) target_semaphore(%arg7 : memref<!tpu.dma_semaphore, #tpu.memory_space<semaphore_mem>>)
      %slice3A_1153 = vector.extract_strided_slice %get3A_780 {offsets = [31], sizes = [1], strides = [1]} : vector<32xi32> to vector<1xi32>
      %squeeze3A_1154 = vector.extract %slice3A_1153[0] : i32 from vector<1xi32>
      %add3A_1155 = arith.constant 31 : i32
      %add3A_1156 = arith.addi %mul3A_777, %add3A_1155 : i32
      %dma_start3A_1157 = arith.constant 0 : i32
      %dma_start3A_1158 = tpu.memref_slice %arg6[%add3A_1156, %dma_start3A_1157] : memref<512x100xf32, #tpu.memory_space<vmem>> -> memref<1x100xf32, #tpu.memory_space<vmem>>
      %dma_start3A_1159 = arith.constant 0 : i32
      %dma_start3A_1160 = tpu.memref_slice %arg3[%squeeze3A_1154, %dma_start3A_1159] : memref<1000000x100xf32, #tpu.memory_space<hbm>> -> memref<1x100xf32, #tpu.memory_space<hbm>>
      %dma_start3A_1161 = arith.constant 0 : i32
      %dma_start3A_1162 = tpu.memref_slice %arg6[%add3A_1156, %dma_start3A_1161] : memref<512x100xf32, #tpu.memory_space<vmem>> -> memref<1x100xf32, #tpu.memory_space<vmem>>
      %dma_start3A_1163 = arith.constant 0 : i32
      %dma_start3A_1164 = tpu.memref_slice %arg3[%squeeze3A_1154, %dma_start3A_1163] : memref<1000000x100xf32, #tpu.memory_space<hbm>> -> memref<1x100xf32, #tpu.memory_space<hbm>>
      tpu.enqueue_dma source(%dma_start3A_1164 : memref<1x100xf32, #tpu.memory_space<hbm>>) target(%dma_start3A_1162 : memref<1x100xf32, #tpu.memory_space<vmem>>) target_semaphore(%arg7 : memref<!tpu.dma_semaphore, #tpu.memory_space<semaphore_mem>>)
      %dma_wait3A_1165 = arith.constant 0 : i32
      %dma_wait3A_1166 = arith.constant 0 : i32
      %dma_wait3A_1167 = tpu.memref_slice %arg6[%dma_wait3A_1165, %dma_wait3A_1166] : memref<512x100xf32, #tpu.memory_space<vmem>> -> memref<1x100xf32, #tpu.memory_space<vmem>>
      %dma_wait3A_1168 = arith.constant 0 : i32
      %dma_wait3A_1169 = arith.constant 0 : i32
      %dma_wait3A_1170 = tpu.memref_slice %arg3[%dma_wait3A_1168, %dma_wait3A_1169] : memref<1000000x100xf32, #tpu.memory_space<hbm>> -> memref<1x100xf32, #tpu.memory_space<hbm>>
      %dma_wait3A_1171 = arith.constant 0 : i32
      %dma_wait3A_1172 = arith.constant 0 : i32
      %dma_wait3A_1173 = tpu.memref_slice %arg6[%dma_wait3A_1171, %dma_wait3A_1172] : memref<512x100xf32, #tpu.memory_space<vmem>> -> memref<1x100xf32, #tpu.memory_space<vmem>>
      %dma_wait3A_1174 = arith.constant 0 : i32
      %dma_wait3A_1175 = arith.constant 0 : i32
      %dma_wait3A_1176 = tpu.memref_slice %arg3[%dma_wait3A_1174, %dma_wait3A_1175] : memref<1000000x100xf32, #tpu.memory_space<hbm>> -> memref<1x100xf32, #tpu.memory_space<hbm>>
      tpu.wait_dma2 semaphore(%arg7 : memref<!tpu.dma_semaphore, #tpu.memory_space<semaphore_mem>>) src(%dma_wait3A_1176 : memref<1x100xf32, #tpu.memory_space<hbm>>) dst(%dma_wait3A_1173 : memref<1x100xf32, #tpu.memory_space<vmem>>)
      %dma_wait3A_1177 = arith.constant 0 : i32
      %dma_wait3A_1178 = arith.constant 0 : i32
      %dma_wait3A_1179 = tpu.memref_slice %arg6[%dma_wait3A_1177, %dma_wait3A_1178] : memref<512x100xf32, #tpu.memory_space<vmem>> -> memref<1x100xf32, #tpu.memory_space<vmem>>
      %dma_wait3A_1180 = arith.constant 0 : i32
      %dma_wait3A_1181 = arith.constant 0 : i32
      %dma_wait3A_1182 = tpu.memref_slice %arg3[%dma_wait3A_1180, %dma_wait3A_1181] : memref<1000000x100xf32, #tpu.memory_space<hbm>> -> memref<1x100xf32, #tpu.memory_space<hbm>>
      %dma_wait3A_1183 = arith.constant 0 : i32
      %dma_wait3A_1184 = arith.constant 0 : i32
      %dma_wait3A_1185 = tpu.memref_slice %arg6[%dma_wait3A_1183, %dma_wait3A_1184] : memref<512x100xf32, #tpu.memory_space<vmem>> -> memref<1x100xf32, #tpu.memory_space<vmem>>
      %dma_wait3A_1186 = arith.constant 0 : i32
      %dma_wait3A_1187 = arith.constant 0 : i32
      %dma_wait3A_1188 = tpu.memref_slice %arg3[%dma_wait3A_1186, %dma_wait3A_1187] : memref<1000000x100xf32, #tpu.memory_space<hbm>> -> memref<1x100xf32, #tpu.memory_space<hbm>>
      tpu.wait_dma2 semaphore(%arg7 : memref<!tpu.dma_semaphore, #tpu.memory_space<semaphore_mem>>) src(%dma_wait3A_1188 : memref<1x100xf32, #tpu.memory_space<hbm>>) dst(%dma_wait3A_1185 : memref<1x100xf32, #tpu.memory_space<vmem>>)
      %dma_wait3A_1189 = arith.constant 0 : i32
      %dma_wait3A_1190 = arith.constant 0 : i32
      %dma_wait3A_1191 = tpu.memref_slice %arg6[%dma_wait3A_1189, %dma_wait3A_1190] : memref<512x100xf32, #tpu.memory_space<vmem>> -> memref<1x100xf32, #tpu.memory_space<vmem>>
      %dma_wait3A_1192 = arith.constant 0 : i32
      %dma_wait3A_1193 = arith.constant 0 : i32
      %dma_wait3A_1194 = tpu.memref_slice %arg3[%dma_wait3A_1192, %dma_wait3A_1193] : memref<1000000x100xf32, #tpu.memory_space<hbm>> -> memref<1x100xf32, #tpu.memory_space<hbm>>
      %dma_wait3A_1195 = arith.constant 0 : i32
      %dma_wait3A_1196 = arith.constant 0 : i32
      %dma_wait3A_1197 = tpu.memref_slice %arg6[%dma_wait3A_1195, %dma_wait3A_1196] : memref<512x100xf32, #tpu.memory_space<vmem>> -> memref<1x100xf32, #tpu.memory_space<vmem>>
      %dma_wait3A_1198 = arith.constant 0 : i32
      %dma_wait3A_1199 = arith.constant 0 : i32
      %dma_wait3A_1200 = tpu.memref_slice %arg3[%dma_wait3A_1198, %dma_wait3A_1199] : memref<1000000x100xf32, #tpu.memory_space<hbm>> -> memref<1x100xf32, #tpu.memory_space<hbm>>
      tpu.wait_dma2 semaphore(%arg7 : memref<!tpu.dma_semaphore, #tpu.memory_space<semaphore_mem>>) src(%dma_wait3A_1200 : memref<1x100xf32, #tpu.memory_space<hbm>>) dst(%dma_wait3A_1197 : memref<1x100xf32, #tpu.memory_space<vmem>>)
      %dma_wait3A_1201 = arith.constant 0 : i32
      %dma_wait3A_1202 = arith.constant 0 : i32
      %dma_wait3A_1203 = tpu.memref_slice %arg6[%dma_wait3A_1201, %dma_wait3A_1202] : memref<512x100xf32, #tpu.memory_space<vmem>> -> memref<1x100xf32, #tpu.memory_space<vmem>>
      %dma_wait3A_1204 = arith.constant 0 : i32
      %dma_wait3A_1205 = arith.constant 0 : i32
      %dma_wait3A_1206 = tpu.memref_slice %arg3[%dma_wait3A_1204, %dma_wait3A_1205] : memref<1000000x100xf32, #tpu.memory_space<hbm>> -> memref<1x100xf32, #tpu.memory_space<hbm>>
      %dma_wait3A_1207 = arith.constant 0 : i32
      %dma_wait3A_1208 = arith.constant 0 : i32
      %dma_wait3A_1209 = tpu.memref_slice %arg6[%dma_wait3A_1207, %dma_wait3A_1208] : memref<512x100xf32, #tpu.memory_space<vmem>> -> memref<1x100xf32, #tpu.memory_space<vmem>>
      %dma_wait3A_1210 = arith.constant 0 : i32
      %dma_wait3A_1211 = arith.constant 0 : i32
      %dma_wait3A_1212 = tpu.memref_slice %arg3[%dma_wait3A_1210, %dma_wait3A_1211] : memref<1000000x100xf32, #tpu.memory_space<hbm>> -> memref<1x100xf32, #tpu.memory_space<hbm>>
      tpu.wait_dma2 semaphore(%arg7 : memref<!tpu.dma_semaphore, #tpu.memory_space<semaphore_mem>>) src(%dma_wait3A_1212 : memref<1x100xf32, #tpu.memory_space<hbm>>) dst(%dma_wait3A_1209 : memref<1x100xf32, #tpu.memory_space<vmem>>)
      %dma_wait3A_1213 = arith.constant 0 : i32
      %dma_wait3A_1214 = arith.constant 0 : i32
      %dma_wait3A_1215 = tpu.memref_slice %arg6[%dma_wait3A_1213, %dma_wait3A_1214] : memref<512x100xf32, #tpu.memory_space<vmem>> -> memref<1x100xf32, #tpu.memory_space<vmem>>
      %dma_wait3A_1216 = arith.constant 0 : i32
      %dma_wait3A_1217 = arith.constant 0 : i32
      %dma_wait3A_1218 = tpu.memref_slice %arg3[%dma_wait3A_1216, %dma_wait3A_1217] : memref<1000000x100xf32, #tpu.memory_space<hbm>> -> memref<1x100xf32, #tpu.memory_space<hbm>>
      %dma_wait3A_1219 = arith.constant 0 : i32
      %dma_wait3A_1220 = arith.constant 0 : i32
      %dma_wait3A_1221 = tpu.memref_slice %arg6[%dma_wait3A_1219, %dma_wait3A_1220] : memref<512x100xf32, #tpu.memory_space<vmem>> -> memref<1x100xf32, #tpu.memory_space<vmem>>
      %dma_wait3A_1222 = arith.constant 0 : i32
      %dma_wait3A_1223 = arith.constant 0 : i32
      %dma_wait3A_1224 = tpu.memref_slice %arg3[%dma_wait3A_1222, %dma_wait3A_1223] : memref<1000000x100xf32, #tpu.memory_space<hbm>> -> memref<1x100xf32, #tpu.memory_space<hbm>>
      tpu.wait_dma2 semaphore(%arg7 : memref<!tpu.dma_semaphore, #tpu.memory_space<semaphore_mem>>) src(%dma_wait3A_1224 : memref<1x100xf32, #tpu.memory_space<hbm>>) dst(%dma_wait3A_1221 : memref<1x100xf32, #tpu.memory_space<vmem>>)
      %dma_wait3A_1225 = arith.constant 0 : i32
      %dma_wait3A_1226 = arith.constant 0 : i32
      %dma_wait3A_1227 = tpu.memref_slice %arg6[%dma_wait3A_1225, %dma_wait3A_1226] : memref<512x100xf32, #tpu.memory_space<vmem>> -> memref<1x100xf32, #tpu.memory_space<vmem>>
      %dma_wait3A_1228 = arith.constant 0 : i32
      %dma_wait3A_1229 = arith.constant 0 : i32
      %dma_wait3A_1230 = tpu.memref_slice %arg3[%dma_wait3A_1228, %dma_wait3A_1229] : memref<1000000x100xf32, #tpu.memory_space<hbm>> -> memref<1x100xf32, #tpu.memory_space<hbm>>
      %dma_wait3A_1231 = arith.constant 0 : i32
      %dma_wait3A_1232 = arith.constant 0 : i32
      %dma_wait3A_1233 = tpu.memref_slice %arg6[%dma_wait3A_1231, %dma_wait3A_1232] : memref<512x100xf32, #tpu.memory_space<vmem>> -> memref<1x100xf32, #tpu.memory_space<vmem>>
      %dma_wait3A_1234 = arith.constant 0 : i32
      %dma_wait3A_1235 = arith.constant 0 : i32
      %dma_wait3A_1236 = tpu.memref_slice %arg3[%dma_wait3A_1234, %dma_wait3A_1235] : memref<1000000x100xf32, #tpu.memory_space<hbm>> -> memref<1x100xf32, #tpu.memory_space<hbm>>
      tpu.wait_dma2 semaphore(%arg7 : memref<!tpu.dma_semaphore, #tpu.memory_space<semaphore_mem>>) src(%dma_wait3A_1236 : memref<1x100xf32, #tpu.memory_space<hbm>>) dst(%dma_wait3A_1233 : memref<1x100xf32, #tpu.memory_space<vmem>>)
      %dma_wait3A_1237 = arith.constant 0 : i32
      %dma_wait3A_1238 = arith.constant 0 : i32
      %dma_wait3A_1239 = tpu.memref_slice %arg6[%dma_wait3A_1237, %dma_wait3A_1238] : memref<512x100xf32, #tpu.memory_space<vmem>> -> memref<1x100xf32, #tpu.memory_space<vmem>>
      %dma_wait3A_1240 = arith.constant 0 : i32
      %dma_wait3A_1241 = arith.constant 0 : i32
      %dma_wait3A_1242 = tpu.memref_slice %arg3[%dma_wait3A_1240, %dma_wait3A_1241] : memref<1000000x100xf32, #tpu.memory_space<hbm>> -> memref<1x100xf32, #tpu.memory_space<hbm>>
      %dma_wait3A_1243 = arith.constant 0 : i32
      %dma_wait3A_1244 = arith.constant 0 : i32
      %dma_wait3A_1245 = tpu.memref_slice %arg6[%dma_wait3A_1243, %dma_wait3A_1244] : memref<512x100xf32, #tpu.memory_space<vmem>> -> memref<1x100xf32, #tpu.memory_space<vmem>>
      %dma_wait3A_1246 = arith.constant 0 : i32
      %dma_wait3A_1247 = arith.constant 0 : i32
      %dma_wait3A_1248 = tpu.memref_slice %arg3[%dma_wait3A_1246, %dma_wait3A_1247] : memref<1000000x100xf32, #tpu.memory_space<hbm>> -> memref<1x100xf32, #tpu.memory_space<hbm>>
      tpu.wait_dma2 semaphore(%arg7 : memref<!tpu.dma_semaphore, #tpu.memory_space<semaphore_mem>>) src(%dma_wait3A_1248 : memref<1x100xf32, #tpu.memory_space<hbm>>) dst(%dma_wait3A_1245 : memref<1x100xf32, #tpu.memory_space<vmem>>)
      %dma_wait3A_1249 = arith.constant 0 : i32
      %dma_wait3A_1250 = arith.constant 0 : i32
      %dma_wait3A_1251 = tpu.memref_slice %arg6[%dma_wait3A_1249, %dma_wait3A_1250] : memref<512x100xf32, #tpu.memory_space<vmem>> -> memref<1x100xf32, #tpu.memory_space<vmem>>
      %dma_wait3A_1252 = arith.constant 0 : i32
      %dma_wait3A_1253 = arith.constant 0 : i32
      %dma_wait3A_1254 = tpu.memref_slice %arg3[%dma_wait3A_1252, %dma_wait3A_1253] : memref<1000000x100xf32, #tpu.memory_space<hbm>> -> memref<1x100xf32, #tpu.memory_space<hbm>>
      %dma_wait3A_1255 = arith.constant 0 : i32
      %dma_wait3A_1256 = arith.constant 0 : i32
      %dma_wait3A_1257 = tpu.memref_slice %arg6[%dma_wait3A_1255, %dma_wait3A_1256] : memref<512x100xf32, #tpu.memory_space<vmem>> -> memref<1x100xf32, #tpu.memory_space<vmem>>
      %dma_wait3A_1258 = arith.constant 0 : i32
      %dma_wait3A_1259 = arith.constant 0 : i32
      %dma_wait3A_1260 = tpu.memref_slice %arg3[%dma_wait3A_1258, %dma_wait3A_1259] : memref<1000000x100xf32, #tpu.memory_space<hbm>> -> memref<1x100xf32, #tpu.memory_space<hbm>>
      tpu.wait_dma2 semaphore(%arg7 : memref<!tpu.dma_semaphore, #tpu.memory_space<semaphore_mem>>) src(%dma_wait3A_1260 : memref<1x100xf32, #tpu.memory_space<hbm>>) dst(%dma_wait3A_1257 : memref<1x100xf32, #tpu.memory_space<vmem>>)
      %dma_wait3A_1261 = arith.constant 0 : i32
      %dma_wait3A_1262 = arith.constant 0 : i32
      %dma_wait3A_1263 = tpu.memref_slice %arg6[%dma_wait3A_1261, %dma_wait3A_1262] : memref<512x100xf32, #tpu.memory_space<vmem>> -> memref<1x100xf32, #tpu.memory_space<vmem>>
      %dma_wait3A_1264 = arith.constant 0 : i32
      %dma_wait3A_1265 = arith.constant 0 : i32
      %dma_wait3A_1266 = tpu.memref_slice %arg3[%dma_wait3A_1264, %dma_wait3A_1265] : memref<1000000x100xf32, #tpu.memory_space<hbm>> -> memref<1x100xf32, #tpu.memory_space<hbm>>
      %dma_wait3A_1267 = arith.constant 0 : i32
      %dma_wait3A_1268 = arith.constant 0 : i32
      %dma_wait3A_1269 = tpu.memref_slice %arg6[%dma_wait3A_1267, %dma_wait3A_1268] : memref<512x100xf32, #tpu.memory_space<vmem>> -> memref<1x100xf32, #tpu.memory_space<vmem>>
      %dma_wait3A_1270 = arith.constant 0 : i32
      %dma_wait3A_1271 = arith.constant 0 : i32
      %dma_wait3A_1272 = tpu.memref_slice %arg3[%dma_wait3A_1270, %dma_wait3A_1271] : memref<1000000x100xf32, #tpu.memory_space<hbm>> -> memref<1x100xf32, #tpu.memory_space<hbm>>
      tpu.wait_dma2 semaphore(%arg7 : memref<!tpu.dma_semaphore, #tpu.memory_space<semaphore_mem>>) src(%dma_wait3A_1272 : memref<1x100xf32, #tpu.memory_space<hbm>>) dst(%dma_wait3A_1269 : memref<1x100xf32, #tpu.memory_space<vmem>>)
      %dma_wait3A_1273 = arith.constant 0 : i32
      %dma_wait3A_1274 = arith.constant 0 : i32
      %dma_wait3A_1275 = tpu.memref_slice %arg6[%dma_wait3A_1273, %dma_wait3A_1274] : memref<512x100xf32, #tpu.memory_space<vmem>> -> memref<1x100xf32, #tpu.memory_space<vmem>>
      %dma_wait3A_1276 = arith.constant 0 : i32
      %dma_wait3A_1277 = arith.constant 0 : i32
      %dma_wait3A_1278 = tpu.memref_slice %arg3[%dma_wait3A_1276, %dma_wait3A_1277] : memref<1000000x100xf32, #tpu.memory_space<hbm>> -> memref<1x100xf32, #tpu.memory_space<hbm>>
      %dma_wait3A_1279 = arith.constant 0 : i32
      %dma_wait3A_1280 = arith.constant 0 : i32
      %dma_wait3A_1281 = tpu.memref_slice %arg6[%dma_wait3A_1279, %dma_wait3A_1280] : memref<512x100xf32, #tpu.memory_space<vmem>> -> memref<1x100xf32, #tpu.memory_space<vmem>>
      %dma_wait3A_1282 = arith.constant 0 : i32
      %dma_wait3A_1283 = arith.constant 0 : i32
      %dma_wait3A_1284 = tpu.memref_slice %arg3[%dma_wait3A_1282, %dma_wait3A_1283] : memref<1000000x100xf32, #tpu.memory_space<hbm>> -> memref<1x100xf32, #tpu.memory_space<hbm>>
      tpu.wait_dma2 semaphore(%arg7 : memref<!tpu.dma_semaphore, #tpu.memory_space<semaphore_mem>>) src(%dma_wait3A_1284 : memref<1x100xf32, #tpu.memory_space<hbm>>) dst(%dma_wait3A_1281 : memref<1x100xf32, #tpu.memory_space<vmem>>)
      %dma_wait3A_1285 = arith.constant 0 : i32
      %dma_wait3A_1286 = arith.constant 0 : i32
      %dma_wait3A_1287 = tpu.memref_slice %arg6[%dma_wait3A_1285, %dma_wait3A_1286] : memref<512x100xf32, #tpu.memory_space<vmem>> -> memref<1x100xf32, #tpu.memory_space<vmem>>
      %dma_wait3A_1288 = arith.constant 0 : i32
      %dma_wait3A_1289 = arith.constant 0 : i32
      %dma_wait3A_1290 = tpu.memref_slice %arg3[%dma_wait3A_1288, %dma_wait3A_1289] : memref<1000000x100xf32, #tpu.memory_space<hbm>> -> memref<1x100xf32, #tpu.memory_space<hbm>>
      %dma_wait3A_1291 = arith.constant 0 : i32
      %dma_wait3A_1292 = arith.constant 0 : i32
      %dma_wait3A_1293 = tpu.memref_slice %arg6[%dma_wait3A_1291, %dma_wait3A_1292] : memref<512x100xf32, #tpu.memory_space<vmem>> -> memref<1x100xf32, #tpu.memory_space<vmem>>
      %dma_wait3A_1294 = arith.constant 0 : i32
      %dma_wait3A_1295 = arith.constant 0 : i32
      %dma_wait3A_1296 = tpu.memref_slice %arg3[%dma_wait3A_1294, %dma_wait3A_1295] : memref<1000000x100xf32, #tpu.memory_space<hbm>> -> memref<1x100xf32, #tpu.memory_space<hbm>>
      tpu.wait_dma2 semaphore(%arg7 : memref<!tpu.dma_semaphore, #tpu.memory_space<semaphore_mem>>) src(%dma_wait3A_1296 : memref<1x100xf32, #tpu.memory_space<hbm>>) dst(%dma_wait3A_1293 : memref<1x100xf32, #tpu.memory_space<vmem>>)
      %dma_wait3A_1297 = arith.constant 0 : i32
      %dma_wait3A_1298 = arith.constant 0 : i32
      %dma_wait3A_1299 = tpu.memref_slice %arg6[%dma_wait3A_1297, %dma_wait3A_1298] : memref<512x100xf32, #tpu.memory_space<vmem>> -> memref<1x100xf32, #tpu.memory_space<vmem>>
      %dma_wait3A_1300 = arith.constant 0 : i32
      %dma_wait3A_1301 = arith.constant 0 : i32
      %dma_wait3A_1302 = tpu.memref_slice %arg3[%dma_wait3A_1300, %dma_wait3A_1301] : memref<1000000x100xf32, #tpu.memory_space<hbm>> -> memref<1x100xf32, #tpu.memory_space<hbm>>
      %dma_wait3A_1303 = arith.constant 0 : i32
      %dma_wait3A_1304 = arith.constant 0 : i32
      %dma_wait3A_1305 = tpu.memref_slice %arg6[%dma_wait3A_1303, %dma_wait3A_1304] : memref<512x100xf32, #tpu.memory_space<vmem>> -> memref<1x100xf32, #tpu.memory_space<vmem>>
      %dma_wait3A_1306 = arith.constant 0 : i32
      %dma_wait3A_1307 = arith.constant 0 : i32
      %dma_wait3A_1308 = tpu.memref_slice %arg3[%dma_wait3A_1306, %dma_wait3A_1307] : memref<1000000x100xf32, #tpu.memory_space<hbm>> -> memref<1x100xf32, #tpu.memory_space<hbm>>
      tpu.wait_dma2 semaphore(%arg7 : memref<!tpu.dma_semaphore, #tpu.memory_space<semaphore_mem>>) src(%dma_wait3A_1308 : memref<1x100xf32, #tpu.memory_space<hbm>>) dst(%dma_wait3A_1305 : memref<1x100xf32, #tpu.memory_space<vmem>>)
      %dma_wait3A_1309 = arith.constant 0 : i32
      %dma_wait3A_1310 = arith.constant 0 : i32
      %dma_wait3A_1311 = tpu.memref_slice %arg6[%dma_wait3A_1309, %dma_wait3A_1310] : memref<512x100xf32, #tpu.memory_space<vmem>> -> memref<1x100xf32, #tpu.memory_space<vmem>>
      %dma_wait3A_1312 = arith.constant 0 : i32
      %dma_wait3A_1313 = arith.constant 0 : i32
      %dma_wait3A_1314 = tpu.memref_slice %arg3[%dma_wait3A_1312, %dma_wait3A_1313] : memref<1000000x100xf32, #tpu.memory_space<hbm>> -> memref<1x100xf32, #tpu.memory_space<hbm>>
      %dma_wait3A_1315 = arith.constant 0 : i32
      %dma_wait3A_1316 = arith.constant 0 : i32
      %dma_wait3A_1317 = tpu.memref_slice %arg6[%dma_wait3A_1315, %dma_wait3A_1316] : memref<512x100xf32, #tpu.memory_space<vmem>> -> memref<1x100xf32, #tpu.memory_space<vmem>>
      %dma_wait3A_1318 = arith.constant 0 : i32
      %dma_wait3A_1319 = arith.constant 0 : i32
      %dma_wait3A_1320 = tpu.memref_slice %arg3[%dma_wait3A_1318, %dma_wait3A_1319] : memref<1000000x100xf32, #tpu.memory_space<hbm>> -> memref<1x100xf32, #tpu.memory_space<hbm>>
      tpu.wait_dma2 semaphore(%arg7 : memref<!tpu.dma_semaphore, #tpu.memory_space<semaphore_mem>>) src(%dma_wait3A_1320 : memref<1x100xf32, #tpu.memory_space<hbm>>) dst(%dma_wait3A_1317 : memref<1x100xf32, #tpu.memory_space<vmem>>)
      %dma_wait3A_1321 = arith.constant 0 : i32
      %dma_wait3A_1322 = arith.constant 0 : i32
      %dma_wait3A_1323 = tpu.memref_slice %arg6[%dma_wait3A_1321, %dma_wait3A_1322] : memref<512x100xf32, #tpu.memory_space<vmem>> -> memref<1x100xf32, #tpu.memory_space<vmem>>
      %dma_wait3A_1324 = arith.constant 0 : i32
      %dma_wait3A_1325 = arith.constant 0 : i32
      %dma_wait3A_1326 = tpu.memref_slice %arg3[%dma_wait3A_1324, %dma_wait3A_1325] : memref<1000000x100xf32, #tpu.memory_space<hbm>> -> memref<1x100xf32, #tpu.memory_space<hbm>>
      %dma_wait3A_1327 = arith.constant 0 : i32
      %dma_wait3A_1328 = arith.constant 0 : i32
      %dma_wait3A_1329 = tpu.memref_slice %arg6[%dma_wait3A_1327, %dma_wait3A_1328] : memref<512x100xf32, #tpu.memory_space<vmem>> -> memref<1x100xf32, #tpu.memory_space<vmem>>
      %dma_wait3A_1330 = arith.constant 0 : i32
      %dma_wait3A_1331 = arith.constant 0 : i32
      %dma_wait3A_1332 = tpu.memref_slice %arg3[%dma_wait3A_1330, %dma_wait3A_1331] : memref<1000000x100xf32, #tpu.memory_space<hbm>> -> memref<1x100xf32, #tpu.memory_space<hbm>>
      tpu.wait_dma2 semaphore(%arg7 : memref<!tpu.dma_semaphore, #tpu.memory_space<semaphore_mem>>) src(%dma_wait3A_1332 : memref<1x100xf32, #tpu.memory_space<hbm>>) dst(%dma_wait3A_1329 : memref<1x100xf32, #tpu.memory_space<vmem>>)
      %dma_wait3A_1333 = arith.constant 0 : i32
      %dma_wait3A_1334 = arith.constant 0 : i32
      %dma_wait3A_1335 = tpu.memref_slice %arg6[%dma_wait3A_1333, %dma_wait3A_1334] : memref<512x100xf32, #tpu.memory_space<vmem>> -> memref<1x100xf32, #tpu.memory_space<vmem>>
      %dma_wait3A_1336 = arith.constant 0 : i32
      %dma_wait3A_1337 = arith.constant 0 : i32
      %dma_wait3A_1338 = tpu.memref_slice %arg3[%dma_wait3A_1336, %dma_wait3A_1337] : memref<1000000x100xf32, #tpu.memory_space<hbm>> -> memref<1x100xf32, #tpu.memory_space<hbm>>
      %dma_wait3A_1339 = arith.constant 0 : i32
      %dma_wait3A_1340 = arith.constant 0 : i32
      %dma_wait3A_1341 = tpu.memref_slice %arg6[%dma_wait3A_1339, %dma_wait3A_1340] : memref<512x100xf32, #tpu.memory_space<vmem>> -> memref<1x100xf32, #tpu.memory_space<vmem>>
      %dma_wait3A_1342 = arith.constant 0 : i32
      %dma_wait3A_1343 = arith.constant 0 : i32
      %dma_wait3A_1344 = tpu.memref_slice %arg3[%dma_wait3A_1342, %dma_wait3A_1343] : memref<1000000x100xf32, #tpu.memory_space<hbm>> -> memref<1x100xf32, #tpu.memory_space<hbm>>
      tpu.wait_dma2 semaphore(%arg7 : memref<!tpu.dma_semaphore, #tpu.memory_space<semaphore_mem>>) src(%dma_wait3A_1344 : memref<1x100xf32, #tpu.memory_space<hbm>>) dst(%dma_wait3A_1341 : memref<1x100xf32, #tpu.memory_space<vmem>>)
      %dma_wait3A_1345 = arith.constant 0 : i32
      %dma_wait3A_1346 = arith.constant 0 : i32
      %dma_wait3A_1347 = tpu.memref_slice %arg6[%dma_wait3A_1345, %dma_wait3A_1346] : memref<512x100xf32, #tpu.memory_space<vmem>> -> memref<1x100xf32, #tpu.memory_space<vmem>>
      %dma_wait3A_1348 = arith.constant 0 : i32
      %dma_wait3A_1349 = arith.constant 0 : i32
      %dma_wait3A_1350 = tpu.memref_slice %arg3[%dma_wait3A_1348, %dma_wait3A_1349] : memref<1000000x100xf32, #tpu.memory_space<hbm>> -> memref<1x100xf32, #tpu.memory_space<hbm>>
      %dma_wait3A_1351 = arith.constant 0 : i32
      %dma_wait3A_1352 = arith.constant 0 : i32
      %dma_wait3A_1353 = tpu.memref_slice %arg6[%dma_wait3A_1351, %dma_wait3A_1352] : memref<512x100xf32, #tpu.memory_space<vmem>> -> memref<1x100xf32, #tpu.memory_space<vmem>>
      %dma_wait3A_1354 = arith.constant 0 : i32
      %dma_wait3A_1355 = arith.constant 0 : i32
      %dma_wait3A_1356 = tpu.memref_slice %arg3[%dma_wait3A_1354, %dma_wait3A_1355] : memref<1000000x100xf32, #tpu.memory_space<hbm>> -> memref<1x100xf32, #tpu.memory_space<hbm>>
      tpu.wait_dma2 semaphore(%arg7 : memref<!tpu.dma_semaphore, #tpu.memory_space<semaphore_mem>>) src(%dma_wait3A_1356 : memref<1x100xf32, #tpu.memory_space<hbm>>) dst(%dma_wait3A_1353 : memref<1x100xf32, #tpu.memory_space<vmem>>)
      %dma_wait3A_1357 = arith.constant 0 : i32
      %dma_wait3A_1358 = arith.constant 0 : i32
      %dma_wait3A_1359 = tpu.memref_slice %arg6[%dma_wait3A_1357, %dma_wait3A_1358] : memref<512x100xf32, #tpu.memory_space<vmem>> -> memref<1x100xf32, #tpu.memory_space<vmem>>
      %dma_wait3A_1360 = arith.constant 0 : i32
      %dma_wait3A_1361 = arith.constant 0 : i32
      %dma_wait3A_1362 = tpu.memref_slice %arg3[%dma_wait3A_1360, %dma_wait3A_1361] : memref<1000000x100xf32, #tpu.memory_space<hbm>> -> memref<1x100xf32, #tpu.memory_space<hbm>>
      %dma_wait3A_1363 = arith.constant 0 : i32
      %dma_wait3A_1364 = arith.constant 0 : i32
      %dma_wait3A_1365 = tpu.memref_slice %arg6[%dma_wait3A_1363, %dma_wait3A_1364] : memref<512x100xf32, #tpu.memory_space<vmem>> -> memref<1x100xf32, #tpu.memory_space<vmem>>
      %dma_wait3A_1366 = arith.constant 0 : i32
      %dma_wait3A_1367 = arith.constant 0 : i32
      %dma_wait3A_1368 = tpu.memref_slice %arg3[%dma_wait3A_1366, %dma_wait3A_1367] : memref<1000000x100xf32, #tpu.memory_space<hbm>> -> memref<1x100xf32, #tpu.memory_space<hbm>>
      tpu.wait_dma2 semaphore(%arg7 : memref<!tpu.dma_semaphore, #tpu.memory_space<semaphore_mem>>) src(%dma_wait3A_1368 : memref<1x100xf32, #tpu.memory_space<hbm>>) dst(%dma_wait3A_1365 : memref<1x100xf32, #tpu.memory_space<vmem>>)
      %dma_wait3A_1369 = arith.constant 0 : i32
      %dma_wait3A_1370 = arith.constant 0 : i32
      %dma_wait3A_1371 = tpu.memref_slice %arg6[%dma_wait3A_1369, %dma_wait3A_1370] : memref<512x100xf32, #tpu.memory_space<vmem>> -> memref<1x100xf32, #tpu.memory_space<vmem>>
      %dma_wait3A_1372 = arith.constant 0 : i32
      %dma_wait3A_1373 = arith.constant 0 : i32
      %dma_wait3A_1374 = tpu.memref_slice %arg3[%dma_wait3A_1372, %dma_wait3A_1373] : memref<1000000x100xf32, #tpu.memory_space<hbm>> -> memref<1x100xf32, #tpu.memory_space<hbm>>
      %dma_wait3A_1375 = arith.constant 0 : i32
      %dma_wait3A_1376 = arith.constant 0 : i32
      %dma_wait3A_1377 = tpu.memref_slice %arg6[%dma_wait3A_1375, %dma_wait3A_1376] : memref<512x100xf32, #tpu.memory_space<vmem>> -> memref<1x100xf32, #tpu.memory_space<vmem>>
      %dma_wait3A_1378 = arith.constant 0 : i32
      %dma_wait3A_1379 = arith.constant 0 : i32
      %dma_wait3A_1380 = tpu.memref_slice %arg3[%dma_wait3A_1378, %dma_wait3A_1379] : memref<1000000x100xf32, #tpu.memory_space<hbm>> -> memref<1x100xf32, #tpu.memory_space<hbm>>
      tpu.wait_dma2 semaphore(%arg7 : memref<!tpu.dma_semaphore, #tpu.memory_space<semaphore_mem>>) src(%dma_wait3A_1380 : memref<1x100xf32, #tpu.memory_space<hbm>>) dst(%dma_wait3A_1377 : memref<1x100xf32, #tpu.memory_space<vmem>>)
      %dma_wait3A_1381 = arith.constant 0 : i32
      %dma_wait3A_1382 = arith.constant 0 : i32
      %dma_wait3A_1383 = tpu.memref_slice %arg6[%dma_wait3A_1381, %dma_wait3A_1382] : memref<512x100xf32, #tpu.memory_space<vmem>> -> memref<1x100xf32, #tpu.memory_space<vmem>>
      %dma_wait3A_1384 = arith.constant 0 : i32
      %dma_wait3A_1385 = arith.constant 0 : i32
      %dma_wait3A_1386 = tpu.memref_slice %arg3[%dma_wait3A_1384, %dma_wait3A_1385] : memref<1000000x100xf32, #tpu.memory_space<hbm>> -> memref<1x100xf32, #tpu.memory_space<hbm>>
      %dma_wait3A_1387 = arith.constant 0 : i32
      %dma_wait3A_1388 = arith.constant 0 : i32
      %dma_wait3A_1389 = tpu.memref_slice %arg6[%dma_wait3A_1387, %dma_wait3A_1388] : memref<512x100xf32, #tpu.memory_space<vmem>> -> memref<1x100xf32, #tpu.memory_space<vmem>>
      %dma_wait3A_1390 = arith.constant 0 : i32
      %dma_wait3A_1391 = arith.constant 0 : i32
      %dma_wait3A_1392 = tpu.memref_slice %arg3[%dma_wait3A_1390, %dma_wait3A_1391] : memref<1000000x100xf32, #tpu.memory_space<hbm>> -> memref<1x100xf32, #tpu.memory_space<hbm>>
      tpu.wait_dma2 semaphore(%arg7 : memref<!tpu.dma_semaphore, #tpu.memory_space<semaphore_mem>>) src(%dma_wait3A_1392 : memref<1x100xf32, #tpu.memory_space<hbm>>) dst(%dma_wait3A_1389 : memref<1x100xf32, #tpu.memory_space<vmem>>)
      %dma_wait3A_1393 = arith.constant 0 : i32
      %dma_wait3A_1394 = arith.constant 0 : i32
      %dma_wait3A_1395 = tpu.memref_slice %arg6[%dma_wait3A_1393, %dma_wait3A_1394] : memref<512x100xf32, #tpu.memory_space<vmem>> -> memref<1x100xf32, #tpu.memory_space<vmem>>
      %dma_wait3A_1396 = arith.constant 0 : i32
      %dma_wait3A_1397 = arith.constant 0 : i32
      %dma_wait3A_1398 = tpu.memref_slice %arg3[%dma_wait3A_1396, %dma_wait3A_1397] : memref<1000000x100xf32, #tpu.memory_space<hbm>> -> memref<1x100xf32, #tpu.memory_space<hbm>>
      %dma_wait3A_1399 = arith.constant 0 : i32
      %dma_wait3A_1400 = arith.constant 0 : i32
      %dma_wait3A_1401 = tpu.memref_slice %arg6[%dma_wait3A_1399, %dma_wait3A_1400] : memref<512x100xf32, #tpu.memory_space<vmem>> -> memref<1x100xf32, #tpu.memory_space<vmem>>
      %dma_wait3A_1402 = arith.constant 0 : i32
      %dma_wait3A_1403 = arith.constant 0 : i32
      %dma_wait3A_1404 = tpu.memref_slice %arg3[%dma_wait3A_1402, %dma_wait3A_1403] : memref<1000000x100xf32, #tpu.memory_space<hbm>> -> memref<1x100xf32, #tpu.memory_space<hbm>>
      tpu.wait_dma2 semaphore(%arg7 : memref<!tpu.dma_semaphore, #tpu.memory_space<semaphore_mem>>) src(%dma_wait3A_1404 : memref<1x100xf32, #tpu.memory_space<hbm>>) dst(%dma_wait3A_1401 : memref<1x100xf32, #tpu.memory_space<vmem>>)
      %dma_wait3A_1405 = arith.constant 0 : i32
      %dma_wait3A_1406 = arith.constant 0 : i32
      %dma_wait3A_1407 = tpu.memref_slice %arg6[%dma_wait3A_1405, %dma_wait3A_1406] : memref<512x100xf32, #tpu.memory_space<vmem>> -> memref<1x100xf32, #tpu.memory_space<vmem>>
      %dma_wait3A_1408 = arith.constant 0 : i32
      %dma_wait3A_1409 = arith.constant 0 : i32
      %dma_wait3A_1410 = tpu.memref_slice %arg3[%dma_wait3A_1408, %dma_wait3A_1409] : memref<1000000x100xf32, #tpu.memory_space<hbm>> -> memref<1x100xf32, #tpu.memory_space<hbm>>
      %dma_wait3A_1411 = arith.constant 0 : i32
      %dma_wait3A_1412 = arith.constant 0 : i32
      %dma_wait3A_1413 = tpu.memref_slice %arg6[%dma_wait3A_1411, %dma_wait3A_1412] : memref<512x100xf32, #tpu.memory_space<vmem>> -> memref<1x100xf32, #tpu.memory_space<vmem>>
      %dma_wait3A_1414 = arith.constant 0 : i32
      %dma_wait3A_1415 = arith.constant 0 : i32
      %dma_wait3A_1416 = tpu.memref_slice %arg3[%dma_wait3A_1414, %dma_wait3A_1415] : memref<1000000x100xf32, #tpu.memory_space<hbm>> -> memref<1x100xf32, #tpu.memory_space<hbm>>
      tpu.wait_dma2 semaphore(%arg7 : memref<!tpu.dma_semaphore, #tpu.memory_space<semaphore_mem>>) src(%dma_wait3A_1416 : memref<1x100xf32, #tpu.memory_space<hbm>>) dst(%dma_wait3A_1413 : memref<1x100xf32, #tpu.memory_space<vmem>>)
      %dma_wait3A_1417 = arith.constant 0 : i32
      %dma_wait3A_1418 = arith.constant 0 : i32
      %dma_wait3A_1419 = tpu.memref_slice %arg6[%dma_wait3A_1417, %dma_wait3A_1418] : memref<512x100xf32, #tpu.memory_space<vmem>> -> memref<1x100xf32, #tpu.memory_space<vmem>>
      %dma_wait3A_1420 = arith.constant 0 : i32
      %dma_wait3A_1421 = arith.constant 0 : i32
      %dma_wait3A_1422 = tpu.memref_slice %arg3[%dma_wait3A_1420, %dma_wait3A_1421] : memref<1000000x100xf32, #tpu.memory_space<hbm>> -> memref<1x100xf32, #tpu.memory_space<hbm>>
      %dma_wait3A_1423 = arith.constant 0 : i32
      %dma_wait3A_1424 = arith.constant 0 : i32
      %dma_wait3A_1425 = tpu.memref_slice %arg6[%dma_wait3A_1423, %dma_wait3A_1424] : memref<512x100xf32, #tpu.memory_space<vmem>> -> memref<1x100xf32, #tpu.memory_space<vmem>>
      %dma_wait3A_1426 = arith.constant 0 : i32
      %dma_wait3A_1427 = arith.constant 0 : i32
      %dma_wait3A_1428 = tpu.memref_slice %arg3[%dma_wait3A_1426, %dma_wait3A_1427] : memref<1000000x100xf32, #tpu.memory_space<hbm>> -> memref<1x100xf32, #tpu.memory_space<hbm>>
      tpu.wait_dma2 semaphore(%arg7 : memref<!tpu.dma_semaphore, #tpu.memory_space<semaphore_mem>>) src(%dma_wait3A_1428 : memref<1x100xf32, #tpu.memory_space<hbm>>) dst(%dma_wait3A_1425 : memref<1x100xf32, #tpu.memory_space<vmem>>)
      %dma_wait3A_1429 = arith.constant 0 : i32
      %dma_wait3A_1430 = arith.constant 0 : i32
      %dma_wait3A_1431 = tpu.memref_slice %arg6[%dma_wait3A_1429, %dma_wait3A_1430] : memref<512x100xf32, #tpu.memory_space<vmem>> -> memref<1x100xf32, #tpu.memory_space<vmem>>
      %dma_wait3A_1432 = arith.constant 0 : i32
      %dma_wait3A_1433 = arith.constant 0 : i32
      %dma_wait3A_1434 = tpu.memref_slice %arg3[%dma_wait3A_1432, %dma_wait3A_1433] : memref<1000000x100xf32, #tpu.memory_space<hbm>> -> memref<1x100xf32, #tpu.memory_space<hbm>>
      %dma_wait3A_1435 = arith.constant 0 : i32
      %dma_wait3A_1436 = arith.constant 0 : i32
      %dma_wait3A_1437 = tpu.memref_slice %arg6[%dma_wait3A_1435, %dma_wait3A_1436] : memref<512x100xf32, #tpu.memory_space<vmem>> -> memref<1x100xf32, #tpu.memory_space<vmem>>
      %dma_wait3A_1438 = arith.constant 0 : i32
      %dma_wait3A_1439 = arith.constant 0 : i32
      %dma_wait3A_1440 = tpu.memref_slice %arg3[%dma_wait3A_1438, %dma_wait3A_1439] : memref<1000000x100xf32, #tpu.memory_space<hbm>> -> memref<1x100xf32, #tpu.memory_space<hbm>>
      tpu.wait_dma2 semaphore(%arg7 : memref<!tpu.dma_semaphore, #tpu.memory_space<semaphore_mem>>) src(%dma_wait3A_1440 : memref<1x100xf32, #tpu.memory_space<hbm>>) dst(%dma_wait3A_1437 : memref<1x100xf32, #tpu.memory_space<vmem>>)
      %dma_wait3A_1441 = arith.constant 0 : i32
      %dma_wait3A_1442 = arith.constant 0 : i32
      %dma_wait3A_1443 = tpu.memref_slice %arg6[%dma_wait3A_1441, %dma_wait3A_1442] : memref<512x100xf32, #tpu.memory_space<vmem>> -> memref<1x100xf32, #tpu.memory_space<vmem>>
      %dma_wait3A_1444 = arith.constant 0 : i32
      %dma_wait3A_1445 = arith.constant 0 : i32
      %dma_wait3A_1446 = tpu.memref_slice %arg3[%dma_wait3A_1444, %dma_wait3A_1445] : memref<1000000x100xf32, #tpu.memory_space<hbm>> -> memref<1x100xf32, #tpu.memory_space<hbm>>
      %dma_wait3A_1447 = arith.constant 0 : i32
      %dma_wait3A_1448 = arith.constant 0 : i32
      %dma_wait3A_1449 = tpu.memref_slice %arg6[%dma_wait3A_1447, %dma_wait3A_1448] : memref<512x100xf32, #tpu.memory_space<vmem>> -> memref<1x100xf32, #tpu.memory_space<vmem>>
      %dma_wait3A_1450 = arith.constant 0 : i32
      %dma_wait3A_1451 = arith.constant 0 : i32
      %dma_wait3A_1452 = tpu.memref_slice %arg3[%dma_wait3A_1450, %dma_wait3A_1451] : memref<1000000x100xf32, #tpu.memory_space<hbm>> -> memref<1x100xf32, #tpu.memory_space<hbm>>
      tpu.wait_dma2 semaphore(%arg7 : memref<!tpu.dma_semaphore, #tpu.memory_space<semaphore_mem>>) src(%dma_wait3A_1452 : memref<1x100xf32, #tpu.memory_space<hbm>>) dst(%dma_wait3A_1449 : memref<1x100xf32, #tpu.memory_space<vmem>>)
      %dma_wait3A_1453 = arith.constant 0 : i32
      %dma_wait3A_1454 = arith.constant 0 : i32
      %dma_wait3A_1455 = tpu.memref_slice %arg6[%dma_wait3A_1453, %dma_wait3A_1454] : memref<512x100xf32, #tpu.memory_space<vmem>> -> memref<1x100xf32, #tpu.memory_space<vmem>>
      %dma_wait3A_1456 = arith.constant 0 : i32
      %dma_wait3A_1457 = arith.constant 0 : i32
      %dma_wait3A_1458 = tpu.memref_slice %arg3[%dma_wait3A_1456, %dma_wait3A_1457] : memref<1000000x100xf32, #tpu.memory_space<hbm>> -> memref<1x100xf32, #tpu.memory_space<hbm>>
      %dma_wait3A_1459 = arith.constant 0 : i32
      %dma_wait3A_1460 = arith.constant 0 : i32
      %dma_wait3A_1461 = tpu.memref_slice %arg6[%dma_wait3A_1459, %dma_wait3A_1460] : memref<512x100xf32, #tpu.memory_space<vmem>> -> memref<1x100xf32, #tpu.memory_space<vmem>>
      %dma_wait3A_1462 = arith.constant 0 : i32
      %dma_wait3A_1463 = arith.constant 0 : i32
      %dma_wait3A_1464 = tpu.memref_slice %arg3[%dma_wait3A_1462, %dma_wait3A_1463] : memref<1000000x100xf32, #tpu.memory_space<hbm>> -> memref<1x100xf32, #tpu.memory_space<hbm>>
      tpu.wait_dma2 semaphore(%arg7 : memref<!tpu.dma_semaphore, #tpu.memory_space<semaphore_mem>>) src(%dma_wait3A_1464 : memref<1x100xf32, #tpu.memory_space<hbm>>) dst(%dma_wait3A_1461 : memref<1x100xf32, #tpu.memory_space<vmem>>)
      %dma_wait3A_1465 = arith.constant 0 : i32
      %dma_wait3A_1466 = arith.constant 0 : i32
      %dma_wait3A_1467 = tpu.memref_slice %arg6[%dma_wait3A_1465, %dma_wait3A_1466] : memref<512x100xf32, #tpu.memory_space<vmem>> -> memref<1x100xf32, #tpu.memory_space<vmem>>
      %dma_wait3A_1468 = arith.constant 0 : i32
      %dma_wait3A_1469 = arith.constant 0 : i32
      %dma_wait3A_1470 = tpu.memref_slice %arg3[%dma_wait3A_1468, %dma_wait3A_1469] : memref<1000000x100xf32, #tpu.memory_space<hbm>> -> memref<1x100xf32, #tpu.memory_space<hbm>>
      %dma_wait3A_1471 = arith.constant 0 : i32
      %dma_wait3A_1472 = arith.constant 0 : i32
      %dma_wait3A_1473 = tpu.memref_slice %arg6[%dma_wait3A_1471, %dma_wait3A_1472] : memref<512x100xf32, #tpu.memory_space<vmem>> -> memref<1x100xf32, #tpu.memory_space<vmem>>
      %dma_wait3A_1474 = arith.constant 0 : i32
      %dma_wait3A_1475 = arith.constant 0 : i32
      %dma_wait3A_1476 = tpu.memref_slice %arg3[%dma_wait3A_1474, %dma_wait3A_1475] : memref<1000000x100xf32, #tpu.memory_space<hbm>> -> memref<1x100xf32, #tpu.memory_space<hbm>>
      tpu.wait_dma2 semaphore(%arg7 : memref<!tpu.dma_semaphore, #tpu.memory_space<semaphore_mem>>) src(%dma_wait3A_1476 : memref<1x100xf32, #tpu.memory_space<hbm>>) dst(%dma_wait3A_1473 : memref<1x100xf32, #tpu.memory_space<vmem>>)
      %dma_wait3A_1477 = arith.constant 0 : i32
      %dma_wait3A_1478 = arith.constant 0 : i32
      %dma_wait3A_1479 = tpu.memref_slice %arg6[%dma_wait3A_1477, %dma_wait3A_1478] : memref<512x100xf32, #tpu.memory_space<vmem>> -> memref<1x100xf32, #tpu.memory_space<vmem>>
      %dma_wait3A_1480 = arith.constant 0 : i32
      %dma_wait3A_1481 = arith.constant 0 : i32
      %dma_wait3A_1482 = tpu.memref_slice %arg3[%dma_wait3A_1480, %dma_wait3A_1481] : memref<1000000x100xf32, #tpu.memory_space<hbm>> -> memref<1x100xf32, #tpu.memory_space<hbm>>
      %dma_wait3A_1483 = arith.constant 0 : i32
      %dma_wait3A_1484 = arith.constant 0 : i32
      %dma_wait3A_1485 = tpu.memref_slice %arg6[%dma_wait3A_1483, %dma_wait3A_1484] : memref<512x100xf32, #tpu.memory_space<vmem>> -> memref<1x100xf32, #tpu.memory_space<vmem>>
      %dma_wait3A_1486 = arith.constant 0 : i32
      %dma_wait3A_1487 = arith.constant 0 : i32
      %dma_wait3A_1488 = tpu.memref_slice %arg3[%dma_wait3A_1486, %dma_wait3A_1487] : memref<1000000x100xf32, #tpu.memory_space<hbm>> -> memref<1x100xf32, #tpu.memory_space<hbm>>
      tpu.wait_dma2 semaphore(%arg7 : memref<!tpu.dma_semaphore, #tpu.memory_space<semaphore_mem>>) src(%dma_wait3A_1488 : memref<1x100xf32, #tpu.memory_space<hbm>>) dst(%dma_wait3A_1485 : memref<1x100xf32, #tpu.memory_space<vmem>>)
      %dma_wait3A_1489 = arith.constant 0 : i32
      %dma_wait3A_1490 = arith.constant 0 : i32
      %dma_wait3A_1491 = tpu.memref_slice %arg6[%dma_wait3A_1489, %dma_wait3A_1490] : memref<512x100xf32, #tpu.memory_space<vmem>> -> memref<1x100xf32, #tpu.memory_space<vmem>>
      %dma_wait3A_1492 = arith.constant 0 : i32
      %dma_wait3A_1493 = arith.constant 0 : i32
      %dma_wait3A_1494 = tpu.memref_slice %arg3[%dma_wait3A_1492, %dma_wait3A_1493] : memref<1000000x100xf32, #tpu.memory_space<hbm>> -> memref<1x100xf32, #tpu.memory_space<hbm>>
      %dma_wait3A_1495 = arith.constant 0 : i32
      %dma_wait3A_1496 = arith.constant 0 : i32
      %dma_wait3A_1497 = tpu.memref_slice %arg6[%dma_wait3A_1495, %dma_wait3A_1496] : memref<512x100xf32, #tpu.memory_space<vmem>> -> memref<1x100xf32, #tpu.memory_space<vmem>>
      %dma_wait3A_1498 = arith.constant 0 : i32
      %dma_wait3A_1499 = arith.constant 0 : i32
      %dma_wait3A_1500 = tpu.memref_slice %arg3[%dma_wait3A_1498, %dma_wait3A_1499] : memref<1000000x100xf32, #tpu.memory_space<hbm>> -> memref<1x100xf32, #tpu.memory_space<hbm>>
      tpu.wait_dma2 semaphore(%arg7 : memref<!tpu.dma_semaphore, #tpu.memory_space<semaphore_mem>>) src(%dma_wait3A_1500 : memref<1x100xf32, #tpu.memory_space<hbm>>) dst(%dma_wait3A_1497 : memref<1x100xf32, #tpu.memory_space<vmem>>)
      %dma_wait3A_1501 = arith.constant 0 : i32
      %dma_wait3A_1502 = arith.constant 0 : i32
      %dma_wait3A_1503 = tpu.memref_slice %arg6[%dma_wait3A_1501, %dma_wait3A_1502] : memref<512x100xf32, #tpu.memory_space<vmem>> -> memref<1x100xf32, #tpu.memory_space<vmem>>
      %dma_wait3A_1504 = arith.constant 0 : i32
      %dma_wait3A_1505 = arith.constant 0 : i32
      %dma_wait3A_1506 = tpu.memref_slice %arg3[%dma_wait3A_1504, %dma_wait3A_1505] : memref<1000000x100xf32, #tpu.memory_space<hbm>> -> memref<1x100xf32, #tpu.memory_space<hbm>>
      %dma_wait3A_1507 = arith.constant 0 : i32
      %dma_wait3A_1508 = arith.constant 0 : i32
      %dma_wait3A_1509 = tpu.memref_slice %arg6[%dma_wait3A_1507, %dma_wait3A_1508] : memref<512x100xf32, #tpu.memory_space<vmem>> -> memref<1x100xf32, #tpu.memory_space<vmem>>
      %dma_wait3A_1510 = arith.constant 0 : i32
      %dma_wait3A_1511 = arith.constant 0 : i32
      %dma_wait3A_1512 = tpu.memref_slice %arg3[%dma_wait3A_1510, %dma_wait3A_1511] : memref<1000000x100xf32, #tpu.memory_space<hbm>> -> memref<1x100xf32, #tpu.memory_space<hbm>>
      tpu.wait_dma2 semaphore(%arg7 : memref<!tpu.dma_semaphore, #tpu.memory_space<semaphore_mem>>) src(%dma_wait3A_1512 : memref<1x100xf32, #tpu.memory_space<hbm>>) dst(%dma_wait3A_1509 : memref<1x100xf32, #tpu.memory_space<vmem>>)
      %dma_wait3A_1513 = arith.constant 0 : i32
      %dma_wait3A_1514 = arith.constant 0 : i32
      %dma_wait3A_1515 = tpu.memref_slice %arg6[%dma_wait3A_1513, %dma_wait3A_1514] : memref<512x100xf32, #tpu.memory_space<vmem>> -> memref<1x100xf32, #tpu.memory_space<vmem>>
      %dma_wait3A_1516 = arith.constant 0 : i32
      %dma_wait3A_1517 = arith.constant 0 : i32
      %dma_wait3A_1518 = tpu.memref_slice %arg3[%dma_wait3A_1516, %dma_wait3A_1517] : memref<1000000x100xf32, #tpu.memory_space<hbm>> -> memref<1x100xf32, #tpu.memory_space<hbm>>
      %dma_wait3A_1519 = arith.constant 0 : i32
      %dma_wait3A_1520 = arith.constant 0 : i32
      %dma_wait3A_1521 = tpu.memref_slice %arg6[%dma_wait3A_1519, %dma_wait3A_1520] : memref<512x100xf32, #tpu.memory_space<vmem>> -> memref<1x100xf32, #tpu.memory_space<vmem>>
      %dma_wait3A_1522 = arith.constant 0 : i32
      %dma_wait3A_1523 = arith.constant 0 : i32
      %dma_wait3A_1524 = tpu.memref_slice %arg3[%dma_wait3A_1522, %dma_wait3A_1523] : memref<1000000x100xf32, #tpu.memory_space<hbm>> -> memref<1x100xf32, #tpu.memory_space<hbm>>
      tpu.wait_dma2 semaphore(%arg7 : memref<!tpu.dma_semaphore, #tpu.memory_space<semaphore_mem>>) src(%dma_wait3A_1524 : memref<1x100xf32, #tpu.memory_space<hbm>>) dst(%dma_wait3A_1521 : memref<1x100xf32, #tpu.memory_space<vmem>>)
      %dma_wait3A_1525 = arith.constant 0 : i32
      %dma_wait3A_1526 = arith.constant 0 : i32
      %dma_wait3A_1527 = tpu.memref_slice %arg6[%dma_wait3A_1525, %dma_wait3A_1526] : memref<512x100xf32, #tpu.memory_space<vmem>> -> memref<1x100xf32, #tpu.memory_space<vmem>>
      %dma_wait3A_1528 = arith.constant 0 : i32
      %dma_wait3A_1529 = arith.constant 0 : i32
      %dma_wait3A_1530 = tpu.memref_slice %arg3[%dma_wait3A_1528, %dma_wait3A_1529] : memref<1000000x100xf32, #tpu.memory_space<hbm>> -> memref<1x100xf32, #tpu.memory_space<hbm>>
      %dma_wait3A_1531 = arith.constant 0 : i32
      %dma_wait3A_1532 = arith.constant 0 : i32
      %dma_wait3A_1533 = tpu.memref_slice %arg6[%dma_wait3A_1531, %dma_wait3A_1532] : memref<512x100xf32, #tpu.memory_space<vmem>> -> memref<1x100xf32, #tpu.memory_space<vmem>>
      %dma_wait3A_1534 = arith.constant 0 : i32
      %dma_wait3A_1535 = arith.constant 0 : i32
      %dma_wait3A_1536 = tpu.memref_slice %arg3[%dma_wait3A_1534, %dma_wait3A_1535] : memref<1000000x100xf32, #tpu.memory_space<hbm>> -> memref<1x100xf32, #tpu.memory_space<hbm>>
      tpu.wait_dma2 semaphore(%arg7 : memref<!tpu.dma_semaphore, #tpu.memory_space<semaphore_mem>>) src(%dma_wait3A_1536 : memref<1x100xf32, #tpu.memory_space<hbm>>) dst(%dma_wait3A_1533 : memref<1x100xf32, #tpu.memory_space<vmem>>)
      %dma_wait3A_1537 = arith.constant 0 : i32
      %dma_wait3A_1538 = arith.constant 0 : i32
      %dma_wait3A_1539 = tpu.memref_slice %arg6[%dma_wait3A_1537, %dma_wait3A_1538] : memref<512x100xf32, #tpu.memory_space<vmem>> -> memref<1x100xf32, #tpu.memory_space<vmem>>
      %dma_wait3A_1540 = arith.constant 0 : i32
      %dma_wait3A_1541 = arith.constant 0 : i32
      %dma_wait3A_1542 = tpu.memref_slice %arg3[%dma_wait3A_1540, %dma_wait3A_1541] : memref<1000000x100xf32, #tpu.memory_space<hbm>> -> memref<1x100xf32, #tpu.memory_space<hbm>>
      %dma_wait3A_1543 = arith.constant 0 : i32
      %dma_wait3A_1544 = arith.constant 0 : i32
      %dma_wait3A_1545 = tpu.memref_slice %arg6[%dma_wait3A_1543, %dma_wait3A_1544] : memref<512x100xf32, #tpu.memory_space<vmem>> -> memref<1x100xf32, #tpu.memory_space<vmem>>
      %dma_wait3A_1546 = arith.constant 0 : i32
      %dma_wait3A_1547 = arith.constant 0 : i32
      %dma_wait3A_1548 = tpu.memref_slice %arg3[%dma_wait3A_1546, %dma_wait3A_1547] : memref<1000000x100xf32, #tpu.memory_space<hbm>> -> memref<1x100xf32, #tpu.memory_space<hbm>>
      tpu.wait_dma2 semaphore(%arg7 : memref<!tpu.dma_semaphore, #tpu.memory_space<semaphore_mem>>) src(%dma_wait3A_1548 : memref<1x100xf32, #tpu.memory_space<hbm>>) dst(%dma_wait3A_1545 : memref<1x100xf32, #tpu.memory_space<vmem>>)
    }
    %scan3A_389 = arith.constant 15 : i32
    %dma_wait3A = arith.constant 0 : i32
    %dma_wait3A_390 = arith.constant 0 : i32
    %dma_wait3A_391 = tpu.memref_slice %arg6[%dma_wait3A, %dma_wait3A_390] : memref<512x100xf32, #tpu.memory_space<vmem>> -> memref<1x100xf32, #tpu.memory_space<vmem>>
    %dma_wait3A_392 = arith.constant 0 : i32
    %dma_wait3A_393 = arith.constant 0 : i32
    %dma_wait3A_394 = tpu.memref_slice %arg3[%dma_wait3A_392, %dma_wait3A_393] : memref<1000000x100xf32, #tpu.memory_space<hbm>> -> memref<1x100xf32, #tpu.memory_space<hbm>>
    %dma_wait3A_395 = arith.constant 0 : i32
    %dma_wait3A_396 = arith.constant 0 : i32
    %dma_wait3A_397 = tpu.memref_slice %arg6[%dma_wait3A_395, %dma_wait3A_396] : memref<512x100xf32, #tpu.memory_space<vmem>> -> memref<1x100xf32, #tpu.memory_space<vmem>>
    %dma_wait3A_398 = arith.constant 0 : i32
    %dma_wait3A_399 = arith.constant 0 : i32
    %dma_wait3A_400 = tpu.memref_slice %arg3[%dma_wait3A_398, %dma_wait3A_399] : memref<1000000x100xf32, #tpu.memory_space<hbm>> -> memref<1x100xf32, #tpu.memory_space<hbm>>
    tpu.wait_dma2 semaphore(%arg7 : memref<!tpu.dma_semaphore, #tpu.memory_space<semaphore_mem>>) src(%dma_wait3A_400 : memref<1x100xf32, #tpu.memory_space<hbm>>) dst(%dma_wait3A_397 : memref<1x100xf32, #tpu.memory_space<vmem>>)
    %dma_wait3A_401 = arith.constant 0 : i32
    %dma_wait3A_402 = arith.constant 0 : i32
    %dma_wait3A_403 = tpu.memref_slice %arg6[%dma_wait3A_401, %dma_wait3A_402] : memref<512x100xf32, #tpu.memory_space<vmem>> -> memref<1x100xf32, #tpu.memory_space<vmem>>
    %dma_wait3A_404 = arith.constant 0 : i32
    %dma_wait3A_405 = arith.constant 0 : i32
    %dma_wait3A_406 = tpu.memref_slice %arg3[%dma_wait3A_404, %dma_wait3A_405] : memref<1000000x100xf32, #tpu.memory_space<hbm>> -> memref<1x100xf32, #tpu.memory_space<hbm>>
    %dma_wait3A_407 = arith.constant 0 : i32
    %dma_wait3A_408 = arith.constant 0 : i32
    %dma_wait3A_409 = tpu.memref_slice %arg6[%dma_wait3A_407, %dma_wait3A_408] : memref<512x100xf32, #tpu.memory_space<vmem>> -> memref<1x100xf32, #tpu.memory_space<vmem>>
    %dma_wait3A_410 = arith.constant 0 : i32
    %dma_wait3A_411 = arith.constant 0 : i32
    %dma_wait3A_412 = tpu.memref_slice %arg3[%dma_wait3A_410, %dma_wait3A_411] : memref<1000000x100xf32, #tpu.memory_space<hbm>> -> memref<1x100xf32, #tpu.memory_space<hbm>>
    tpu.wait_dma2 semaphore(%arg7 : memref<!tpu.dma_semaphore, #tpu.memory_space<semaphore_mem>>) src(%dma_wait3A_412 : memref<1x100xf32, #tpu.memory_space<hbm>>) dst(%dma_wait3A_409 : memref<1x100xf32, #tpu.memory_space<vmem>>)
    %dma_wait3A_413 = arith.constant 0 : i32
    %dma_wait3A_414 = arith.constant 0 : i32
    %dma_wait3A_415 = tpu.memref_slice %arg6[%dma_wait3A_413, %dma_wait3A_414] : memref<512x100xf32, #tpu.memory_space<vmem>> -> memref<1x100xf32, #tpu.memory_space<vmem>>
    %dma_wait3A_416 = arith.constant 0 : i32
    %dma_wait3A_417 = arith.constant 0 : i32
    %dma_wait3A_418 = tpu.memref_slice %arg3[%dma_wait3A_416, %dma_wait3A_417] : memref<1000000x100xf32, #tpu.memory_space<hbm>> -> memref<1x100xf32, #tpu.memory_space<hbm>>
    %dma_wait3A_419 = arith.constant 0 : i32
    %dma_wait3A_420 = arith.constant 0 : i32
    %dma_wait3A_421 = tpu.memref_slice %arg6[%dma_wait3A_419, %dma_wait3A_420] : memref<512x100xf32, #tpu.memory_space<vmem>> -> memref<1x100xf32, #tpu.memory_space<vmem>>
    %dma_wait3A_422 = arith.constant 0 : i32
    %dma_wait3A_423 = arith.constant 0 : i32
    %dma_wait3A_424 = tpu.memref_slice %arg3[%dma_wait3A_422, %dma_wait3A_423] : memref<1000000x100xf32, #tpu.memory_space<hbm>> -> memref<1x100xf32, #tpu.memory_space<hbm>>
    tpu.wait_dma2 semaphore(%arg7 : memref<!tpu.dma_semaphore, #tpu.memory_space<semaphore_mem>>) src(%dma_wait3A_424 : memref<1x100xf32, #tpu.memory_space<hbm>>) dst(%dma_wait3A_421 : memref<1x100xf32, #tpu.memory_space<vmem>>)
    %dma_wait3A_425 = arith.constant 0 : i32
    %dma_wait3A_426 = arith.constant 0 : i32
    %dma_wait3A_427 = tpu.memref_slice %arg6[%dma_wait3A_425, %dma_wait3A_426] : memref<512x100xf32, #tpu.memory_space<vmem>> -> memref<1x100xf32, #tpu.memory_space<vmem>>
    %dma_wait3A_428 = arith.constant 0 : i32
    %dma_wait3A_429 = arith.constant 0 : i32
    %dma_wait3A_430 = tpu.memref_slice %arg3[%dma_wait3A_428, %dma_wait3A_429] : memref<1000000x100xf32, #tpu.memory_space<hbm>> -> memref<1x100xf32, #tpu.memory_space<hbm>>
    %dma_wait3A_431 = arith.constant 0 : i32
    %dma_wait3A_432 = arith.constant 0 : i32
    %dma_wait3A_433 = tpu.memref_slice %arg6[%dma_wait3A_431, %dma_wait3A_432] : memref<512x100xf32, #tpu.memory_space<vmem>> -> memref<1x100xf32, #tpu.memory_space<vmem>>
    %dma_wait3A_434 = arith.constant 0 : i32
    %dma_wait3A_435 = arith.constant 0 : i32
    %dma_wait3A_436 = tpu.memref_slice %arg3[%dma_wait3A_434, %dma_wait3A_435] : memref<1000000x100xf32, #tpu.memory_space<hbm>> -> memref<1x100xf32, #tpu.memory_space<hbm>>
    tpu.wait_dma2 semaphore(%arg7 : memref<!tpu.dma_semaphore, #tpu.memory_space<semaphore_mem>>) src(%dma_wait3A_436 : memref<1x100xf32, #tpu.memory_space<hbm>>) dst(%dma_wait3A_433 : memref<1x100xf32, #tpu.memory_space<vmem>>)
    %dma_wait3A_437 = arith.constant 0 : i32
    %dma_wait3A_438 = arith.constant 0 : i32
    %dma_wait3A_439 = tpu.memref_slice %arg6[%dma_wait3A_437, %dma_wait3A_438] : memref<512x100xf32, #tpu.memory_space<vmem>> -> memref<1x100xf32, #tpu.memory_space<vmem>>
    %dma_wait3A_440 = arith.constant 0 : i32
    %dma_wait3A_441 = arith.constant 0 : i32
    %dma_wait3A_442 = tpu.memref_slice %arg3[%dma_wait3A_440, %dma_wait3A_441] : memref<1000000x100xf32, #tpu.memory_space<hbm>> -> memref<1x100xf32, #tpu.memory_space<hbm>>
    %dma_wait3A_443 = arith.constant 0 : i32
    %dma_wait3A_444 = arith.constant 0 : i32
    %dma_wait3A_445 = tpu.memref_slice %arg6[%dma_wait3A_443, %dma_wait3A_444] : memref<512x100xf32, #tpu.memory_space<vmem>> -> memref<1x100xf32, #tpu.memory_space<vmem>>
    %dma_wait3A_446 = arith.constant 0 : i32
    %dma_wait3A_447 = arith.constant 0 : i32
    %dma_wait3A_448 = tpu.memref_slice %arg3[%dma_wait3A_446, %dma_wait3A_447] : memref<1000000x100xf32, #tpu.memory_space<hbm>> -> memref<1x100xf32, #tpu.memory_space<hbm>>
    tpu.wait_dma2 semaphore(%arg7 : memref<!tpu.dma_semaphore, #tpu.memory_space<semaphore_mem>>) src(%dma_wait3A_448 : memref<1x100xf32, #tpu.memory_space<hbm>>) dst(%dma_wait3A_445 : memref<1x100xf32, #tpu.memory_space<vmem>>)
    %dma_wait3A_449 = arith.constant 0 : i32
    %dma_wait3A_450 = arith.constant 0 : i32
    %dma_wait3A_451 = tpu.memref_slice %arg6[%dma_wait3A_449, %dma_wait3A_450] : memref<512x100xf32, #tpu.memory_space<vmem>> -> memref<1x100xf32, #tpu.memory_space<vmem>>
    %dma_wait3A_452 = arith.constant 0 : i32
    %dma_wait3A_453 = arith.constant 0 : i32
    %dma_wait3A_454 = tpu.memref_slice %arg3[%dma_wait3A_452, %dma_wait3A_453] : memref<1000000x100xf32, #tpu.memory_space<hbm>> -> memref<1x100xf32, #tpu.memory_space<hbm>>
    %dma_wait3A_455 = arith.constant 0 : i32
    %dma_wait3A_456 = arith.constant 0 : i32
    %dma_wait3A_457 = tpu.memref_slice %arg6[%dma_wait3A_455, %dma_wait3A_456] : memref<512x100xf32, #tpu.memory_space<vmem>> -> memref<1x100xf32, #tpu.memory_space<vmem>>
    %dma_wait3A_458 = arith.constant 0 : i32
    %dma_wait3A_459 = arith.constant 0 : i32
    %dma_wait3A_460 = tpu.memref_slice %arg3[%dma_wait3A_458, %dma_wait3A_459] : memref<1000000x100xf32, #tpu.memory_space<hbm>> -> memref<1x100xf32, #tpu.memory_space<hbm>>
    tpu.wait_dma2 semaphore(%arg7 : memref<!tpu.dma_semaphore, #tpu.memory_space<semaphore_mem>>) src(%dma_wait3A_460 : memref<1x100xf32, #tpu.memory_space<hbm>>) dst(%dma_wait3A_457 : memref<1x100xf32, #tpu.memory_space<vmem>>)
    %dma_wait3A_461 = arith.constant 0 : i32
    %dma_wait3A_462 = arith.constant 0 : i32
    %dma_wait3A_463 = tpu.memref_slice %arg6[%dma_wait3A_461, %dma_wait3A_462] : memref<512x100xf32, #tpu.memory_space<vmem>> -> memref<1x100xf32, #tpu.memory_space<vmem>>
    %dma_wait3A_464 = arith.constant 0 : i32
    %dma_wait3A_465 = arith.constant 0 : i32
    %dma_wait3A_466 = tpu.memref_slice %arg3[%dma_wait3A_464, %dma_wait3A_465] : memref<1000000x100xf32, #tpu.memory_space<hbm>> -> memref<1x100xf32, #tpu.memory_space<hbm>>
    %dma_wait3A_467 = arith.constant 0 : i32
    %dma_wait3A_468 = arith.constant 0 : i32
    %dma_wait3A_469 = tpu.memref_slice %arg6[%dma_wait3A_467, %dma_wait3A_468] : memref<512x100xf32, #tpu.memory_space<vmem>> -> memref<1x100xf32, #tpu.memory_space<vmem>>
    %dma_wait3A_470 = arith.constant 0 : i32
    %dma_wait3A_471 = arith.constant 0 : i32
    %dma_wait3A_472 = tpu.memref_slice %arg3[%dma_wait3A_470, %dma_wait3A_471] : memref<1000000x100xf32, #tpu.memory_space<hbm>> -> memref<1x100xf32, #tpu.memory_space<hbm>>
    tpu.wait_dma2 semaphore(%arg7 : memref<!tpu.dma_semaphore, #tpu.memory_space<semaphore_mem>>) src(%dma_wait3A_472 : memref<1x100xf32, #tpu.memory_space<hbm>>) dst(%dma_wait3A_469 : memref<1x100xf32, #tpu.memory_space<vmem>>)
    %dma_wait3A_473 = arith.constant 0 : i32
    %dma_wait3A_474 = arith.constant 0 : i32
    %dma_wait3A_475 = tpu.memref_slice %arg6[%dma_wait3A_473, %dma_wait3A_474] : memref<512x100xf32, #tpu.memory_space<vmem>> -> memref<1x100xf32, #tpu.memory_space<vmem>>
    %dma_wait3A_476 = arith.constant 0 : i32
    %dma_wait3A_477 = arith.constant 0 : i32
    %dma_wait3A_478 = tpu.memref_slice %arg3[%dma_wait3A_476, %dma_wait3A_477] : memref<1000000x100xf32, #tpu.memory_space<hbm>> -> memref<1x100xf32, #tpu.memory_space<hbm>>
    %dma_wait3A_479 = arith.constant 0 : i32
    %dma_wait3A_480 = arith.constant 0 : i32
    %dma_wait3A_481 = tpu.memref_slice %arg6[%dma_wait3A_479, %dma_wait3A_480] : memref<512x100xf32, #tpu.memory_space<vmem>> -> memref<1x100xf32, #tpu.memory_space<vmem>>
    %dma_wait3A_482 = arith.constant 0 : i32
    %dma_wait3A_483 = arith.constant 0 : i32
    %dma_wait3A_484 = tpu.memref_slice %arg3[%dma_wait3A_482, %dma_wait3A_483] : memref<1000000x100xf32, #tpu.memory_space<hbm>> -> memref<1x100xf32, #tpu.memory_space<hbm>>
    tpu.wait_dma2 semaphore(%arg7 : memref<!tpu.dma_semaphore, #tpu.memory_space<semaphore_mem>>) src(%dma_wait3A_484 : memref<1x100xf32, #tpu.memory_space<hbm>>) dst(%dma_wait3A_481 : memref<1x100xf32, #tpu.memory_space<vmem>>)
    %dma_wait3A_485 = arith.constant 0 : i32
    %dma_wait3A_486 = arith.constant 0 : i32
    %dma_wait3A_487 = tpu.memref_slice %arg6[%dma_wait3A_485, %dma_wait3A_486] : memref<512x100xf32, #tpu.memory_space<vmem>> -> memref<1x100xf32, #tpu.memory_space<vmem>>
    %dma_wait3A_488 = arith.constant 0 : i32
    %dma_wait3A_489 = arith.constant 0 : i32
    %dma_wait3A_490 = tpu.memref_slice %arg3[%dma_wait3A_488, %dma_wait3A_489] : memref<1000000x100xf32, #tpu.memory_space<hbm>> -> memref<1x100xf32, #tpu.memory_space<hbm>>
    %dma_wait3A_491 = arith.constant 0 : i32
    %dma_wait3A_492 = arith.constant 0 : i32
    %dma_wait3A_493 = tpu.memref_slice %arg6[%dma_wait3A_491, %dma_wait3A_492] : memref<512x100xf32, #tpu.memory_space<vmem>> -> memref<1x100xf32, #tpu.memory_space<vmem>>
    %dma_wait3A_494 = arith.constant 0 : i32
    %dma_wait3A_495 = arith.constant 0 : i32
    %dma_wait3A_496 = tpu.memref_slice %arg3[%dma_wait3A_494, %dma_wait3A_495] : memref<1000000x100xf32, #tpu.memory_space<hbm>> -> memref<1x100xf32, #tpu.memory_space<hbm>>
    tpu.wait_dma2 semaphore(%arg7 : memref<!tpu.dma_semaphore, #tpu.memory_space<semaphore_mem>>) src(%dma_wait3A_496 : memref<1x100xf32, #tpu.memory_space<hbm>>) dst(%dma_wait3A_493 : memref<1x100xf32, #tpu.memory_space<vmem>>)
    %dma_wait3A_497 = arith.constant 0 : i32
    %dma_wait3A_498 = arith.constant 0 : i32
    %dma_wait3A_499 = tpu.memref_slice %arg6[%dma_wait3A_497, %dma_wait3A_498] : memref<512x100xf32, #tpu.memory_space<vmem>> -> memref<1x100xf32, #tpu.memory_space<vmem>>
    %dma_wait3A_500 = arith.constant 0 : i32
    %dma_wait3A_501 = arith.constant 0 : i32
    %dma_wait3A_502 = tpu.memref_slice %arg3[%dma_wait3A_500, %dma_wait3A_501] : memref<1000000x100xf32, #tpu.memory_space<hbm>> -> memref<1x100xf32, #tpu.memory_space<hbm>>
    %dma_wait3A_503 = arith.constant 0 : i32
    %dma_wait3A_504 = arith.constant 0 : i32
    %dma_wait3A_505 = tpu.memref_slice %arg6[%dma_wait3A_503, %dma_wait3A_504] : memref<512x100xf32, #tpu.memory_space<vmem>> -> memref<1x100xf32, #tpu.memory_space<vmem>>
    %dma_wait3A_506 = arith.constant 0 : i32
    %dma_wait3A_507 = arith.constant 0 : i32
    %dma_wait3A_508 = tpu.memref_slice %arg3[%dma_wait3A_506, %dma_wait3A_507] : memref<1000000x100xf32, #tpu.memory_space<hbm>> -> memref<1x100xf32, #tpu.memory_space<hbm>>
    tpu.wait_dma2 semaphore(%arg7 : memref<!tpu.dma_semaphore, #tpu.memory_space<semaphore_mem>>) src(%dma_wait3A_508 : memref<1x100xf32, #tpu.memory_space<hbm>>) dst(%dma_wait3A_505 : memref<1x100xf32, #tpu.memory_space<vmem>>)
    %dma_wait3A_509 = arith.constant 0 : i32
    %dma_wait3A_510 = arith.constant 0 : i32
    %dma_wait3A_511 = tpu.memref_slice %arg6[%dma_wait3A_509, %dma_wait3A_510] : memref<512x100xf32, #tpu.memory_space<vmem>> -> memref<1x100xf32, #tpu.memory_space<vmem>>
    %dma_wait3A_512 = arith.constant 0 : i32
    %dma_wait3A_513 = arith.constant 0 : i32
    %dma_wait3A_514 = tpu.memref_slice %arg3[%dma_wait3A_512, %dma_wait3A_513] : memref<1000000x100xf32, #tpu.memory_space<hbm>> -> memref<1x100xf32, #tpu.memory_space<hbm>>
    %dma_wait3A_515 = arith.constant 0 : i32
    %dma_wait3A_516 = arith.constant 0 : i32
    %dma_wait3A_517 = tpu.memref_slice %arg6[%dma_wait3A_515, %dma_wait3A_516] : memref<512x100xf32, #tpu.memory_space<vmem>> -> memref<1x100xf32, #tpu.memory_space<vmem>>
    %dma_wait3A_518 = arith.constant 0 : i32
    %dma_wait3A_519 = arith.constant 0 : i32
    %dma_wait3A_520 = tpu.memref_slice %arg3[%dma_wait3A_518, %dma_wait3A_519] : memref<1000000x100xf32, #tpu.memory_space<hbm>> -> memref<1x100xf32, #tpu.memory_space<hbm>>
    tpu.wait_dma2 semaphore(%arg7 : memref<!tpu.dma_semaphore, #tpu.memory_space<semaphore_mem>>) src(%dma_wait3A_520 : memref<1x100xf32, #tpu.memory_space<hbm>>) dst(%dma_wait3A_517 : memref<1x100xf32, #tpu.memory_space<vmem>>)
    %dma_wait3A_521 = arith.constant 0 : i32
    %dma_wait3A_522 = arith.constant 0 : i32
    %dma_wait3A_523 = tpu.memref_slice %arg6[%dma_wait3A_521, %dma_wait3A_522] : memref<512x100xf32, #tpu.memory_space<vmem>> -> memref<1x100xf32, #tpu.memory_space<vmem>>
    %dma_wait3A_524 = arith.constant 0 : i32
    %dma_wait3A_525 = arith.constant 0 : i32
    %dma_wait3A_526 = tpu.memref_slice %arg3[%dma_wait3A_524, %dma_wait3A_525] : memref<1000000x100xf32, #tpu.memory_space<hbm>> -> memref<1x100xf32, #tpu.memory_space<hbm>>
    %dma_wait3A_527 = arith.constant 0 : i32
    %dma_wait3A_528 = arith.constant 0 : i32
    %dma_wait3A_529 = tpu.memref_slice %arg6[%dma_wait3A_527, %dma_wait3A_528] : memref<512x100xf32, #tpu.memory_space<vmem>> -> memref<1x100xf32, #tpu.memory_space<vmem>>
    %dma_wait3A_530 = arith.constant 0 : i32
    %dma_wait3A_531 = arith.constant 0 : i32
    %dma_wait3A_532 = tpu.memref_slice %arg3[%dma_wait3A_530, %dma_wait3A_531] : memref<1000000x100xf32, #tpu.memory_space<hbm>> -> memref<1x100xf32, #tpu.memory_space<hbm>>
    tpu.wait_dma2 semaphore(%arg7 : memref<!tpu.dma_semaphore, #tpu.memory_space<semaphore_mem>>) src(%dma_wait3A_532 : memref<1x100xf32, #tpu.memory_space<hbm>>) dst(%dma_wait3A_529 : memref<1x100xf32, #tpu.memory_space<vmem>>)
    %dma_wait3A_533 = arith.constant 0 : i32
    %dma_wait3A_534 = arith.constant 0 : i32
    %dma_wait3A_535 = tpu.memref_slice %arg6[%dma_wait3A_533, %dma_wait3A_534] : memref<512x100xf32, #tpu.memory_space<vmem>> -> memref<1x100xf32, #tpu.memory_space<vmem>>
    %dma_wait3A_536 = arith.constant 0 : i32
    %dma_wait3A_537 = arith.constant 0 : i32
    %dma_wait3A_538 = tpu.memref_slice %arg3[%dma_wait3A_536, %dma_wait3A_537] : memref<1000000x100xf32, #tpu.memory_space<hbm>> -> memref<1x100xf32, #tpu.memory_space<hbm>>
    %dma_wait3A_539 = arith.constant 0 : i32
    %dma_wait3A_540 = arith.constant 0 : i32
    %dma_wait3A_541 = tpu.memref_slice %arg6[%dma_wait3A_539, %dma_wait3A_540] : memref<512x100xf32, #tpu.memory_space<vmem>> -> memref<1x100xf32, #tpu.memory_space<vmem>>
    %dma_wait3A_542 = arith.constant 0 : i32
    %dma_wait3A_543 = arith.constant 0 : i32
    %dma_wait3A_544 = tpu.memref_slice %arg3[%dma_wait3A_542, %dma_wait3A_543] : memref<1000000x100xf32, #tpu.memory_space<hbm>> -> memref<1x100xf32, #tpu.memory_space<hbm>>
    tpu.wait_dma2 semaphore(%arg7 : memref<!tpu.dma_semaphore, #tpu.memory_space<semaphore_mem>>) src(%dma_wait3A_544 : memref<1x100xf32, #tpu.memory_space<hbm>>) dst(%dma_wait3A_541 : memref<1x100xf32, #tpu.memory_space<vmem>>)
    %dma_wait3A_545 = arith.constant 0 : i32
    %dma_wait3A_546 = arith.constant 0 : i32
    %dma_wait3A_547 = tpu.memref_slice %arg6[%dma_wait3A_545, %dma_wait3A_546] : memref<512x100xf32, #tpu.memory_space<vmem>> -> memref<1x100xf32, #tpu.memory_space<vmem>>
    %dma_wait3A_548 = arith.constant 0 : i32
    %dma_wait3A_549 = arith.constant 0 : i32
    %dma_wait3A_550 = tpu.memref_slice %arg3[%dma_wait3A_548, %dma_wait3A_549] : memref<1000000x100xf32, #tpu.memory_space<hbm>> -> memref<1x100xf32, #tpu.memory_space<hbm>>
    %dma_wait3A_551 = arith.constant 0 : i32
    %dma_wait3A_552 = arith.constant 0 : i32
    %dma_wait3A_553 = tpu.memref_slice %arg6[%dma_wait3A_551, %dma_wait3A_552] : memref<512x100xf32, #tpu.memory_space<vmem>> -> memref<1x100xf32, #tpu.memory_space<vmem>>
    %dma_wait3A_554 = arith.constant 0 : i32
    %dma_wait3A_555 = arith.constant 0 : i32
    %dma_wait3A_556 = tpu.memref_slice %arg3[%dma_wait3A_554, %dma_wait3A_555] : memref<1000000x100xf32, #tpu.memory_space<hbm>> -> memref<1x100xf32, #tpu.memory_space<hbm>>
    tpu.wait_dma2 semaphore(%arg7 : memref<!tpu.dma_semaphore, #tpu.memory_space<semaphore_mem>>) src(%dma_wait3A_556 : memref<1x100xf32, #tpu.memory_space<hbm>>) dst(%dma_wait3A_553 : memref<1x100xf32, #tpu.memory_space<vmem>>)
    %dma_wait3A_557 = arith.constant 0 : i32
    %dma_wait3A_558 = arith.constant 0 : i32
    %dma_wait3A_559 = tpu.memref_slice %arg6[%dma_wait3A_557, %dma_wait3A_558] : memref<512x100xf32, #tpu.memory_space<vmem>> -> memref<1x100xf32, #tpu.memory_space<vmem>>
    %dma_wait3A_560 = arith.constant 0 : i32
    %dma_wait3A_561 = arith.constant 0 : i32
    %dma_wait3A_562 = tpu.memref_slice %arg3[%dma_wait3A_560, %dma_wait3A_561] : memref<1000000x100xf32, #tpu.memory_space<hbm>> -> memref<1x100xf32, #tpu.memory_space<hbm>>
    %dma_wait3A_563 = arith.constant 0 : i32
    %dma_wait3A_564 = arith.constant 0 : i32
    %dma_wait3A_565 = tpu.memref_slice %arg6[%dma_wait3A_563, %dma_wait3A_564] : memref<512x100xf32, #tpu.memory_space<vmem>> -> memref<1x100xf32, #tpu.memory_space<vmem>>
    %dma_wait3A_566 = arith.constant 0 : i32
    %dma_wait3A_567 = arith.constant 0 : i32
    %dma_wait3A_568 = tpu.memref_slice %arg3[%dma_wait3A_566, %dma_wait3A_567] : memref<1000000x100xf32, #tpu.memory_space<hbm>> -> memref<1x100xf32, #tpu.memory_space<hbm>>
    tpu.wait_dma2 semaphore(%arg7 : memref<!tpu.dma_semaphore, #tpu.memory_space<semaphore_mem>>) src(%dma_wait3A_568 : memref<1x100xf32, #tpu.memory_space<hbm>>) dst(%dma_wait3A_565 : memref<1x100xf32, #tpu.memory_space<vmem>>)
    %dma_wait3A_569 = arith.constant 0 : i32
    %dma_wait3A_570 = arith.constant 0 : i32
    %dma_wait3A_571 = tpu.memref_slice %arg6[%dma_wait3A_569, %dma_wait3A_570] : memref<512x100xf32, #tpu.memory_space<vmem>> -> memref<1x100xf32, #tpu.memory_space<vmem>>
    %dma_wait3A_572 = arith.constant 0 : i32
    %dma_wait3A_573 = arith.constant 0 : i32
    %dma_wait3A_574 = tpu.memref_slice %arg3[%dma_wait3A_572, %dma_wait3A_573] : memref<1000000x100xf32, #tpu.memory_space<hbm>> -> memref<1x100xf32, #tpu.memory_space<hbm>>
    %dma_wait3A_575 = arith.constant 0 : i32
    %dma_wait3A_576 = arith.constant 0 : i32
    %dma_wait3A_577 = tpu.memref_slice %arg6[%dma_wait3A_575, %dma_wait3A_576] : memref<512x100xf32, #tpu.memory_space<vmem>> -> memref<1x100xf32, #tpu.memory_space<vmem>>
    %dma_wait3A_578 = arith.constant 0 : i32
    %dma_wait3A_579 = arith.constant 0 : i32
    %dma_wait3A_580 = tpu.memref_slice %arg3[%dma_wait3A_578, %dma_wait3A_579] : memref<1000000x100xf32, #tpu.memory_space<hbm>> -> memref<1x100xf32, #tpu.memory_space<hbm>>
    tpu.wait_dma2 semaphore(%arg7 : memref<!tpu.dma_semaphore, #tpu.memory_space<semaphore_mem>>) src(%dma_wait3A_580 : memref<1x100xf32, #tpu.memory_space<hbm>>) dst(%dma_wait3A_577 : memref<1x100xf32, #tpu.memory_space<vmem>>)
    %dma_wait3A_581 = arith.constant 0 : i32
    %dma_wait3A_582 = arith.constant 0 : i32
    %dma_wait3A_583 = tpu.memref_slice %arg6[%dma_wait3A_581, %dma_wait3A_582] : memref<512x100xf32, #tpu.memory_space<vmem>> -> memref<1x100xf32, #tpu.memory_space<vmem>>
    %dma_wait3A_584 = arith.constant 0 : i32
    %dma_wait3A_585 = arith.constant 0 : i32
    %dma_wait3A_586 = tpu.memref_slice %arg3[%dma_wait3A_584, %dma_wait3A_585] : memref<1000000x100xf32, #tpu.memory_space<hbm>> -> memref<1x100xf32, #tpu.memory_space<hbm>>
    %dma_wait3A_587 = arith.constant 0 : i32
    %dma_wait3A_588 = arith.constant 0 : i32
    %dma_wait3A_589 = tpu.memref_slice %arg6[%dma_wait3A_587, %dma_wait3A_588] : memref<512x100xf32, #tpu.memory_space<vmem>> -> memref<1x100xf32, #tpu.memory_space<vmem>>
    %dma_wait3A_590 = arith.constant 0 : i32
    %dma_wait3A_591 = arith.constant 0 : i32
    %dma_wait3A_592 = tpu.memref_slice %arg3[%dma_wait3A_590, %dma_wait3A_591] : memref<1000000x100xf32, #tpu.memory_space<hbm>> -> memref<1x100xf32, #tpu.memory_space<hbm>>
    tpu.wait_dma2 semaphore(%arg7 : memref<!tpu.dma_semaphore, #tpu.memory_space<semaphore_mem>>) src(%dma_wait3A_592 : memref<1x100xf32, #tpu.memory_space<hbm>>) dst(%dma_wait3A_589 : memref<1x100xf32, #tpu.memory_space<vmem>>)
    %dma_wait3A_593 = arith.constant 0 : i32
    %dma_wait3A_594 = arith.constant 0 : i32
    %dma_wait3A_595 = tpu.memref_slice %arg6[%dma_wait3A_593, %dma_wait3A_594] : memref<512x100xf32, #tpu.memory_space<vmem>> -> memref<1x100xf32, #tpu.memory_space<vmem>>
    %dma_wait3A_596 = arith.constant 0 : i32
    %dma_wait3A_597 = arith.constant 0 : i32
    %dma_wait3A_598 = tpu.memref_slice %arg3[%dma_wait3A_596, %dma_wait3A_597] : memref<1000000x100xf32, #tpu.memory_space<hbm>> -> memref<1x100xf32, #tpu.memory_space<hbm>>
    %dma_wait3A_599 = arith.constant 0 : i32
    %dma_wait3A_600 = arith.constant 0 : i32
    %dma_wait3A_601 = tpu.memref_slice %arg6[%dma_wait3A_599, %dma_wait3A_600] : memref<512x100xf32, #tpu.memory_space<vmem>> -> memref<1x100xf32, #tpu.memory_space<vmem>>
    %dma_wait3A_602 = arith.constant 0 : i32
    %dma_wait3A_603 = arith.constant 0 : i32
    %dma_wait3A_604 = tpu.memref_slice %arg3[%dma_wait3A_602, %dma_wait3A_603] : memref<1000000x100xf32, #tpu.memory_space<hbm>> -> memref<1x100xf32, #tpu.memory_space<hbm>>
    tpu.wait_dma2 semaphore(%arg7 : memref<!tpu.dma_semaphore, #tpu.memory_space<semaphore_mem>>) src(%dma_wait3A_604 : memref<1x100xf32, #tpu.memory_space<hbm>>) dst(%dma_wait3A_601 : memref<1x100xf32, #tpu.memory_space<vmem>>)
    %dma_wait3A_605 = arith.constant 0 : i32
    %dma_wait3A_606 = arith.constant 0 : i32
    %dma_wait3A_607 = tpu.memref_slice %arg6[%dma_wait3A_605, %dma_wait3A_606] : memref<512x100xf32, #tpu.memory_space<vmem>> -> memref<1x100xf32, #tpu.memory_space<vmem>>
    %dma_wait3A_608 = arith.constant 0 : i32
    %dma_wait3A_609 = arith.constant 0 : i32
    %dma_wait3A_610 = tpu.memref_slice %arg3[%dma_wait3A_608, %dma_wait3A_609] : memref<1000000x100xf32, #tpu.memory_space<hbm>> -> memref<1x100xf32, #tpu.memory_space<hbm>>
    %dma_wait3A_611 = arith.constant 0 : i32
    %dma_wait3A_612 = arith.constant 0 : i32
    %dma_wait3A_613 = tpu.memref_slice %arg6[%dma_wait3A_611, %dma_wait3A_612] : memref<512x100xf32, #tpu.memory_space<vmem>> -> memref<1x100xf32, #tpu.memory_space<vmem>>
    %dma_wait3A_614 = arith.constant 0 : i32
    %dma_wait3A_615 = arith.constant 0 : i32
    %dma_wait3A_616 = tpu.memref_slice %arg3[%dma_wait3A_614, %dma_wait3A_615] : memref<1000000x100xf32, #tpu.memory_space<hbm>> -> memref<1x100xf32, #tpu.memory_space<hbm>>
    tpu.wait_dma2 semaphore(%arg7 : memref<!tpu.dma_semaphore, #tpu.memory_space<semaphore_mem>>) src(%dma_wait3A_616 : memref<1x100xf32, #tpu.memory_space<hbm>>) dst(%dma_wait3A_613 : memref<1x100xf32, #tpu.memory_space<vmem>>)
    %dma_wait3A_617 = arith.constant 0 : i32
    %dma_wait3A_618 = arith.constant 0 : i32
    %dma_wait3A_619 = tpu.memref_slice %arg6[%dma_wait3A_617, %dma_wait3A_618] : memref<512x100xf32, #tpu.memory_space<vmem>> -> memref<1x100xf32, #tpu.memory_space<vmem>>
    %dma_wait3A_620 = arith.constant 0 : i32
    %dma_wait3A_621 = arith.constant 0 : i32
    %dma_wait3A_622 = tpu.memref_slice %arg3[%dma_wait3A_620, %dma_wait3A_621] : memref<1000000x100xf32, #tpu.memory_space<hbm>> -> memref<1x100xf32, #tpu.memory_space<hbm>>
    %dma_wait3A_623 = arith.constant 0 : i32
    %dma_wait3A_624 = arith.constant 0 : i32
    %dma_wait3A_625 = tpu.memref_slice %arg6[%dma_wait3A_623, %dma_wait3A_624] : memref<512x100xf32, #tpu.memory_space<vmem>> -> memref<1x100xf32, #tpu.memory_space<vmem>>
    %dma_wait3A_626 = arith.constant 0 : i32
    %dma_wait3A_627 = arith.constant 0 : i32
    %dma_wait3A_628 = tpu.memref_slice %arg3[%dma_wait3A_626, %dma_wait3A_627] : memref<1000000x100xf32, #tpu.memory_space<hbm>> -> memref<1x100xf32, #tpu.memory_space<hbm>>
    tpu.wait_dma2 semaphore(%arg7 : memref<!tpu.dma_semaphore, #tpu.memory_space<semaphore_mem>>) src(%dma_wait3A_628 : memref<1x100xf32, #tpu.memory_space<hbm>>) dst(%dma_wait3A_625 : memref<1x100xf32, #tpu.memory_space<vmem>>)
    %dma_wait3A_629 = arith.constant 0 : i32
    %dma_wait3A_630 = arith.constant 0 : i32
    %dma_wait3A_631 = tpu.memref_slice %arg6[%dma_wait3A_629, %dma_wait3A_630] : memref<512x100xf32, #tpu.memory_space<vmem>> -> memref<1x100xf32, #tpu.memory_space<vmem>>
    %dma_wait3A_632 = arith.constant 0 : i32
    %dma_wait3A_633 = arith.constant 0 : i32
    %dma_wait3A_634 = tpu.memref_slice %arg3[%dma_wait3A_632, %dma_wait3A_633] : memref<1000000x100xf32, #tpu.memory_space<hbm>> -> memref<1x100xf32, #tpu.memory_space<hbm>>
    %dma_wait3A_635 = arith.constant 0 : i32
    %dma_wait3A_636 = arith.constant 0 : i32
    %dma_wait3A_637 = tpu.memref_slice %arg6[%dma_wait3A_635, %dma_wait3A_636] : memref<512x100xf32, #tpu.memory_space<vmem>> -> memref<1x100xf32, #tpu.memory_space<vmem>>
    %dma_wait3A_638 = arith.constant 0 : i32
    %dma_wait3A_639 = arith.constant 0 : i32
    %dma_wait3A_640 = tpu.memref_slice %arg3[%dma_wait3A_638, %dma_wait3A_639] : memref<1000000x100xf32, #tpu.memory_space<hbm>> -> memref<1x100xf32, #tpu.memory_space<hbm>>
    tpu.wait_dma2 semaphore(%arg7 : memref<!tpu.dma_semaphore, #tpu.memory_space<semaphore_mem>>) src(%dma_wait3A_640 : memref<1x100xf32, #tpu.memory_space<hbm>>) dst(%dma_wait3A_637 : memref<1x100xf32, #tpu.memory_space<vmem>>)
    %dma_wait3A_641 = arith.constant 0 : i32
    %dma_wait3A_642 = arith.constant 0 : i32
    %dma_wait3A_643 = tpu.memref_slice %arg6[%dma_wait3A_641, %dma_wait3A_642] : memref<512x100xf32, #tpu.memory_space<vmem>> -> memref<1x100xf32, #tpu.memory_space<vmem>>
    %dma_wait3A_644 = arith.constant 0 : i32
    %dma_wait3A_645 = arith.constant 0 : i32
    %dma_wait3A_646 = tpu.memref_slice %arg3[%dma_wait3A_644, %dma_wait3A_645] : memref<1000000x100xf32, #tpu.memory_space<hbm>> -> memref<1x100xf32, #tpu.memory_space<hbm>>
    %dma_wait3A_647 = arith.constant 0 : i32
    %dma_wait3A_648 = arith.constant 0 : i32
    %dma_wait3A_649 = tpu.memref_slice %arg6[%dma_wait3A_647, %dma_wait3A_648] : memref<512x100xf32, #tpu.memory_space<vmem>> -> memref<1x100xf32, #tpu.memory_space<vmem>>
    %dma_wait3A_650 = arith.constant 0 : i32
    %dma_wait3A_651 = arith.constant 0 : i32
    %dma_wait3A_652 = tpu.memref_slice %arg3[%dma_wait3A_650, %dma_wait3A_651] : memref<1000000x100xf32, #tpu.memory_space<hbm>> -> memref<1x100xf32, #tpu.memory_space<hbm>>
    tpu.wait_dma2 semaphore(%arg7 : memref<!tpu.dma_semaphore, #tpu.memory_space<semaphore_mem>>) src(%dma_wait3A_652 : memref<1x100xf32, #tpu.memory_space<hbm>>) dst(%dma_wait3A_649 : memref<1x100xf32, #tpu.memory_space<vmem>>)
    %dma_wait3A_653 = arith.constant 0 : i32
    %dma_wait3A_654 = arith.constant 0 : i32
    %dma_wait3A_655 = tpu.memref_slice %arg6[%dma_wait3A_653, %dma_wait3A_654] : memref<512x100xf32, #tpu.memory_space<vmem>> -> memref<1x100xf32, #tpu.memory_space<vmem>>
    %dma_wait3A_656 = arith.constant 0 : i32
    %dma_wait3A_657 = arith.constant 0 : i32
    %dma_wait3A_658 = tpu.memref_slice %arg3[%dma_wait3A_656, %dma_wait3A_657] : memref<1000000x100xf32, #tpu.memory_space<hbm>> -> memref<1x100xf32, #tpu.memory_space<hbm>>
    %dma_wait3A_659 = arith.constant 0 : i32
    %dma_wait3A_660 = arith.constant 0 : i32
    %dma_wait3A_661 = tpu.memref_slice %arg6[%dma_wait3A_659, %dma_wait3A_660] : memref<512x100xf32, #tpu.memory_space<vmem>> -> memref<1x100xf32, #tpu.memory_space<vmem>>
    %dma_wait3A_662 = arith.constant 0 : i32
    %dma_wait3A_663 = arith.constant 0 : i32
    %dma_wait3A_664 = tpu.memref_slice %arg3[%dma_wait3A_662, %dma_wait3A_663] : memref<1000000x100xf32, #tpu.memory_space<hbm>> -> memref<1x100xf32, #tpu.memory_space<hbm>>
    tpu.wait_dma2 semaphore(%arg7 : memref<!tpu.dma_semaphore, #tpu.memory_space<semaphore_mem>>) src(%dma_wait3A_664 : memref<1x100xf32, #tpu.memory_space<hbm>>) dst(%dma_wait3A_661 : memref<1x100xf32, #tpu.memory_space<vmem>>)
    %dma_wait3A_665 = arith.constant 0 : i32
    %dma_wait3A_666 = arith.constant 0 : i32
    %dma_wait3A_667 = tpu.memref_slice %arg6[%dma_wait3A_665, %dma_wait3A_666] : memref<512x100xf32, #tpu.memory_space<vmem>> -> memref<1x100xf32, #tpu.memory_space<vmem>>
    %dma_wait3A_668 = arith.constant 0 : i32
    %dma_wait3A_669 = arith.constant 0 : i32
    %dma_wait3A_670 = tpu.memref_slice %arg3[%dma_wait3A_668, %dma_wait3A_669] : memref<1000000x100xf32, #tpu.memory_space<hbm>> -> memref<1x100xf32, #tpu.memory_space<hbm>>
    %dma_wait3A_671 = arith.constant 0 : i32
    %dma_wait3A_672 = arith.constant 0 : i32
    %dma_wait3A_673 = tpu.memref_slice %arg6[%dma_wait3A_671, %dma_wait3A_672] : memref<512x100xf32, #tpu.memory_space<vmem>> -> memref<1x100xf32, #tpu.memory_space<vmem>>
    %dma_wait3A_674 = arith.constant 0 : i32
    %dma_wait3A_675 = arith.constant 0 : i32
    %dma_wait3A_676 = tpu.memref_slice %arg3[%dma_wait3A_674, %dma_wait3A_675] : memref<1000000x100xf32, #tpu.memory_space<hbm>> -> memref<1x100xf32, #tpu.memory_space<hbm>>
    tpu.wait_dma2 semaphore(%arg7 : memref<!tpu.dma_semaphore, #tpu.memory_space<semaphore_mem>>) src(%dma_wait3A_676 : memref<1x100xf32, #tpu.memory_space<hbm>>) dst(%dma_wait3A_673 : memref<1x100xf32, #tpu.memory_space<vmem>>)
    %dma_wait3A_677 = arith.constant 0 : i32
    %dma_wait3A_678 = arith.constant 0 : i32
    %dma_wait3A_679 = tpu.memref_slice %arg6[%dma_wait3A_677, %dma_wait3A_678] : memref<512x100xf32, #tpu.memory_space<vmem>> -> memref<1x100xf32, #tpu.memory_space<vmem>>
    %dma_wait3A_680 = arith.constant 0 : i32
    %dma_wait3A_681 = arith.constant 0 : i32
    %dma_wait3A_682 = tpu.memref_slice %arg3[%dma_wait3A_680, %dma_wait3A_681] : memref<1000000x100xf32, #tpu.memory_space<hbm>> -> memref<1x100xf32, #tpu.memory_space<hbm>>
    %dma_wait3A_683 = arith.constant 0 : i32
    %dma_wait3A_684 = arith.constant 0 : i32
    %dma_wait3A_685 = tpu.memref_slice %arg6[%dma_wait3A_683, %dma_wait3A_684] : memref<512x100xf32, #tpu.memory_space<vmem>> -> memref<1x100xf32, #tpu.memory_space<vmem>>
    %dma_wait3A_686 = arith.constant 0 : i32
    %dma_wait3A_687 = arith.constant 0 : i32
    %dma_wait3A_688 = tpu.memref_slice %arg3[%dma_wait3A_686, %dma_wait3A_687] : memref<1000000x100xf32, #tpu.memory_space<hbm>> -> memref<1x100xf32, #tpu.memory_space<hbm>>
    tpu.wait_dma2 semaphore(%arg7 : memref<!tpu.dma_semaphore, #tpu.memory_space<semaphore_mem>>) src(%dma_wait3A_688 : memref<1x100xf32, #tpu.memory_space<hbm>>) dst(%dma_wait3A_685 : memref<1x100xf32, #tpu.memory_space<vmem>>)
    %dma_wait3A_689 = arith.constant 0 : i32
    %dma_wait3A_690 = arith.constant 0 : i32
    %dma_wait3A_691 = tpu.memref_slice %arg6[%dma_wait3A_689, %dma_wait3A_690] : memref<512x100xf32, #tpu.memory_space<vmem>> -> memref<1x100xf32, #tpu.memory_space<vmem>>
    %dma_wait3A_692 = arith.constant 0 : i32
    %dma_wait3A_693 = arith.constant 0 : i32
    %dma_wait3A_694 = tpu.memref_slice %arg3[%dma_wait3A_692, %dma_wait3A_693] : memref<1000000x100xf32, #tpu.memory_space<hbm>> -> memref<1x100xf32, #tpu.memory_space<hbm>>
    %dma_wait3A_695 = arith.constant 0 : i32
    %dma_wait3A_696 = arith.constant 0 : i32
    %dma_wait3A_697 = tpu.memref_slice %arg6[%dma_wait3A_695, %dma_wait3A_696] : memref<512x100xf32, #tpu.memory_space<vmem>> -> memref<1x100xf32, #tpu.memory_space<vmem>>
    %dma_wait3A_698 = arith.constant 0 : i32
    %dma_wait3A_699 = arith.constant 0 : i32
    %dma_wait3A_700 = tpu.memref_slice %arg3[%dma_wait3A_698, %dma_wait3A_699] : memref<1000000x100xf32, #tpu.memory_space<hbm>> -> memref<1x100xf32, #tpu.memory_space<hbm>>
    tpu.wait_dma2 semaphore(%arg7 : memref<!tpu.dma_semaphore, #tpu.memory_space<semaphore_mem>>) src(%dma_wait3A_700 : memref<1x100xf32, #tpu.memory_space<hbm>>) dst(%dma_wait3A_697 : memref<1x100xf32, #tpu.memory_space<vmem>>)
    %dma_wait3A_701 = arith.constant 0 : i32
    %dma_wait3A_702 = arith.constant 0 : i32
    %dma_wait3A_703 = tpu.memref_slice %arg6[%dma_wait3A_701, %dma_wait3A_702] : memref<512x100xf32, #tpu.memory_space<vmem>> -> memref<1x100xf32, #tpu.memory_space<vmem>>
    %dma_wait3A_704 = arith.constant 0 : i32
    %dma_wait3A_705 = arith.constant 0 : i32
    %dma_wait3A_706 = tpu.memref_slice %arg3[%dma_wait3A_704, %dma_wait3A_705] : memref<1000000x100xf32, #tpu.memory_space<hbm>> -> memref<1x100xf32, #tpu.memory_space<hbm>>
    %dma_wait3A_707 = arith.constant 0 : i32
    %dma_wait3A_708 = arith.constant 0 : i32
    %dma_wait3A_709 = tpu.memref_slice %arg6[%dma_wait3A_707, %dma_wait3A_708] : memref<512x100xf32, #tpu.memory_space<vmem>> -> memref<1x100xf32, #tpu.memory_space<vmem>>
    %dma_wait3A_710 = arith.constant 0 : i32
    %dma_wait3A_711 = arith.constant 0 : i32
    %dma_wait3A_712 = tpu.memref_slice %arg3[%dma_wait3A_710, %dma_wait3A_711] : memref<1000000x100xf32, #tpu.memory_space<hbm>> -> memref<1x100xf32, #tpu.memory_space<hbm>>
    tpu.wait_dma2 semaphore(%arg7 : memref<!tpu.dma_semaphore, #tpu.memory_space<semaphore_mem>>) src(%dma_wait3A_712 : memref<1x100xf32, #tpu.memory_space<hbm>>) dst(%dma_wait3A_709 : memref<1x100xf32, #tpu.memory_space<vmem>>)
    %dma_wait3A_713 = arith.constant 0 : i32
    %dma_wait3A_714 = arith.constant 0 : i32
    %dma_wait3A_715 = tpu.memref_slice %arg6[%dma_wait3A_713, %dma_wait3A_714] : memref<512x100xf32, #tpu.memory_space<vmem>> -> memref<1x100xf32, #tpu.memory_space<vmem>>
    %dma_wait3A_716 = arith.constant 0 : i32
    %dma_wait3A_717 = arith.constant 0 : i32
    %dma_wait3A_718 = tpu.memref_slice %arg3[%dma_wait3A_716, %dma_wait3A_717] : memref<1000000x100xf32, #tpu.memory_space<hbm>> -> memref<1x100xf32, #tpu.memory_space<hbm>>
    %dma_wait3A_719 = arith.constant 0 : i32
    %dma_wait3A_720 = arith.constant 0 : i32
    %dma_wait3A_721 = tpu.memref_slice %arg6[%dma_wait3A_719, %dma_wait3A_720] : memref<512x100xf32, #tpu.memory_space<vmem>> -> memref<1x100xf32, #tpu.memory_space<vmem>>
    %dma_wait3A_722 = arith.constant 0 : i32
    %dma_wait3A_723 = arith.constant 0 : i32
    %dma_wait3A_724 = tpu.memref_slice %arg3[%dma_wait3A_722, %dma_wait3A_723] : memref<1000000x100xf32, #tpu.memory_space<hbm>> -> memref<1x100xf32, #tpu.memory_space<hbm>>
    tpu.wait_dma2 semaphore(%arg7 : memref<!tpu.dma_semaphore, #tpu.memory_space<semaphore_mem>>) src(%dma_wait3A_724 : memref<1x100xf32, #tpu.memory_space<hbm>>) dst(%dma_wait3A_721 : memref<1x100xf32, #tpu.memory_space<vmem>>)
    %dma_wait3A_725 = arith.constant 0 : i32
    %dma_wait3A_726 = arith.constant 0 : i32
    %dma_wait3A_727 = tpu.memref_slice %arg6[%dma_wait3A_725, %dma_wait3A_726] : memref<512x100xf32, #tpu.memory_space<vmem>> -> memref<1x100xf32, #tpu.memory_space<vmem>>
    %dma_wait3A_728 = arith.constant 0 : i32
    %dma_wait3A_729 = arith.constant 0 : i32
    %dma_wait3A_730 = tpu.memref_slice %arg3[%dma_wait3A_728, %dma_wait3A_729] : memref<1000000x100xf32, #tpu.memory_space<hbm>> -> memref<1x100xf32, #tpu.memory_space<hbm>>
    %dma_wait3A_731 = arith.constant 0 : i32
    %dma_wait3A_732 = arith.constant 0 : i32
    %dma_wait3A_733 = tpu.memref_slice %arg6[%dma_wait3A_731, %dma_wait3A_732] : memref<512x100xf32, #tpu.memory_space<vmem>> -> memref<1x100xf32, #tpu.memory_space<vmem>>
    %dma_wait3A_734 = arith.constant 0 : i32
    %dma_wait3A_735 = arith.constant 0 : i32
    %dma_wait3A_736 = tpu.memref_slice %arg3[%dma_wait3A_734, %dma_wait3A_735] : memref<1000000x100xf32, #tpu.memory_space<hbm>> -> memref<1x100xf32, #tpu.memory_space<hbm>>
    tpu.wait_dma2 semaphore(%arg7 : memref<!tpu.dma_semaphore, #tpu.memory_space<semaphore_mem>>) src(%dma_wait3A_736 : memref<1x100xf32, #tpu.memory_space<hbm>>) dst(%dma_wait3A_733 : memref<1x100xf32, #tpu.memory_space<vmem>>)
    %dma_wait3A_737 = arith.constant 0 : i32
    %dma_wait3A_738 = arith.constant 0 : i32
    %dma_wait3A_739 = tpu.memref_slice %arg6[%dma_wait3A_737, %dma_wait3A_738] : memref<512x100xf32, #tpu.memory_space<vmem>> -> memref<1x100xf32, #tpu.memory_space<vmem>>
    %dma_wait3A_740 = arith.constant 0 : i32
    %dma_wait3A_741 = arith.constant 0 : i32
    %dma_wait3A_742 = tpu.memref_slice %arg3[%dma_wait3A_740, %dma_wait3A_741] : memref<1000000x100xf32, #tpu.memory_space<hbm>> -> memref<1x100xf32, #tpu.memory_space<hbm>>
    %dma_wait3A_743 = arith.constant 0 : i32
    %dma_wait3A_744 = arith.constant 0 : i32
    %dma_wait3A_745 = tpu.memref_slice %arg6[%dma_wait3A_743, %dma_wait3A_744] : memref<512x100xf32, #tpu.memory_space<vmem>> -> memref<1x100xf32, #tpu.memory_space<vmem>>
    %dma_wait3A_746 = arith.constant 0 : i32
    %dma_wait3A_747 = arith.constant 0 : i32
    %dma_wait3A_748 = tpu.memref_slice %arg3[%dma_wait3A_746, %dma_wait3A_747] : memref<1000000x100xf32, #tpu.memory_space<hbm>> -> memref<1x100xf32, #tpu.memory_space<hbm>>
    tpu.wait_dma2 semaphore(%arg7 : memref<!tpu.dma_semaphore, #tpu.memory_space<semaphore_mem>>) src(%dma_wait3A_748 : memref<1x100xf32, #tpu.memory_space<hbm>>) dst(%dma_wait3A_745 : memref<1x100xf32, #tpu.memory_space<vmem>>)
    %dma_wait3A_749 = arith.constant 0 : i32
    %dma_wait3A_750 = arith.constant 0 : i32
    %dma_wait3A_751 = tpu.memref_slice %arg6[%dma_wait3A_749, %dma_wait3A_750] : memref<512x100xf32, #tpu.memory_space<vmem>> -> memref<1x100xf32, #tpu.memory_space<vmem>>
    %dma_wait3A_752 = arith.constant 0 : i32
    %dma_wait3A_753 = arith.constant 0 : i32
    %dma_wait3A_754 = tpu.memref_slice %arg3[%dma_wait3A_752, %dma_wait3A_753] : memref<1000000x100xf32, #tpu.memory_space<hbm>> -> memref<1x100xf32, #tpu.memory_space<hbm>>
    %dma_wait3A_755 = arith.constant 0 : i32
    %dma_wait3A_756 = arith.constant 0 : i32
    %dma_wait3A_757 = tpu.memref_slice %arg6[%dma_wait3A_755, %dma_wait3A_756] : memref<512x100xf32, #tpu.memory_space<vmem>> -> memref<1x100xf32, #tpu.memory_space<vmem>>
    %dma_wait3A_758 = arith.constant 0 : i32
    %dma_wait3A_759 = arith.constant 0 : i32
    %dma_wait3A_760 = tpu.memref_slice %arg3[%dma_wait3A_758, %dma_wait3A_759] : memref<1000000x100xf32, #tpu.memory_space<hbm>> -> memref<1x100xf32, #tpu.memory_space<hbm>>
    tpu.wait_dma2 semaphore(%arg7 : memref<!tpu.dma_semaphore, #tpu.memory_space<semaphore_mem>>) src(%dma_wait3A_760 : memref<1x100xf32, #tpu.memory_space<hbm>>) dst(%dma_wait3A_757 : memref<1x100xf32, #tpu.memory_space<vmem>>)
    %dma_wait3A_761 = arith.constant 0 : i32
    %dma_wait3A_762 = arith.constant 0 : i32
    %dma_wait3A_763 = tpu.memref_slice %arg6[%dma_wait3A_761, %dma_wait3A_762] : memref<512x100xf32, #tpu.memory_space<vmem>> -> memref<1x100xf32, #tpu.memory_space<vmem>>
    %dma_wait3A_764 = arith.constant 0 : i32
    %dma_wait3A_765 = arith.constant 0 : i32
    %dma_wait3A_766 = tpu.memref_slice %arg3[%dma_wait3A_764, %dma_wait3A_765] : memref<1000000x100xf32, #tpu.memory_space<hbm>> -> memref<1x100xf32, #tpu.memory_space<hbm>>
    %dma_wait3A_767 = arith.constant 0 : i32
    %dma_wait3A_768 = arith.constant 0 : i32
    %dma_wait3A_769 = tpu.memref_slice %arg6[%dma_wait3A_767, %dma_wait3A_768] : memref<512x100xf32, #tpu.memory_space<vmem>> -> memref<1x100xf32, #tpu.memory_space<vmem>>
    %dma_wait3A_770 = arith.constant 0 : i32
    %dma_wait3A_771 = arith.constant 0 : i32
    %dma_wait3A_772 = tpu.memref_slice %arg3[%dma_wait3A_770, %dma_wait3A_771] : memref<1000000x100xf32, #tpu.memory_space<hbm>> -> memref<1x100xf32, #tpu.memory_space<hbm>>
    tpu.wait_dma2 semaphore(%arg7 : memref<!tpu.dma_semaphore, #tpu.memory_space<semaphore_mem>>) src(%dma_wait3A_772 : memref<1x100xf32, #tpu.memory_space<hbm>>) dst(%dma_wait3A_769 : memref<1x100xf32, #tpu.memory_space<vmem>>)
    "tpu.region"() ({
      %run_scoped3A = tpu.sem_alloc : memref<!tpu.dma_semaphore, #tpu.memory_space<semaphore_mem>>
      %dma_start3A_773 = arith.constant 0 : i32
      %dma_start3A_774 = tpu.memref_slice %arg4[%multiple_of3A, %dma_start3A_773] : memref<16384x100xf32, #tpu.memory_space<hbm>> -> memref<512x100xf32, #tpu.memory_space<hbm>>
      %dma_start3A_775 = arith.constant 0 : i32
      %dma_start3A_776 = tpu.memref_slice %arg4[%multiple_of3A, %dma_start3A_775] : memref<16384x100xf32, #tpu.memory_space<hbm>> -> memref<512x100xf32, #tpu.memory_space<hbm>>
      tpu.enqueue_dma source(%arg6 : memref<512x100xf32, #tpu.memory_space<vmem>>) target(%dma_start3A_776 : memref<512x100xf32, #tpu.memory_space<hbm>>) target_semaphore(%run_scoped3A : memref<!tpu.dma_semaphore, #tpu.memory_space<semaphore_mem>>)
      %dma_wait3A_777 = arith.constant 0 : i32
      %dma_wait3A_778 = tpu.memref_slice %arg4[%multiple_of3A, %dma_wait3A_777] : memref<16384x100xf32, #tpu.memory_space<hbm>> -> memref<512x100xf32, #tpu.memory_space<hbm>>
      %dma_wait3A_779 = arith.constant 0 : i32
      %dma_wait3A_780 = tpu.memref_slice %arg4[%multiple_of3A, %dma_wait3A_779] : memref<16384x100xf32, #tpu.memory_space<hbm>> -> memref<512x100xf32, #tpu.memory_space<hbm>>
      tpu.wait_dma2 semaphore(%run_scoped3A : memref<!tpu.dma_semaphore, #tpu.memory_space<semaphore_mem>>) src(%arg6 : memref<512x100xf32, #tpu.memory_space<vmem>>) dst(%dma_wait3A_780 : memref<512x100xf32, #tpu.memory_space<hbm>>)
      tpu.yield
    }) : () -> ()
    return
  }
}

module attributes {stable_mosaic.version = 14 : i64} {
  func.func @_tc_loss_body(%arg0: i32, %arg1: memref<4096x100xf32, #tpu.memory_space<vmem>>, %arg2: memref<4096x1xi32, #tpu.memory_space<vmem>>, %arg3: memref<4096x100xf32, #tpu.memory_space<vmem>>, %arg4: memref<1x1xf32, #tpu.memory_space<smem>>) attributes {dimension_semantics = [#tpu.dimension_semantics<arbitrary>], iteration_bounds = array<i64: 4>, scalar_prefetch = 0 : i64, scratch_operands = 0 : i64, tpu.core_type = #tpu.core_type<tc>, window_params = [{transform_indices = @transform_0, window_bounds = array<i64: 4096, 100>}, {transform_indices = @transform_1, window_bounds = array<i64: 4096, 1>}, {transform_indices = @transform_2, window_bounds = array<i64: 4096, 100>}, {transform_indices = @transform_3, window_bounds = array<i64: 1, 1>}]} {
    %get3A = arith.constant 0 : index
    %get3A_0 = arith.constant 0 : index
    %get3A_1 = vector.load %arg1[%get3A, %get3A_0] : memref<4096x100xf32, #tpu.memory_space<vmem>>, vector<4096x100xf32>
    %get3A_2 = arith.constant 0 : index
    %get3A_3 = arith.constant 0 : index
    %get3A_4 = vector.load %arg2[%get3A_2, %get3A_3] : memref<4096x1xi32, #tpu.memory_space<vmem>>, vector<4096x1xi32>
    %get3A_5 = arith.constant 0 : index
    %get3A_6 = arith.constant 0 : index
    %get3A_7 = vector.load %arg3[%get3A_5, %get3A_6] : memref<4096x100xf32, #tpu.memory_space<vmem>>, vector<4096x100xf32>
    %reduce_max3A = arith.constant dense<0xFF800000> : vector<4096xf32>
    %reduce_max3A_8 = vector.multi_reduction <maximumf>, %get3A_1, %reduce_max3A [1] : vector<4096x100xf32> to vector<4096xf32>
    %broadcast_in_dim3A = vector.shape_cast %reduce_max3A_8 : vector<4096xf32> to vector<4096x1xf32>
    %sub3A = vector.broadcast %broadcast_in_dim3A : vector<4096x1xf32> to vector<4096x100xf32>
    %sub3A_9 = arith.subf %get3A_1, %sub3A : vector<4096x100xf32>
    %exp3A = math.exp %sub3A_9 : vector<4096x100xf32>
    %reduce_sum3A = arith.constant dense<0.000000e+00> : vector<4096xf32>
    %reduce_sum3A_10 = vector.multi_reduction <add>, %exp3A, %reduce_sum3A [1] : vector<4096x100xf32> to vector<4096xf32>
    %broadcast_in_dim3A_11 = vector.shape_cast %reduce_sum3A_10 : vector<4096xf32> to vector<4096x1xf32>
    %iota3A = tpu.iota {dimensions = array<i32: 1>} : vector<4096x100xi32>
    %eq3A = vector.broadcast %get3A_4 : vector<4096x1xi32> to vector<4096x100xi32>
    %eq3A_12 = arith.cmpi eq, %iota3A, %eq3A : vector<4096x100xi32>
    %jit3A = arith.constant 0.000000e+00 : f32
    %broadcast_in_dim3A_13 = vector.broadcast %jit3A : f32 to vector<4096x100xf32>
    %select_n3A = arith.select %eq3A_12, %get3A_1, %broadcast_in_dim3A_13 : vector<4096x100xi1>, vector<4096x100xf32>
    %reduce_sum3A_14 = arith.constant dense<0.000000e+00> : vector<4096xf32>
    %reduce_sum3A_15 = vector.multi_reduction <add>, %select_n3A, %reduce_sum3A_14 [1] : vector<4096x100xf32> to vector<4096xf32>
    %broadcast_in_dim3A_16 = vector.shape_cast %reduce_sum3A_15 : vector<4096xf32> to vector<4096x1xf32>
    %log3A = math.log %broadcast_in_dim3A_11 : vector<4096x1xf32>
    %add3A = arith.addf %broadcast_in_dim3A, %log3A : vector<4096x1xf32>
    %sub3A_17 = arith.subf %add3A, %broadcast_in_dim3A_16 : vector<4096x1xf32>
    %div3A = vector.broadcast %broadcast_in_dim3A_11 : vector<4096x1xf32> to vector<4096x100xf32>
    %div3A_18 = arith.divf %exp3A, %div3A : vector<4096x100xf32>
    %jit3A_19 = arith.constant 9.99999974E-5 : f32
    %jit3A_20 = arith.constant 0.999899983 : f32
    %max3A = vector.broadcast %jit3A_19 : f32 to vector<4096x100xf32>
    %max3A_21 = arith.maximumf %max3A, %div3A_18 : vector<4096x100xf32>
    %min3A = vector.broadcast %jit3A_20 : f32 to vector<4096x100xf32>
    %min3A_22 = arith.minimumf %min3A, %max3A_21 : vector<4096x100xf32>
    %reduce_sum3A_23 = arith.constant dense<0.000000e+00> : vector<4096xf32>
    %reduce_sum3A_24 = vector.multi_reduction <add>, %min3A_22, %reduce_sum3A_23 [1] : vector<4096x100xf32> to vector<4096xf32>
    %broadcast_in_dim3A_25 = vector.shape_cast %reduce_sum3A_24 : vector<4096xf32> to vector<4096x1xf32>
    %mul3A = arith.mulf %get3A_7, %min3A_22 : vector<4096x100xf32>
    %reduce_sum3A_26 = arith.constant dense<0.000000e+00> : vector<4096xf32>
    %reduce_sum3A_27 = vector.multi_reduction <add>, %mul3A, %reduce_sum3A_26 [1] : vector<4096x100xf32> to vector<4096xf32>
    %broadcast_in_dim3A_28 = vector.shape_cast %reduce_sum3A_27 : vector<4096xf32> to vector<4096x1xf32>
    %mul3A_29 = arith.mulf %min3A_22, %min3A_22 : vector<4096x100xf32>
    %reduce_sum3A_30 = arith.constant dense<0.000000e+00> : vector<4096xf32>
    %reduce_sum3A_31 = vector.multi_reduction <add>, %mul3A_29, %reduce_sum3A_30 [1] : vector<4096x100xf32> to vector<4096xf32>
    %broadcast_in_dim3A_32 = vector.shape_cast %reduce_sum3A_31 : vector<4096xf32> to vector<4096x1xf32>
    %mul3A_33 = arith.constant 0.699999988 : f32
    %mul3A_34 = vector.broadcast %mul3A_33 : f32 to vector<4096x1xf32>
    %mul3A_35 = arith.mulf %mul3A_34, %broadcast_in_dim3A_28 : vector<4096x1xf32>
    %div3A_36 = arith.divf %broadcast_in_dim3A_32, %broadcast_in_dim3A_25 : vector<4096x1xf32>
    %mul3A_37 = arith.constant 3.000000e-01 : f32
    %mul3A_38 = vector.broadcast %mul3A_37 : f32 to vector<4096x1xf32>
    %mul3A_39 = arith.mulf %mul3A_38, %div3A_36 : vector<4096x1xf32>
    %add3A_40 = arith.addf %mul3A_35, %mul3A_39 : vector<4096x1xf32>
    %sub3A_41 = arith.constant 1.000000e+00 : f32
    %sub3A_42 = vector.broadcast %sub3A_41 : f32 to vector<4096x1xf32>
    %sub3A_43 = arith.subf %sub3A_42, %add3A_40 : vector<4096x1xf32>
    %log3A_44 = math.log %sub3A_43 : vector<4096x1xf32>
    %reduce_sum3A_45 = vector.shape_cast %sub3A_17 : vector<4096x1xf32> to vector<1x4096x1xf32>
    %reduce_sum3A_46 = arith.constant dense<0.000000e+00> : vector<1xf32>
    %reduce_sum3A_47 = vector.multi_reduction <add>, %reduce_sum3A_45, %reduce_sum3A_46 [1, 2] : vector<1x4096x1xf32> to vector<1xf32>
    %reduce_sum3A_48 = vector.shape_cast %reduce_sum3A_47 : vector<1xf32> to vector<1x1x1xf32>
    %reduce_sum3A_49 = vector.extract %reduce_sum3A_48[0, 0, 0] : f32 from vector<1x1x1xf32>
    %reduce_sum3A_50 = vector.shape_cast %log3A_44 : vector<4096x1xf32> to vector<1x4096x1xf32>
    %reduce_sum3A_51 = arith.constant dense<0.000000e+00> : vector<1xf32>
    %reduce_sum3A_52 = vector.multi_reduction <add>, %reduce_sum3A_50, %reduce_sum3A_51 [1, 2] : vector<1x4096x1xf32> to vector<1xf32>
    %reduce_sum3A_53 = vector.shape_cast %reduce_sum3A_52 : vector<1xf32> to vector<1x1x1xf32>
    %reduce_sum3A_54 = vector.extract %reduce_sum3A_53[0, 0, 0] : f32 from vector<1x1x1xf32>
    %mul3A_55 = arith.constant 3.000000e+00 : f32
    %mul3A_56 = arith.mulf %mul3A_55, %reduce_sum3A_54 : f32
    %add3A_57 = arith.addf %reduce_sum3A_49, %mul3A_56 : f32
    %mul3A_58 = arith.constant 6.10351563E-5 : f32
    %mul3A_59 = arith.mulf %add3A_57, %mul3A_58 : f32
    %eq3A_60 = arith.constant 0 : i32
    %eq3A_61 = arith.cmpi eq, %arg0, %eq3A_60 : i32
    %convert_element_type3A = arith.extui %eq3A_61 : i1 to i32
    %cond3A = arith.constant 0 : i32
    %cond3A_62 = arith.cmpi ne, %convert_element_type3A, %cond3A : i32
    scf.if %cond3A_62 {
      %swap3A_69 = arith.constant 0.000000e+00 : f32
      %swap3A_70 = arith.constant 0 : index
      %swap3A_71 = arith.constant 0 : index
      %swap3A_72 = memref.load %arg4[%swap3A_70, %swap3A_71] : memref<1x1xf32, #tpu.memory_space<smem>>
      memref.store %swap3A_69, %arg4[%swap3A_70, %swap3A_71] : memref<1x1xf32, #tpu.memory_space<smem>>
    } else {
    }
    %get3A_63 = arith.constant 0 : index
    %get3A_64 = arith.constant 0 : index
    %get3A_65 = memref.load %arg4[%get3A_63, %get3A_64] : memref<1x1xf32, #tpu.memory_space<smem>>
    %add3A_66 = arith.addf %get3A_65, %mul3A_59 : f32
    %swap3A = arith.constant 0 : index
    %swap3A_67 = arith.constant 0 : index
    %swap3A_68 = memref.load %arg4[%swap3A, %swap3A_67] : memref<1x1xf32, #tpu.memory_space<smem>>
    memref.store %add3A_66, %arg4[%swap3A, %swap3A_67] : memref<1x1xf32, #tpu.memory_space<smem>>
    return
  }
  func.func @transform_0(%arg0: i32) -> (i32, i32) {
    %c0_i32 = arith.constant 0 : i32
    %c0_i32_0 = arith.constant 0 : i32
    return %arg0, %c0_i32 : i32, i32
  }
  func.func @transform_1(%arg0: i32) -> (i32, i32) {
    %c0_i32 = arith.constant 0 : i32
    %c0_i32_0 = arith.constant 0 : i32
    return %arg0, %c0_i32 : i32, i32
  }
  func.func @transform_2(%arg0: i32) -> (i32, i32) {
    %c0_i32 = arith.constant 0 : i32
    %c0_i32_0 = arith.constant 0 : i32
    return %arg0, %c0_i32 : i32, i32
  }
  func.func @transform_3(%arg0: i32) -> (i32, i32) {
    %c0_i32 = arith.constant 0 : i32
    %c0_i32_0 = arith.constant 0 : i32
    %c0_i32_1 = arith.constant 0 : i32
    return %c0_i32, %c0_i32_0 : i32, i32
  }
}

</mosaic_0001>

<sc_bundles>
// kernel: kernel.4.cloned.1.call-start
scs
__scs_entry_jumppad:
0x0: {  	(pc) =	sbr.rel $0x88, $3  }
0x1: {  	(tag) =	ssettag $0x0;
	lr =	simm.s32 $0x1  }
0x2: {  	[smem:$0x3F9D] =	sst lr;
	_ =	strace $0xD0000000  }
0x3: {  	_ = 	snop  }
0x4: {  	_ = 	snop  }
0x5: {  	_ = 	snop  }
0x6: {  	_ = 	snop  }
0x7: {  	_ = 	snop  }
__scs_overlays_trampoline_lowered:
0x8: {  	[smem:$0x3FAC] =	sst s0  }
0x9: {  	[smem:$0x3FAD] =	sst s1  }
0xa: {  	[smem:$0x3FAE] =	sst s2  }
0xb: {  	[smem:$0x3FAF] =	sst s3  }
0xc: {  	[smem:$0x3FB0] =	sst s4  }
0xd: {  	[smem:$0x3FB1] =	sst s5  }
0xe: {  	[smem:$0x3FB2] =	sst s6  }
0xf: {  	[smem:$0x3FB3] =	sst s7  }
0x10: {  	[smem:$0x3FB4] =	sst s8  }
0x11: {  	[smem:$0x3FB5] =	sst s9;
	s0 =	simm.s32 @!p0 $0x0  }
0x12: {  	s1 =	sld [smem:$0x3F9B];
	s0 =	simm.s32 @p0 $0x1  }
0x13: {  	[smem:$0x3FB6] =	sst s0;
	s0 =	simm.s32 @!p1 $0x0  }
0x14: {  	s2 =	sld [smem:$0x3F9A];
	s0 =	simm.s32 @p1 $0x1  }
0x15: {  	[smem:$0x3FB7] =	sst s0;
	s0 =	simm.s32 @!p2 $0x0  }
0x16: {  	s3 =	sld [smem:$0x3FDB];
	s0 =	simm.s32 @p2 $0x1  }
0x17: {  	s4 =	simm.s32 $0x1BF5;
	[smem:$0x3FB9] =	sst s0  }
0x18: {  	s0 =	sld [smem:$0x3F9C];
	_ =	swait.ge [sflag:s4], $0x0  }
0x19: {  	s7 =	sld [smem:$0x3F9D]  }
0x1a: {  	s8 =	sadd.s32 $0xFFFFE003, lr  }
0x1b: {  	s9 =	sadd.s32 $0xFFFFFEF7, lr;
	s5 =	simm.s32 $0xFFFFFFFF;
	p2 =	slt.u32 s8, $0xFFFFF086  }
0x1c: {  	p1 =	slt.u32 s9, $0xF7A;
	s5 =	simm.s32 @!p2 $0x0  }
0x1d: {  	s5 =	simm.s32 @p1 $0x1;
	p0 =	seq.s32 s7, s2  }
0x1e: {  	s7 =	smul.u32 @!p0 $0xF7A, s2;
	p2 =	seq.s32 @!p0 s5, $0x0  }
0x1f: {  	s9 =	smul.u32 $0xF7A, s1;
	s8 =	simm.s32 @!p0 $0x1BF5;
	p2 =	por !p2, p0  }
0x20: {  	[sflag:s8] =	ssyncset.s32 @!p0 $0xFFFFF086;
	s6 =	sadd.s32 @!p0 s3, s7;
	s7 =	simm.s32 @!p0 $0x108  }
0x21: {  	s3 =	sadd.s32 s3, s9;
	s6 =	sadd.s32 @!p0 $0x88, s6;
	s7 =	simm.s32 @p2 $0x1082  }
0x22: {  	[simem:s7], [sflag:s8] =	dma.local @!p0 [hbm:s6], $0xF7A  }
0x23: {  	s9 =	sor.u32 $0xD0000000, s2;
	s6 =	simm.s32 $0x108;
	_ =	swait.ge @!p0 [sflag:s8], $0x0  }
0x24: {  	s3 =	sadd.s32 $0x88, s3;
	s6 =	simm.s32 @!p1 $0x1082;
	[sflag:s4] =	ssyncset.s32 $0xFFFFF086  }
0x25: {  	[simem:s6], [sflag:s4] =	dma.local [hbm:s3], $0xF7A  }
0x26: {  	[smem:$0x3F9D] =	sst s1;
	(tag) =	ssettag s2;
	_ =	strace s9  }
0x27: {  	s1 =	sld [smem:$0x3FAD]  }
0x28: {  	s2 =	sld [smem:$0x3FAE]  }
0x29: {  	s4 =	sld [smem:$0x3FB0]  }
0x2a: {  	p0 =	seq.s32 s5, $0x0;
	s5 =	sld [smem:$0x3FB1]  }
0x2b: {  	s6 =	sld [smem:$0x3FB2]  }
0x2c: {  	s7 =	sld [smem:$0x3FB3]  }
0x2d: {  	s3 =	simm.s32 $0x108;
	s8 =	sld [smem:$0x3FB4]  }
0x2e: {  	s3 =	simm.s32 @!p0 $0x1082;
	s9 =	sld [smem:$0x3FB5]  }
0x2f: {  	lr =	sadd.s32 s0, s3;
	s0 =	sld [smem:$0x3FAC]  }
0x30: {  	s3 =	sld [smem:$0x3FAF]  }
0x31: {  	[smem:$0x3FB8] =	sst s10  }
0x32: {  	s10 =	sld [smem:$0x3FB6];
	_ =	sdelay $0x3  }
0x33: {  	p0 =	seq.s32 s10, $0x1;
	s10 =	sld [smem:$0x3FB8];
	_ =	sdelay $0x3  }
0x34: {  	[smem:$0x3FB8] =	sst s10  }
0x35: {  	s10 =	sld [smem:$0x3FB7];
	_ =	sdelay $0x3  }
0x36: {  	p1 =	seq.s32 s10, $0x1;
	s10 =	sld [smem:$0x3FB8];
	_ =	sdelay $0x3  }
0x37: {  	[smem:$0x3FB8] =	sst s10  }
0x38: {  	s10 =	sld [smem:$0x3FB9]  }
0x39: {  	_ = 	snop;
	(pc) =	sbr.ind lr, $3  }
0x3a: {  	_ = 	snop  }
0x3b: {  	_ = 	snop  }
0x3c: {  	p2 =	seq.s32 s10, $0x1;
	s10 =	sld [smem:$0x3FB8]  }
0x3d: {  	_ =	shalt  }
0x3e: {  	_ =	shalt  }
0x3f: {  	_ =	shalt  }
0x40: {  	_ =	shalt  }
0x41: {  	_ =	shalt  }
0x42: {  	_ =	shalt  }
0x43: {  	_ =	shalt  }
0x44: {  	_ =	shalt  }
0x45: {  	_ =	shalt  }
0x46: {  	_ =	shalt  }
0x47: {  	_ =	shalt  }
0x48: {  	_ =	shalt  }
0x49: {  	_ =	shalt  }
0x4a: {  	_ =	shalt  }
0x4b: {  	_ =	shalt  }
0x4c: {  	_ =	shalt  }
0x4d: {  	_ =	shalt  }
0x4e: {  	_ =	shalt  }
0x4f: {  	_ =	shalt  }
0x50: {  	_ =	shalt  }
0x51: {  	_ =	shalt  }
0x52: {  	_ =	shalt  }
0x53: {  	_ =	shalt  }
0x54: {  	_ =	shalt  }
0x55: {  	_ =	shalt  }
0x56: {  	_ =	shalt  }
0x57: {  	_ =	shalt  }
0x58: {  	_ =	shalt  }
0x59: {  	_ =	shalt  }
0x5a: {  	_ =	shalt  }
0x5b: {  	_ =	shalt  }
0x5c: {  	_ =	shalt  }
0x5d: {  	_ =	shalt  }
0x5e: {  	_ =	shalt  }
0x5f: {  	_ =	shalt  }
0x60: {  	_ =	shalt  }
0x61: {  	_ =	shalt  }
0x62: {  	_ =	shalt  }
0x63: {  	_ =	shalt  }
0x64: {  	_ =	shalt  }
0x65: {  	_ =	shalt  }
0x66: {  	_ =	shalt  }
0x67: {  	_ =	shalt  }
0x68: {  	_ =	shalt  }
0x69: {  	_ =	shalt  }
0x6a: {  	_ =	shalt  }
0x6b: {  	_ =	shalt  }
0x6c: {  	_ =	shalt  }
0x6d: {  	_ =	shalt  }
0x6e: {  	_ =	shalt  }
0x6f: {  	_ =	shalt  }
0x70: {  	_ =	shalt  }
0x71: {  	_ =	shalt  }
0x72: {  	_ =	shalt  }
0x73: {  	_ =	shalt  }
0x74: {  	_ =	shalt  }
0x75: {  	_ =	shalt  }
0x76: {  	_ =	shalt  }
0x77: {  	_ =	shalt  }
0x78: {  	_ =	shalt  }
0x79: {  	_ =	shalt  }
0x7a: {  	_ =	shalt  }
0x7b: {  	_ =	shalt  }
0x7c: {  	_ =	shalt  }
0x7d: {  	_ =	shalt  }
0x7e: {  	_ =	shalt  }
0x7f: {  	_ =	shalt  }
0x80: {  	_ =	shalt  }
0x81: {  	_ =	shalt  }
0x82: {  	_ =	shalt  }
0x83: {  	_ =	shalt  }
0x84: {  	_ =	shalt  }
0x85: {  	_ =	shalt  }
0x86: {  	_ =	shalt  }
0x87: {  	_ =	shalt  }
.Lfunc_end0:
.L_simem_size_0:
called_computation_lowered:
.L_overlay_start_0:
0x88: {  	s2 =	sld [smem:$0x3FD9]  }
0x89: {  	s3 =	sld [smem:$0x3FFE];
	_ =	sdelay $0x1  }
0x8a: {  	s1 =	srdreg.scid  }
0x8b: {  	s0 =	sand.u32 $0x1, s1  }
0x8c: {  	s17 =	sshll.u32 s0, $0xA;
	s2 =	sadd.s32 s3, s2  }
0x8d: {  	s2 =	sadd.s32 s2, s17  }
0x8e: {  	[smem:$0x3FC4] =	sst s2  }
0x8f: {  	_ = 	snop  }
0x90: {  	s2 =	sld [smem:$0x3FC9];
	(tm) =	ssettm $0x1  }
0x91: {  	s18 =	sld [smem:$0x3FFB];
	_ =	sdelay $0x3  }
0x92: {  	_ =	strace s18  }
0x93: {  	s3 =	sld [smem:$0x3FFC];
	_ =	sdelay $0x3  }
0x94: {  	_ =	strace s3  }
0x95: {  	s3 =	sld [smem:$0x3FFD];
	_ =	sdelay $0x3  }
0x96: {  	_ =	strace s3  }
0x97: {  	_ =	strace $0x8FFFFFFF  }
0x98: {  	s19 =	sld [smem:$0x3FDB];
	_ =	sdelay $0x1  }
0x99: {  	s4 =	simm.s32 $_scs_section_size  }
0x9a: {  	s5 =	simm.s32 $_size__tile_overlayer_lowered;
	s6 =	simm.s32 $_tile_overlayer_lowered  }
0x9b: {  	s22 =	simm.s32 $0x1BFF;
	s21 =	sshll.u32 s6, $0x1;
	s3 =	sadd.s32 s4, s19  }
0x9c: {  	s7 =	simm.s32 $0x0;
	s20 =	sshll.u32 s5, $0x1;
	s5 =	sadd.s32 s21, s3  }
0x9d: {  	[timem:s7], [sflag:s22] =	dma.local [hbm:s5], s20  }
0x9e: {  	_ =	swait.ge [sflag:s22], s20  }
0x9f: {  	s4 =	ssub.s32 $0x0, s20;
	[sflag:s22] =	ssyncset.done $0x0  }
0xa0: {  	[sflag:s22] =	ssyncadd.s32 s4;
	_ =	sdelay $0x1  }
0xa1: {  	s23 =	simm.s32 $0x1B8B  }
0xa2: {  	_ =	swait.ge [sflag:s23], $0x1  }
0xa3: {  	[sflag:s23] =	ssyncset.done $0x0  }
0xa4: {  	s25 =	simm.s32 $0x1B8E;
	s24 =	sld [smem:$0x3FFE];
	[sflag:s23] =	ssyncadd.s32 $0xFFFFFFFF  }
0xa5: {  	s26 =	simm.s32 $execute0_lowered;
	[smem:$0x3FD2] =	sst s25  }
0xa6: {  	s5 =	sshll.u32 s26, $0x1;
	_ =	strace $0x80000046;
	[dreg:$0x1] =	wrdreg $0xFFFFFFFF  }
0xa7: {  	s28 =	simm.s32 $_size_execute0_lowered;
	s3 =	sadd.s32 s3, s5;
	[dreg:$0x0] =	wrdreg $0x0  }
0xa8: {  	s5 =	sshll.u32 s28, $0x1;
	[dreg:$0x2] =	wrdreg s3  }
0xa9: {  	[dreg:$0x3] =	wrdreg s5  }
0xaa: {  	[dreg:$0x4] =	wrdreg $0xC0  }
0xab: {  	_ =	task [dreg:s7], $0x5FFFF  }
0xac: {  	[dreg:$0x1] =	wrdreg $0xFFFFFFFF  }
0xad: {  	[dreg:$0x0] =	wrdreg $0x60  }
0xae: {  	[dreg:$0x2] =	wrdreg s2  }
0xaf: {  	[dreg:$0x3] =	wrdreg s24  }
0xb0: {  	[dreg:$0x4] =	wrdreg $0x9  }
0xb1: {  	_ =	task.clear_ibuf [dreg:s7], $0x5FFFF;
	_ =	strace $0x90000046  }
0xb2: {  	s29 =	simm.s32 $0x9;
	_ =	strace $0x80000048  }
0xb3: {  	_ =	swait.ge [sflag:s29], $0x1  }
0xb4: {  	[sflag:s29] =	ssyncadd.s32 $0xFFFFFFFF  }
0xb5: {  	_ =	strace $0x90000048  }
0xb6: {  	_ =	sfence  }
0xb7: {  	s30 =	sld [smem:$0x0];
	_ =	sdelay $0x2  }
0xb8: {  	s31 =	sshll.u32 s1, $0xD;
	s1 =	sshrl.u32 s1, $0x2  }
0xb9: {  	s3 =	sand.u32 $0x4000, s31;
	s1 =	sadd.s32 s1, s30  }
0xba: {  	s0 =	sor.u32 s3, s0;
	s1 =	sshll.u32 s1, $0x11  }
0xbb: {  	s0 =	sor.u32 s1, s0  }
0xbc: {  	s0 =	sadd.s32 $0x8F2B, s0  }
0xbd: {  	[sflag:s0] =	ssyncadd.remote.s32 $0x1  }
0xbe: {  	_ =	sfence.sel $0xFFFF  }
0xbf: {  	[dreg:$0x0] =	wrdreg $0xFFFFFFFF;
	(pc) =	sbr.abs _section_cstart, $3  }
0xc0: {  	[dreg:$0x1] =	wrdreg $0xFFFFFFFF  }
0xc1: {  	_ =	task.clear_ibuf [dreg:s7], $0x2FFFF;
	_ =	strace $0x9FFFFFFF  }
0xc2: {  	(tm) =	ssettm $0x7FFFFFFF  }
0xc3: {  	_ =	shalt  }
tec
execute0_lowered:
.L_overlay_start_1:
0x0: {  	(tag) =	ssettag $0x1  }
0x1: {  	s0 =	rddreg [dreg:$0x0]  }
0x2: {  	s1 =	rddreg [dreg:$0x1];
	s3 =	srdreg.scid;
	s2 =	simm.s32 $0x0  }
0x3: {  	s5 =	stileid.u32;
	s16 =	simm.s32 $0x1;
	s4 =	sand.u32 $0x1, s3  }
0x4: {  	[smem:$0x7FF] =	sst s2;
	s26 =	sshll.u32 s5, $0xA;
	s28 =	sshll.u32 s4, $0x9  }
0x5: {  	s3 =	sadd.s32 $0x800, s1;
	s4 =	ssub.s32 $0x2, s4;
	s5 =	sor.u32 s28, s26  }
0x6: {  	s29 =	sshrl.u32 s4, $0x1;
	s6 =	sshll.u32 s5, $0x4;
	s5 =	sshrl.u32 s5, $0x3  }
0x7: {  	_ =	strace $0x80000047;
	s4 =	ssub.s32 s4, s29;
	s0 =	sadd.s32 s0, s5  }
0x8: {  	s1 =	sadd.s32 s6, s1;
	s31 =	smax.u32 s4, $0x1;
	[dreg:$0xc] =	wrdreg s0  }
0x9: {  	s4 =	simm.s32 $0x200;
	s30 =	sadd.s32 $0xF42C00, s1;
	[dreg:$0xe] =	wrdreg s31  }
0xa: {  	s5 =	simm.s32 $0x0;
	s1 =	simm.s32 $0x2;
	[dreg:$0xd] =	wrdreg s30  }
.LBB2_1:
0xb: {  	[dreg:$0xf] =	wrdreg s5  }
0xc: {  	s0 =	rddreg [dreg:$0xc]  }
0xd: {  	[tilespmem:s2], [sflag:$0x2] =	stream.linear.gather [hbm4b:s0+s2], $0x200, $0x38;
	[tilespmem:$0x10200] =	vst v63  }
0xe: {  	_ =	swait.ge [sflag:s1], $0x200  }
0xf: {  	[sflag:s1] =	ssyncset.done $0x0  }
0x10: {  	[sflag:s1] =	ssyncadd.s32 $0xFFFFFE00  }
0x11: {  	v0 =	vld [tilespmem:$0x0];
	_ =	sdelay $0x4  }
0x12: {  	v0 =	vshll.u32 v0, $0x4  }
0x13: {  	(v2sf) =	vpush v0, $0x0;
	_ =	sdelay $0x1  }
0x14: {  	(v2sf) =	vpush v0, $0x1;
	_ =	sdelay $0x1  }
0x15: {  	(v2sf) =	vpush v0, $0x2;
	_ =	sdelay $0x2  }
0x16: {  	(v2sf) =	vpush v0, $0x3;
	_ =	sdelay $0x7  }
0x17: {  	s6 =	spop (v2sf);
	(v2sf) =	vpush v0, $0x4;
	_ =	sdelay $0x1  }
0x18: {  	s7 =	spop (v2sf);
	(v2sf) =	vpush v0, $0x5;
	_ =	sdelay $0x1  }
0x19: {  	s9 =	spop (v2sf);
	(v2sf) =	vpush v0, $0x6;
	_ =	sdelay $0x2  }
0x1a: {  	s11 =	spop (v2sf);
	(v2sf) =	vpush v0, $0x7;
	_ =	sdelay $0x4  }
0x1b: {  	s0 =	sand.u32 $0x1FFFFFF0, s6  }
0x1c: {  	s0 =	sadd.s32 s3, s0  }
0x1d: {  	v1 =	vld [tilespmem:$0x10];
	[tilespmem:s4], [sflag:$0x1] =	stream.linear.gather [hbm4b:s0+s2], $0x80, $0x38  }
0x1e: {  	s13 =	spop (v2sf);
	(v2sf) =	vpush v0, $0x8  }
0x1f: {  	s0 =	sand.u32 $0x1FFFFFF0, s7  }
0x20: {  	s8 =	simm.s32 $0x280;
	s0 =	sadd.s32 s3, s0;
	s15 =	spop (v2sf);
	(v2sf) =	vpush v0, $0x9  }
0x21: {  	[tilespmem:s8], [sflag:$0x1] =	stream.linear.gather [hbm4b:s0+s2], $0x80, $0x38;
	[tilespmem:$0x10200] =	vst v63  }
0x22: {  	s0 =	sand.u32 $0x1FFFFFF0, s9;
	s18 =	spop (v2sf);
	(v2sf) =	vpush v0, $0xA  }
0x23: {  	s10 =	simm.s32 $0x300;
	s0 =	sadd.s32 s3, s0  }
0x24: {  	[tilespmem:s10], [sflag:$0x1] =	stream.linear.gather [hbm4b:s0+s2], $0x80, $0x38;
	[tilespmem:$0x10200] =	vst v63  }
0x25: {  	s20 =	spop (v2sf);
	(v2sf) =	vpush v0, $0xB  }
0x26: {  	s0 =	sand.u32 $0x1FFFFFF0, s11  }
0x27: {  	s12 =	simm.s32 $0x380;
	s0 =	sadd.s32 s3, s0  }
0x28: {  	[tilespmem:s12], [sflag:$0x1] =	stream.linear.gather [hbm4b:s0+s2], $0x80, $0x38;
	[tilespmem:$0x10200] =	vst v63  }
0x29: {  	s0 =	sand.u32 $0x1FFFFFF0, s13  }
0x2a: {  	s14 =	simm.s32 $0x400;
	s0 =	sadd.s32 s3, s0  }
0x2b: {  	[tilespmem:s14], [sflag:$0x1] =	stream.linear.gather [hbm4b:s0+s2], $0x80, $0x38;
	[tilespmem:$0x10200] =	vst v63  }
0x2c: {  	s0 =	sand.u32 $0x1FFFFFF0, s15  }
0x2d: {  	s17 =	simm.s32 $0x480;
	s0 =	sadd.s32 s3, s0;
	s22 =	spop (v2sf);
	(v2sf) =	vpush v0, $0xC  }
0x2e: {  	[tilespmem:s17], [sflag:$0x1] =	stream.linear.gather [hbm4b:s0+s2], $0x80, $0x38;
	[tilespmem:$0x10200] =	vst v63  }
0x2f: {  	s24 =	spop (v2sf);
	(v2sf) =	vpush v0, $0xD  }
0x30: {  	s0 =	sand.u32 $0x1FFFFFF0, s18  }
0x31: {  	s19 =	simm.s32 $0x500;
	s0 =	sadd.s32 s3, s0;
	s26 =	spop (v2sf);
	(v2sf) =	vpush v0, $0xE  }
0x32: {  	[tilespmem:s19], [sflag:$0x1] =	stream.linear.gather [hbm4b:s0+s2], $0x80, $0x38;
	[tilespmem:$0x10200] =	vst v63  }
0x33: {  	s0 =	sand.u32 $0x1FFFFFF0, s20  }
0x34: {  	s21 =	simm.s32 $0x580;
	s0 =	sadd.s32 s3, s0;
	s29 =	spop (v2sf);
	(v2sf) =	vpush v0, $0xF  }
0x35: {  	[tilespmem:s21], [sflag:$0x1] =	stream.linear.gather [hbm4b:s0+s2], $0x80, $0x38;
	[tilespmem:$0x10200] =	vst v63  }
0x36: {  	s0 =	sand.u32 $0x1FFFFFF0, s22  }
0x37: {  	s23 =	simm.s32 $0x600;
	s0 =	sadd.s32 s3, s0  }
0x38: {  	[tilespmem:s23], [sflag:$0x1] =	stream.linear.gather [hbm4b:s0+s2], $0x80, $0x38;
	[tilespmem:$0x10200] =	vst v63  }
0x39: {  	s0 =	sand.u32 $0x1FFFFFF0, s24  }
0x3a: {  	s25 =	simm.s32 $0x680;
	s0 =	sadd.s32 s3, s0  }
0x3b: {  	v60 =	vshll.u32 v1, $0x4;
	[tilespmem:s25], [sflag:$0x1] =	stream.linear.gather [hbm4b:s0+s2], $0x80, $0x38;
	[tilespmem:$0x10200] =	vst v63  }
0x3c: {  	s1 =	spop (v2sf);
	(v2sf) =	vpush v60, $0x0  }
0x3d: {  	s0 =	sand.u32 $0x1FFFFFF0, s26  }
0x3e: {  	s28 =	simm.s32 $0x700;
	s0 =	sadd.s32 s3, s0;
	s5 =	spop (v2sf);
	(v2sf) =	vpush v60, $0x1  }
0x3f: {  	[tilespmem:s28], [sflag:$0x1] =	stream.linear.gather [hbm4b:s0+s2], $0x80, $0x38;
	[tilespmem:$0x10200] =	vst v63  }
0x40: {  	s0 =	sand.u32 $0x1FFFFFF0, s29;
	s7 =	spop (v2sf);
	(v2sf) =	vpush v60, $0x2  }
0x41: {  	s31 =	simm.s32 $0x780;
	s0 =	sadd.s32 s3, s0  }
0x42: {  	[tilespmem:s31], [sflag:$0x1] =	stream.linear.gather [hbm4b:s0+s2], $0x80, $0x38;
	[tilespmem:$0x10200] =	vst v63  }
0x43: {  	s9 =	spop (v2sf);
	(v2sf) =	vpush v60, $0x3  }
0x44: {  	s0 =	sand.u32 $0x1FFFFFF0, s1  }
0x45: {  	s4 =	simm.s32 $0x800;
	s0 =	sadd.s32 s3, s0  }
0x46: {  	[tilespmem:s4], [sflag:$0x1] =	stream.linear.gather [hbm4b:s0+s2], $0x80, $0x38;
	[tilespmem:$0x10200] =	vst v63  }
0x47: {  	s0 =	sand.u32 $0x1FFFFFF0, s5  }
0x48: {  	s6 =	simm.s32 $0x880;
	s0 =	sadd.s32 s3, s0  }
0x49: {  	[tilespmem:s6], [sflag:$0x1] =	stream.linear.gather [hbm4b:s0+s2], $0x80, $0x38;
	[tilespmem:$0x10200] =	vst v63  }
0x4a: {  	s0 =	sand.u32 $0x1FFFFFF0, s7  }
0x4b: {  	s8 =	simm.s32 $0x900;
	s0 =	sadd.s32 s3, s0;
	s11 =	spop (v2sf);
	(v2sf) =	vpush v60, $0x4  }
0x4c: {  	[tilespmem:s8], [sflag:$0x1] =	stream.linear.gather [hbm4b:s0+s2], $0x80, $0x38;
	[tilespmem:$0x10200] =	vst v63  }
0x4d: {  	s13 =	spop (v2sf);
	(v2sf) =	vpush v60, $0x5  }
0x4e: {  	s0 =	sand.u32 $0x1FFFFFF0, s9  }
0x4f: {  	s10 =	simm.s32 $0x980;
	s0 =	sadd.s32 s3, s0;
	s15 =	spop (v2sf);
	(v2sf) =	vpush v60, $0x6  }
0x50: {  	[tilespmem:s10], [sflag:$0x1] =	stream.linear.gather [hbm4b:s0+s2], $0x80, $0x38;
	[tilespmem:$0x10200] =	vst v63  }
0x51: {  	s0 =	sand.u32 $0x1FFFFFF0, s11  }
0x52: {  	s12 =	simm.s32 $0xA00;
	s0 =	sadd.s32 s3, s0;
	s18 =	spop (v2sf);
	(v2sf) =	vpush v60, $0x7  }
0x53: {  	[tilespmem:s12], [sflag:$0x1] =	stream.linear.gather [hbm4b:s0+s2], $0x80, $0x38;
	[tilespmem:$0x10200] =	vst v63  }
0x54: {  	s0 =	sand.u32 $0x1FFFFFF0, s13  }
0x55: {  	s14 =	simm.s32 $0xA80;
	s0 =	sadd.s32 s3, s0  }
0x56: {  	[tilespmem:s14], [sflag:$0x1] =	stream.linear.gather [hbm4b:s0+s2], $0x80, $0x38;
	[tilespmem:$0x10200] =	vst v63  }
0x57: {  	s0 =	sand.u32 $0x1FFFFFF0, s15  }
0x58: {  	s17 =	simm.s32 $0xB00;
	s0 =	sadd.s32 s3, s0  }
0x59: {  	[tilespmem:s17], [sflag:$0x1] =	stream.linear.gather [hbm4b:s0+s2], $0x80, $0x38;
	[tilespmem:$0x10200] =	vst v63  }
0x5a: {  	s20 =	spop (v2sf);
	(v2sf) =	vpush v60, $0x8  }
0x5b: {  	s0 =	sand.u32 $0x1FFFFFF0, s18  }
0x5c: {  	s19 =	simm.s32 $0xB80;
	s0 =	sadd.s32 s3, s0;
	s22 =	spop (v2sf);
	(v2sf) =	vpush v60, $0x9  }
0x5d: {  	[tilespmem:s19], [sflag:$0x1] =	stream.linear.gather [hbm4b:s0+s2], $0x80, $0x38;
	[tilespmem:$0x10200] =	vst v63  }
0x5e: {  	s0 =	sand.u32 $0x1FFFFFF0, s20;
	s24 =	spop (v2sf);
	(v2sf) =	vpush v60, $0xA  }
0x5f: {  	s21 =	simm.s32 $0xC00;
	s0 =	sadd.s32 s3, s0  }
0x60: {  	[tilespmem:s21], [sflag:$0x1] =	stream.linear.gather [hbm4b:s0+s2], $0x80, $0x38;
	[tilespmem:$0x10200] =	vst v63  }
0x61: {  	s26 =	spop (v2sf);
	(v2sf) =	vpush v60, $0xB  }
0x62: {  	s0 =	sand.u32 $0x1FFFFFF0, s22  }
0x63: {  	s23 =	simm.s32 $0xC80;
	s0 =	sadd.s32 s3, s0  }
0x64: {  	[tilespmem:s23], [sflag:$0x1] =	stream.linear.gather [hbm4b:s0+s2], $0x80, $0x38;
	[tilespmem:$0x10200] =	vst v63  }
0x65: {  	s0 =	sand.u32 $0x1FFFFFF0, s24  }
0x66: {  	s25 =	simm.s32 $0xD00;
	s0 =	sadd.s32 s3, s0  }
0x67: {  	[tilespmem:s25], [sflag:$0x1] =	stream.linear.gather [hbm4b:s0+s2], $0x80, $0x38;
	[tilespmem:$0x10200] =	vst v63  }
0x68: {  	s0 =	sand.u32 $0x1FFFFFF0, s26  }
0x69: {  	s28 =	simm.s32 $0xD80;
	s0 =	sadd.s32 s3, s0;
	s29 =	spop (v2sf);
	(v2sf) =	vpush v60, $0xC  }
0x6a: {  	[tilespmem:s28], [sflag:$0x1] =	stream.linear.gather [hbm4b:s0+s2], $0x80, $0x38;
	[tilespmem:$0x10200] =	vst v63  }
0x6b: {  	s1 =	spop (v2sf);
	(v2sf) =	vpush v60, $0xD  }
0x6c: {  	s0 =	sand.u32 $0x1FFFFFF0, s29  }
0x6d: {  	s31 =	simm.s32 $0xE00;
	s0 =	sadd.s32 s3, s0;
	s5 =	spop (v2sf)  }
0x6e: {  	(v2sf) =	vpush v60, $0xE;
	[tilespmem:s31], [sflag:$0x1] =	stream.linear.gather [hbm4b:s0+s2], $0x80, $0x38;
	[tilespmem:$0x10200] =	vst v63  }
0x6f: {  	s0 =	sand.u32 $0x1FFFFFF0, s1  }
0x70: {  	s4 =	simm.s32 $0xE80;
	s7 =	spop (v2sf);
	s0 =	sadd.s32 s3, s0  }
0x71: {  	(v2sf) =	vpush v60, $0xF;
	[tilespmem:s4], [sflag:$0x1] =	stream.linear.gather [hbm4b:s0+s2], $0x80, $0x38;
	[tilespmem:$0x10200] =	vst v63  }
0x72: {  	s0 =	sand.u32 $0x1FFFFFF0, s5  }
0x73: {  	s6 =	simm.s32 $0xF00;
	s0 =	sadd.s32 s3, s0  }
0x74: {  	[tilespmem:s6], [sflag:$0x1] =	stream.linear.gather [hbm4b:s0+s2], $0x80, $0x38;
	[tilespmem:$0x10200] =	vst v63  }
0x75: {  	s0 =	sand.u32 $0x1FFFFFF0, s7  }
0x76: {  	s8 =	simm.s32 $0xF80;
	s0 =	sadd.s32 s3, s0  }
0x77: {  	[tilespmem:s8], [sflag:$0x1] =	stream.linear.gather [hbm4b:s0+s2], $0x80, $0x38;
	[tilespmem:$0x10200] =	vst v63  }
0x78: {  	s9 =	spop (v2sf)  }
0x79: {  	s0 =	sand.u32 $0x1FFFFFF0, s9  }
0x7a: {  	s10 =	simm.s32 $0x1000;
	s11 =	spop (v2sf);
	s0 =	sadd.s32 s3, s0  }
0x7b: {  	[tilespmem:s10], [sflag:$0x1] =	stream.linear.gather [hbm4b:s0+s2], $0x80, $0x38;
	[tilespmem:$0x10200] =	vst v63  }
0x7c: {  	s0 =	sand.u32 $0x1FFFFFF0, s11  }
0x7d: {  	s12 =	simm.s32 $0x1080;
	s13 =	spop (v2sf);
	s0 =	sadd.s32 s3, s0  }
0x7e: {  	[tilespmem:s12], [sflag:$0x1] =	stream.linear.gather [hbm4b:s0+s2], $0x80, $0x38;
	[tilespmem:$0x10200] =	vst v63  }
0x7f: {  	s0 =	sand.u32 $0x1FFFFFF0, s13  }
0x80: {  	s14 =	simm.s32 $0x1100;
	s15 =	spop (v2sf);
	s0 =	sadd.s32 s3, s0  }
0x81: {  	[tilespmem:s14], [sflag:$0x1] =	stream.linear.gather [hbm4b:s0+s2], $0x80, $0x38;
	[tilespmem:$0x10200] =	vst v63  }
0x82: {  	s0 =	sand.u32 $0x1FFFFFF0, s15  }
0x83: {  	s30 =	simm.s32 $0x30;
	s17 =	simm.s32 $0x1180;
	s0 =	sadd.s32 s3, s0  }
0x84: {  	[tilespmem:s17], [sflag:$0x1] =	stream.linear.gather [hbm4b:s0+s2], $0x80, $0x38;
	[tilespmem:$0x10200] =	vst v63  }
0x85: {  	v61 =	vld [tilespmem:s30+$0xFFFFFFF0];
	_ =	sdelay $0x4  }
0x86: {  	v0 =	vshll.u32 v61, $0x4  }
0x87: {  	(v2sf) =	vpush v0, $0x0;
	_ =	sdelay $0x1  }
0x88: {  	(v2sf) =	vpush v0, $0x1;
	_ =	sdelay $0x1  }
0x89: {  	(v2sf) =	vpush v0, $0x2;
	_ =	sdelay $0x2  }
0x8a: {  	(v2sf) =	vpush v0, $0x3;
	_ =	sdelay $0x7  }
0x8b: {  	s18 =	spop (v2sf);
	(v2sf) =	vpush v0, $0x4;
	_ =	sdelay $0x1  }
0x8c: {  	s20 =	spop (v2sf);
	(v2sf) =	vpush v0, $0x5;
	_ =	sdelay $0x1  }
0x8d: {  	s22 =	spop (v2sf);
	(v2sf) =	vpush v0, $0x6;
	_ =	sdelay $0x2  }
0x8e: {  	s24 =	spop (v2sf);
	(v2sf) =	vpush v0, $0x7;
	_ =	sdelay $0x4  }
0x8f: {  	s0 =	sand.u32 $0x1FFFFFF0, s18  }
0x90: {  	s19 =	simm.s32 $0x1200;
	s0 =	sadd.s32 s3, s0  }
0x91: {  	v62 =	vld [tilespmem:s30+$0x0];
	[tilespmem:s19], [sflag:$0x1] =	stream.linear.gather [hbm4b:s0+s2], $0x80, $0x38  }
0x92: {  	s26 =	spop (v2sf);
	(v2sf) =	vpush v0, $0x8  }
0x93: {  	s0 =	sand.u32 $0x1FFFFFF0, s20  }
0x94: {  	s21 =	simm.s32 $0x1280;
	s0 =	sadd.s32 s3, s0;
	s29 =	spop (v2sf);
	(v2sf) =	vpush v0, $0x9  }
0x95: {  	[tilespmem:s21], [sflag:$0x1] =	stream.linear.gather [hbm4b:s0+s2], $0x80, $0x38;
	[tilespmem:$0x10200] =	vst v63  }
0x96: {  	s0 =	sand.u32 $0x1FFFFFF0, s22;
	s1 =	spop (v2sf);
	(v2sf) =	vpush v0, $0xA  }
0x97: {  	s23 =	simm.s32 $0x1300;
	s0 =	sadd.s32 s3, s0  }
0x98: {  	[tilespmem:s23], [sflag:$0x1] =	stream.linear.gather [hbm4b:s0+s2], $0x80, $0x38;
	[tilespmem:$0x10200] =	vst v63  }
0x99: {  	s5 =	spop (v2sf);
	(v2sf) =	vpush v0, $0xB  }
0x9a: {  	s0 =	sand.u32 $0x1FFFFFF0, s24  }
0x9b: {  	s25 =	simm.s32 $0x1380;
	s0 =	sadd.s32 s3, s0  }
0x9c: {  	[tilespmem:s25], [sflag:$0x1] =	stream.linear.gather [hbm4b:s0+s2], $0x80, $0x38;
	[tilespmem:$0x10200] =	vst v63  }
0x9d: {  	s0 =	sand.u32 $0x1FFFFFF0, s26  }
0x9e: {  	s28 =	simm.s32 $0x1400;
	s0 =	sadd.s32 s3, s0  }
0x9f: {  	[tilespmem:s28], [sflag:$0x1] =	stream.linear.gather [hbm4b:s0+s2], $0x80, $0x38;
	[tilespmem:$0x10200] =	vst v63  }
0xa0: {  	s0 =	sand.u32 $0x1FFFFFF0, s29  }
0xa1: {  	s31 =	simm.s32 $0x1480;
	s0 =	sadd.s32 s3, s0;
	s7 =	spop (v2sf);
	(v2sf) =	vpush v0, $0xC  }
0xa2: {  	[tilespmem:s31], [sflag:$0x1] =	stream.linear.gather [hbm4b:s0+s2], $0x80, $0x38;
	[tilespmem:$0x10200] =	vst v63  }
0xa3: {  	s9 =	spop (v2sf);
	(v2sf) =	vpush v0, $0xD  }
0xa4: {  	s0 =	sand.u32 $0x1FFFFFF0, s1  }
0xa5: {  	s4 =	simm.s32 $0x1500;
	s0 =	sadd.s32 s3, s0;
	s11 =	spop (v2sf);
	(v2sf) =	vpush v0, $0xE  }
0xa6: {  	[tilespmem:s4], [sflag:$0x1] =	stream.linear.gather [hbm4b:s0+s2], $0x80, $0x38;
	[tilespmem:$0x10200] =	vst v63  }
0xa7: {  	s0 =	sand.u32 $0x1FFFFFF0, s5  }
0xa8: {  	s6 =	simm.s32 $0x1580;
	s0 =	sadd.s32 s3, s0;
	s13 =	spop (v2sf);
	(v2sf) =	vpush v0, $0xF  }
0xa9: {  	[tilespmem:s6], [sflag:$0x1] =	stream.linear.gather [hbm4b:s0+s2], $0x80, $0x38;
	[tilespmem:$0x10200] =	vst v63  }
0xaa: {  	s0 =	sand.u32 $0x1FFFFFF0, s7  }
0xab: {  	s8 =	simm.s32 $0x1600;
	s0 =	sadd.s32 s3, s0  }
0xac: {  	[tilespmem:s8], [sflag:$0x1] =	stream.linear.gather [hbm4b:s0+s2], $0x80, $0x38;
	[tilespmem:$0x10200] =	vst v63  }
0xad: {  	s0 =	sand.u32 $0x1FFFFFF0, s9  }
0xae: {  	s10 =	simm.s32 $0x1680;
	s0 =	sadd.s32 s3, s0  }
0xaf: {  	v63 =	vshll.u32 v62, $0x4;
	[tilespmem:s10], [sflag:$0x1] =	stream.linear.gather [hbm4b:s0+s2], $0x80, $0x38;
	[tilespmem:$0x10200] =	vst v63  }
0xb0: {  	s15 =	spop (v2sf);
	(v2sf) =	vpush v63, $0x0  }
0xb1: {  	s0 =	sand.u32 $0x1FFFFFF0, s11  }
0xb2: {  	s12 =	simm.s32 $0x1700;
	s0 =	sadd.s32 s3, s0;
	s18 =	spop (v2sf);
	(v2sf) =	vpush v63, $0x1  }
0xb3: {  	[tilespmem:s12], [sflag:$0x1] =	stream.linear.gather [hbm4b:s0+s2], $0x80, $0x38;
	[tilespmem:$0x10200] =	vst v63  }
0xb4: {  	s0 =	sand.u32 $0x1FFFFFF0, s13;
	s20 =	spop (v2sf);
	(v2sf) =	vpush v63, $0x2  }
0xb5: {  	s14 =	simm.s32 $0x1780;
	s0 =	sadd.s32 s3, s0  }
0xb6: {  	[tilespmem:s14], [sflag:$0x1] =	stream.linear.gather [hbm4b:s0+s2], $0x80, $0x38;
	[tilespmem:$0x10200] =	vst v63  }
0xb7: {  	s22 =	spop (v2sf);
	(v2sf) =	vpush v63, $0x3  }
0xb8: {  	s0 =	sand.u32 $0x1FFFFFF0, s15  }
0xb9: {  	s17 =	simm.s32 $0x1800;
	s0 =	sadd.s32 s3, s0  }
0xba: {  	[tilespmem:s17], [sflag:$0x1] =	stream.linear.gather [hbm4b:s0+s2], $0x80, $0x38;
	[tilespmem:$0x10200] =	vst v63  }
0xbb: {  	s0 =	sand.u32 $0x1FFFFFF0, s18  }
0xbc: {  	s19 =	simm.s32 $0x1880;
	s0 =	sadd.s32 s3, s0  }
0xbd: {  	[tilespmem:s19], [sflag:$0x1] =	stream.linear.gather [hbm4b:s0+s2], $0x80, $0x38;
	[tilespmem:$0x10200] =	vst v63  }
0xbe: {  	s0 =	sand.u32 $0x1FFFFFF0, s20  }
0xbf: {  	s21 =	simm.s32 $0x1900;
	s0 =	sadd.s32 s3, s0;
	s24 =	spop (v2sf);
	(v2sf) =	vpush v63, $0x4  }
0xc0: {  	[tilespmem:s21], [sflag:$0x1] =	stream.linear.gather [hbm4b:s0+s2], $0x80, $0x38;
	[tilespmem:$0x10200] =	vst v63  }
0xc1: {  	s26 =	spop (v2sf);
	(v2sf) =	vpush v63, $0x5  }
0xc2: {  	s0 =	sand.u32 $0x1FFFFFF0, s22  }
0xc3: {  	s23 =	simm.s32 $0x1980;
	s0 =	sadd.s32 s3, s0;
	s29 =	spop (v2sf);
	(v2sf) =	vpush v63, $0x6  }
0xc4: {  	[tilespmem:s23], [sflag:$0x1] =	stream.linear.gather [hbm4b:s0+s2], $0x80, $0x38;
	[tilespmem:$0x10200] =	vst v63  }
0xc5: {  	s0 =	sand.u32 $0x1FFFFFF0, s24  }
0xc6: {  	s25 =	simm.s32 $0x1A00;
	s0 =	sadd.s32 s3, s0;
	s1 =	spop (v2sf);
	(v2sf) =	vpush v63, $0x7  }
0xc7: {  	[tilespmem:s25], [sflag:$0x1] =	stream.linear.gather [hbm4b:s0+s2], $0x80, $0x38;
	[tilespmem:$0x10200] =	vst v63  }
0xc8: {  	s0 =	sand.u32 $0x1FFFFFF0, s26  }
0xc9: {  	s28 =	simm.s32 $0x1A80;
	s0 =	sadd.s32 s3, s0  }
0xca: {  	[tilespmem:s28], [sflag:$0x1] =	stream.linear.gather [hbm4b:s0+s2], $0x80, $0x38;
	[tilespmem:$0x10200] =	vst v63  }
0xcb: {  	s0 =	sand.u32 $0x1FFFFFF0, s29  }
0xcc: {  	s31 =	simm.s32 $0x1B00;
	s0 =	sadd.s32 s3, s0  }
0xcd: {  	[tilespmem:s31], [sflag:$0x1] =	stream.linear.gather [hbm4b:s0+s2], $0x80, $0x38;
	[tilespmem:$0x10200] =	vst v63  }
0xce: {  	s5 =	spop (v2sf);
	(v2sf) =	vpush v63, $0x8  }
0xcf: {  	s0 =	sand.u32 $0x1FFFFFF0, s1  }
0xd0: {  	s4 =	simm.s32 $0x1B80;
	s0 =	sadd.s32 s3, s0;
	s7 =	spop (v2sf);
	(v2sf) =	vpush v63, $0x9  }
0xd1: {  	[tilespmem:s4], [sflag:$0x1] =	stream.linear.gather [hbm4b:s0+s2], $0x80, $0x38;
	[tilespmem:$0x10200] =	vst v63  }
0xd2: {  	s0 =	sand.u32 $0x1FFFFFF0, s5;
	s9 =	spop (v2sf);
	(v2sf) =	vpush v63, $0xA  }
0xd3: {  	s6 =	simm.s32 $0x1C00;
	s0 =	sadd.s32 s3, s0  }
0xd4: {  	[tilespmem:s6], [sflag:$0x1] =	stream.linear.gather [hbm4b:s0+s2], $0x80, $0x38;
	[tilespmem:$0x10200] =	vst v63  }
0xd5: {  	s11 =	spop (v2sf);
	(v2sf) =	vpush v63, $0xB  }
0xd6: {  	s0 =	sand.u32 $0x1FFFFFF0, s7  }
0xd7: {  	s8 =	simm.s32 $0x1C80;
	s0 =	sadd.s32 s3, s0  }
0xd8: {  	[tilespmem:s8], [sflag:$0x1] =	stream.linear.gather [hbm4b:s0+s2], $0x80, $0x38;
	[tilespmem:$0x10200] =	vst v63  }
0xd9: {  	s0 =	sand.u32 $0x1FFFFFF0, s9  }
0xda: {  	s10 =	simm.s32 $0x1D00;
	s0 =	sadd.s32 s3, s0  }
0xdb: {  	[tilespmem:s10], [sflag:$0x1] =	stream.linear.gather [hbm4b:s0+s2], $0x80, $0x38;
	[tilespmem:$0x10200] =	vst v63  }
0xdc: {  	s0 =	sand.u32 $0x1FFFFFF0, s11  }
0xdd: {  	s12 =	simm.s32 $0x1D80;
	s0 =	sadd.s32 s3, s0;
	s13 =	spop (v2sf);
	(v2sf) =	vpush v63, $0xC  }
0xde: {  	[tilespmem:s12], [sflag:$0x1] =	stream.linear.gather [hbm4b:s0+s2], $0x80, $0x38;
	[tilespmem:$0x10200] =	vst v63  }
0xdf: {  	s15 =	spop (v2sf);
	(v2sf) =	vpush v63, $0xD  }
0xe0: {  	s0 =	sand.u32 $0x1FFFFFF0, s13  }
0xe1: {  	s14 =	simm.s32 $0x1E00;
	s0 =	sadd.s32 s3, s0;
	s18 =	spop (v2sf)  }
0xe2: {  	(v2sf) =	vpush v63, $0xE;
	[tilespmem:s14], [sflag:$0x1] =	stream.linear.gather [hbm4b:s0+s2], $0x80, $0x38;
	[tilespmem:$0x10200] =	vst v63  }
0xe3: {  	s0 =	sand.u32 $0x1FFFFFF0, s15  }
0xe4: {  	s17 =	simm.s32 $0x1E80;
	s20 =	spop (v2sf);
	s0 =	sadd.s32 s3, s0  }
0xe5: {  	(v2sf) =	vpush v63, $0xF;
	[tilespmem:s17], [sflag:$0x1] =	stream.linear.gather [hbm4b:s0+s2], $0x80, $0x38;
	[tilespmem:$0x10200] =	vst v63  }
0xe6: {  	s0 =	sand.u32 $0x1FFFFFF0, s18  }
0xe7: {  	s19 =	simm.s32 $0x1F00;
	s0 =	sadd.s32 s3, s0  }
0xe8: {  	[tilespmem:s19], [sflag:$0x1] =	stream.linear.gather [hbm4b:s0+s2], $0x80, $0x38;
	[tilespmem:$0x10200] =	vst v63  }
0xe9: {  	s0 =	sand.u32 $0x1FFFFFF0, s20  }
0xea: {  	s21 =	simm.s32 $0x1F80;
	s0 =	sadd.s32 s3, s0  }
0xeb: {  	[tilespmem:s21], [sflag:$0x1] =	stream.linear.gather [hbm4b:s0+s2], $0x80, $0x38;
	[tilespmem:$0x10200] =	vst v63  }
0xec: {  	s22 =	spop (v2sf)  }
0xed: {  	s0 =	sand.u32 $0x1FFFFFF0, s22  }
0xee: {  	s23 =	simm.s32 $0x2000;
	s24 =	spop (v2sf);
	s0 =	sadd.s32 s3, s0  }
0xef: {  	[tilespmem:s23], [sflag:$0x1] =	stream.linear.gather [hbm4b:s0+s2], $0x80, $0x38;
	[tilespmem:$0x10200] =	vst v63  }
0xf0: {  	s0 =	sand.u32 $0x1FFFFFF0, s24  }
0xf1: {  	s25 =	simm.s32 $0x2080;
	s26 =	spop (v2sf);
	s0 =	sadd.s32 s3, s0  }
0xf2: {  	[tilespmem:s25], [sflag:$0x1] =	stream.linear.gather [hbm4b:s0+s2], $0x80, $0x38;
	[tilespmem:$0x10200] =	vst v63  }
0xf3: {  	s0 =	sand.u32 $0x1FFFFFF0, s26  }
0xf4: {  	s28 =	simm.s32 $0x2100;
	s29 =	spop (v2sf);
	s0 =	sadd.s32 s3, s0  }
0xf5: {  	[tilespmem:s28], [sflag:$0x1] =	stream.linear.gather [hbm4b:s0+s2], $0x80, $0x38;
	[tilespmem:$0x10200] =	vst v63  }
0xf6: {  	s0 =	sand.u32 $0x1FFFFFF0, s29  }
0xf7: {  	s31 =	simm.s32 $0x2180;
	s0 =	sadd.s32 s3, s0  }
0xf8: {  	[tilespmem:s31], [sflag:$0x1] =	stream.linear.gather [hbm4b:s0+s2], $0x80, $0x38;
	[tilespmem:$0x10200] =	vst v63  }
0xf9: {  	_ =	swait.ge [sflag:s16], $0x80  }
0xfa: {  	[sflag:s16] =	ssyncset.done $0x0  }
0xfb: {  	[sflag:s16] =	ssyncadd.s32 $0xFFFFFF80  }
0xfc: {  	_ =	swait.ge [sflag:s16], $0x80  }
0xfd: {  	[sflag:s16] =	ssyncset.done $0x0  }
0xfe: {  	[sflag:s16] =	ssyncadd.s32 $0xFFFFFF80  }
0xff: {  	_ =	swait.ge [sflag:s16], $0x80  }
0x100: {  	[sflag:s16] =	ssyncset.done $0x0  }
0x101: {  	[sflag:s16] =	ssyncadd.s32 $0xFFFFFF80  }
0x102: {  	_ =	swait.ge [sflag:s16], $0x80  }
0x103: {  	[sflag:s16] =	ssyncset.done $0x0  }
0x104: {  	[sflag:s16] =	ssyncadd.s32 $0xFFFFFF80  }
0x105: {  	_ =	swait.ge [sflag:s16], $0x80  }
0x106: {  	[sflag:s16] =	ssyncset.done $0x0  }
0x107: {  	[sflag:s16] =	ssyncadd.s32 $0xFFFFFF80  }
0x108: {  	_ =	swait.ge [sflag:s16], $0x80  }
0x109: {  	[sflag:s16] =	ssyncset.done $0x0  }
0x10a: {  	[sflag:s16] =	ssyncadd.s32 $0xFFFFFF80  }
0x10b: {  	_ =	swait.ge [sflag:s16], $0x80  }
0x10c: {  	[sflag:s16] =	ssyncset.done $0x0  }
0x10d: {  	[sflag:s16] =	ssyncadd.s32 $0xFFFFFF80  }
0x10e: {  	_ =	swait.ge [sflag:s16], $0x80  }
0x10f: {  	[sflag:s16] =	ssyncset.done $0x0  }
0x110: {  	[sflag:s16] =	ssyncadd.s32 $0xFFFFFF80  }
0x111: {  	_ =	swait.ge [sflag:s16], $0x80  }
0x112: {  	[sflag:s16] =	ssyncset.done $0x0  }
0x113: {  	[sflag:s16] =	ssyncadd.s32 $0xFFFFFF80  }
0x114: {  	_ =	swait.ge [sflag:s16], $0x80  }
0x115: {  	[sflag:s16] =	ssyncset.done $0x0  }
0x116: {  	[sflag:s16] =	ssyncadd.s32 $0xFFFFFF80  }
0x117: {  	_ =	swait.ge [sflag:s16], $0x80  }
0x118: {  	[sflag:s16] =	ssyncset.done $0x0  }
0x119: {  	[sflag:s16] =	ssyncadd.s32 $0xFFFFFF80  }
0x11a: {  	_ =	swait.ge [sflag:s16], $0x80  }
0x11b: {  	[sflag:s16] =	ssyncset.done $0x0  }
0x11c: {  	[sflag:s16] =	ssyncadd.s32 $0xFFFFFF80  }
0x11d: {  	_ =	swait.ge [sflag:s16], $0x80  }
0x11e: {  	[sflag:s16] =	ssyncset.done $0x0  }
0x11f: {  	[sflag:s16] =	ssyncadd.s32 $0xFFFFFF80  }
0x120: {  	_ =	swait.ge [sflag:s16], $0x80  }
0x121: {  	[sflag:s16] =	ssyncset.done $0x0  }
0x122: {  	[sflag:s16] =	ssyncadd.s32 $0xFFFFFF80  }
0x123: {  	_ =	swait.ge [sflag:s16], $0x80  }
0x124: {  	s19 =	simm.s32 $0x4000;
	[sflag:s16] =	ssyncset.done $0x0  }
.LBB2_2:
0x125: {  	[sflag:s16] =	ssyncadd.s32 $0xFFFFFF80  }
0x126: {  	_ =	swait.ge [sflag:s16], $0x80  }
0x127: {  	[sflag:s16] =	ssyncset.done $0x0  }
0x128: {  	[sflag:s16] =	ssyncadd.s32 $0xFFFFFF80  }
0x129: {  	_ =	swait.ge [sflag:s16], $0x80  }
0x12a: {  	[sflag:s16] =	ssyncset.done $0x0  }
0x12b: {  	[sflag:s16] =	ssyncadd.s32 $0xFFFFFF80  }
0x12c: {  	_ =	swait.ge [sflag:s16], $0x80  }
0x12d: {  	[sflag:s16] =	ssyncset.done $0x0  }
0x12e: {  	[sflag:s16] =	ssyncadd.s32 $0xFFFFFF80  }
0x12f: {  	_ =	swait.ge [sflag:s16], $0x80  }
0x130: {  	[sflag:s16] =	ssyncset.done $0x0  }
0x131: {  	[sflag:s16] =	ssyncadd.s32 $0xFFFFFF80  }
0x132: {  	_ =	swait.ge [sflag:s16], $0x80  }
0x133: {  	[sflag:s16] =	ssyncset.done $0x0  }
0x134: {  	[sflag:s16] =	ssyncadd.s32 $0xFFFFFF80  }
0x135: {  	_ =	swait.ge [sflag:s16], $0x80  }
0x136: {  	[sflag:s16] =	ssyncset.done $0x0  }
0x137: {  	[sflag:s16] =	ssyncadd.s32 $0xFFFFFF80  }
0x138: {  	_ =	swait.ge [sflag:s16], $0x80  }
0x139: {  	[sflag:s16] =	ssyncset.done $0x0  }
0x13a: {  	[sflag:s16] =	ssyncadd.s32 $0xFFFFFF80  }
0x13b: {  	_ =	swait.ge [sflag:s16], $0x80  }
0x13c: {  	[sflag:s16] =	ssyncset.done $0x0  }
0x13d: {  	[sflag:s16] =	ssyncadd.s32 $0xFFFFFF80  }
0x13e: {  	_ =	swait.ge [sflag:s16], $0x80  }
0x13f: {  	[sflag:s16] =	ssyncset.done $0x0  }
0x140: {  	[sflag:s16] =	ssyncadd.s32 $0xFFFFFF80  }
0x141: {  	_ =	swait.ge [sflag:s16], $0x80  }
0x142: {  	[sflag:s16] =	ssyncset.done $0x0  }
0x143: {  	[sflag:s16] =	ssyncadd.s32 $0xFFFFFF80  }
0x144: {  	_ =	swait.ge [sflag:s16], $0x80  }
0x145: {  	[sflag:s16] =	ssyncset.done $0x0  }
0x146: {  	[sflag:s16] =	ssyncadd.s32 $0xFFFFFF80  }
0x147: {  	_ =	swait.ge [sflag:s16], $0x80  }
0x148: {  	[sflag:s16] =	ssyncset.done $0x0  }
0x149: {  	[sflag:s16] =	ssyncadd.s32 $0xFFFFFF80  }
0x14a: {  	_ =	swait.ge [sflag:s16], $0x80  }
0x14b: {  	[sflag:s16] =	ssyncset.done $0x0  }
0x14c: {  	[sflag:s16] =	ssyncadd.s32 $0xFFFFFF80  }
0x14d: {  	_ =	swait.ge [sflag:s16], $0x80  }
0x14e: {  	[sflag:s16] =	ssyncset.done $0x0  }
0x14f: {  	[sflag:s16] =	ssyncadd.s32 $0xFFFFFF80  }
0x150: {  	_ =	swait.ge [sflag:s16], $0x80  }
0x151: {  	[sflag:s16] =	ssyncset.done $0x0  }
0x152: {  	[sflag:s16] =	ssyncadd.s32 $0xFFFFFF80  }
0x153: {  	_ =	swait.ge [sflag:s16], $0x80  }
0x154: {  	[sflag:s16] =	ssyncset.done $0x0  }
0x155: {  	[sflag:s16] =	ssyncadd.s32 $0xFFFFFF80  }
0x156: {  	_ =	swait.ge [sflag:s16], $0x80  }
0x157: {  	[sflag:s16] =	ssyncset.done $0x0  }
0x158: {  	s30 =	sadd.s32 $0x20, s30;
	[sflag:s16] =	ssyncadd.s32 $0xFFFFFF80  }
0x159: {  	v0 =	vld [tilespmem:s30+$0xFFFFFFF0];
	_ =	sdelay $0x4  }
0x15a: {  	v2 =	vshll.u32 v0, $0x4  }
0x15b: {  	(v2sf) =	vpush v2, $0x0  }
0x15c: {  	s0 =	smov.u32 s19;
	(v2sf) =	vpush v2, $0x1  }
0x15d: {  	s20 =	sshra.s32 s0, $0x2;
	(v2sf) =	vpush v2, $0x2  }
0x15e: {  	s8 =	sadd.s32 $0x1380, s20;
	s13 =	sadd.s32 $0x1400, s20;
	s7 =	sadd.s32 $0x1200, s20  }
0x15f: {  	s5 =	sadd.s32 $0x1280, s20;
	s14 =	sadd.s32 $0x1480, s20;
	s31 =	sadd.s32 $0x1680, s20;
	(v2sf) =	vpush v2, $0x3  }
0x160: {  	s11 =	sadd.s32 $0x1500, s20;
	s1 =	sadd.s32 $0x1600, s20;
	s0 =	sadd.s32 $0x2180, s20  }
0x161: {  	s10 =	sadd.s32 $0x1580, s20;
	s18 =	sadd.s32 $0x1F80, s20;
	[dreg:$0x3] =	wrdreg s0;
	(v2sf) =	vpush v2, $0x4  }
0x162: {  	s21 =	sadd.s32 $0x2000, s20;
	s22 =	sadd.s32 $0x2080, s20;
	[dreg:$0x6] =	wrdreg s18  }
0x163: {  	s23 =	sadd.s32 $0x1E00, s20;
	s24 =	sadd.s32 $0x1E80, s20;
	[dreg:$0x5] =	wrdreg s21;
	(v2sf) =	vpush v2, $0x5  }
0x164: {  	s25 =	sadd.s32 $0x1F00, s20;
	s26 =	sadd.s32 $0x1D00, s20;
	[dreg:$0x4] =	wrdreg s22  }
0x165: {  	s28 =	sadd.s32 $0x1D80, s20;
	s15 =	sadd.s32 $0x1B00, s20;
	[dreg:$0x9] =	wrdreg s23;
	(v2sf) =	vpush v2, $0x6  }
0x166: {  	s12 =	sadd.s32 $0x1B80, s20;
	s9 =	sadd.s32 $0x1C00, s20;
	[dreg:$0x8] =	wrdreg s24  }
0x167: {  	s17 =	sadd.s32 $0x1980, s20;
	s6 =	sadd.s32 $0x1A00, s20;
	[dreg:$0x7] =	wrdreg s25;
	(v2sf) =	vpush v2, $0x7  }
0x168: {  	s4 =	sadd.s32 $0x1A80, s20;
	s21 =	sadd.s32 $0x1C80, s20;
	[dreg:$0xb] =	wrdreg s26  }
0x169: {  	[dreg:$0xa] =	wrdreg s28;
	s22 =	sadd.s32 $0x1800, s20;
	s18 =	sadd.s32 $0x1880, s20;
	(v2sf) =	vpush v2, $0x8  }
0x16a: {  	s24 =	sadd.s32 $0x1700, s20;
	s23 =	sadd.s32 $0x1780, s20;
	s25 =	spop (v2sf)  }
0x16b: {  	s26 =	sadd.s32 $0x1300, s20;
	s25 =	sand.u32 $0x1FFFFFF0, s25;
	s28 =	spop (v2sf);
	(v2sf) =	vpush v2, $0x9  }
0x16c: {  	s25 =	sadd.s32 s3, s25;
	s28 =	sand.u32 $0x1FFFFFF0, s28;
	s29 =	spop (v2sf)  }
0x16d: {  	v1 =	vld [tilespmem:s30+$0x0];
	(v2sf) =	vpush v2, $0xA;
	[tilespmem:s7], [sflag:$0x1] =	stream.linear.gather [hbm4b:s25+s2], $0x80, $0x38  }
0x16e: {  	s7 =	sadd.s32 s3, s28;
	s25 =	sand.u32 $0x1FFFFFF0, s29;
	s29 =	spop (v2sf)  }
0x16f: {  	(v2sf) =	vpush v2, $0xB;
	[tilespmem:s5], [sflag:$0x1] =	stream.linear.gather [hbm4b:s7+s2], $0x80, $0x38;
	[tilespmem:$0x10200] =	vst v63  }
0x170: {  	s25 =	sadd.s32 s3, s25;
	s28 =	sand.u32 $0x1FFFFFF0, s29;
	s29 =	spop (v2sf)  }
0x171: {  	(v2sf) =	vpush v2, $0xC;
	[tilespmem:s26], [sflag:$0x1] =	stream.linear.gather [hbm4b:s25+s2], $0x80, $0x38;
	[tilespmem:$0x10200] =	vst v63  }
0x172: {  	s26 =	sadd.s32 s3, s28;
	s28 =	sand.u32 $0x1FFFFFF0, s29;
	s29 =	spop (v2sf)  }
0x173: {  	(v2sf) =	vpush v2, $0xD;
	[tilespmem:s8], [sflag:$0x1] =	stream.linear.gather [hbm4b:s26+s2], $0x80, $0x38;
	[tilespmem:$0x10200] =	vst v63  }
0x174: {  	s26 =	sadd.s32 s3, s28;
	s28 =	sand.u32 $0x1FFFFFF0, s29;
	s29 =	spop (v2sf)  }
0x175: {  	(v2sf) =	vpush v2, $0xE;
	[tilespmem:s13], [sflag:$0x1] =	stream.linear.gather [hbm4b:s26+s2], $0x80, $0x38;
	[tilespmem:$0x10200] =	vst v63  }
0x176: {  	s7 =	sadd.s32 s3, s28;
	s25 =	spop (v2sf);
	s13 =	sand.u32 $0x1FFFFFF0, s29  }
0x177: {  	(v2sf) =	vpush v2, $0xF;
	[tilespmem:s14], [sflag:$0x1] =	stream.linear.gather [hbm4b:s7+s2], $0x80, $0x38;
	[tilespmem:$0x10200] =	vst v63  }
0x178: {  	v63 =	vshll.u32 v1, $0x4;
	s28 =	sand.u32 $0x1FFFFFF0, s25;
	s29 =	spop (v2sf);
	s26 =	sadd.s32 s3, s13  }
0x179: {  	(v2sf) =	vpush v63, $0x0;
	[tilespmem:s11], [sflag:$0x1] =	stream.linear.gather [hbm4b:s26+s2], $0x80, $0x38;
	[tilespmem:$0x10200] =	vst v63  }
0x17a: {  	s8 =	sand.u32 $0x1FFFFFF0, s29;
	s7 =	sadd.s32 s3, s28;
	s11 =	spop (v2sf)  }
0x17b: {  	(v2sf) =	vpush v63, $0x1;
	[tilespmem:s10], [sflag:$0x1] =	stream.linear.gather [hbm4b:s7+s2], $0x80, $0x38;
	[tilespmem:$0x10200] =	vst v63  }
0x17c: {  	s13 =	sadd.s32 s3, s8;
	s14 =	sand.u32 $0x1FFFFFF0, s11;
	s25 =	spop (v2sf);
	(v2sf) =	vpush v63, $0x2  }
0x17d: {  	[tilespmem:s1], [sflag:$0x1] =	stream.linear.gather [hbm4b:s13+s2], $0x80, $0x38;
	[tilespmem:$0x10200] =	vst v63  }
0x17e: {  	s26 =	sadd.s32 s3, s14;
	s28 =	sand.u32 $0x1FFFFFF0, s25;
	s29 =	spop (v2sf);
	(v2sf) =	vpush v63, $0x3  }
0x17f: {  	[tilespmem:s31], [sflag:$0x1] =	stream.linear.gather [hbm4b:s26+s2], $0x80, $0x38;
	[tilespmem:$0x10200] =	vst v63  }
0x180: {  	s5 =	sadd.s32 s3, s28;
	s8 =	sand.u32 $0x1FFFFFF0, s29;
	s10 =	spop (v2sf)  }
0x181: {  	(v2sf) =	vpush v63, $0x4;
	[tilespmem:s24], [sflag:$0x1] =	stream.linear.gather [hbm4b:s5+s2], $0x80, $0x38;
	[tilespmem:$0x10200] =	vst v63  }
0x182: {  	s11 =	sadd.s32 s3, s8;
	s13 =	sand.u32 $0x1FFFFFF0, s10;
	s14 =	spop (v2sf)  }
0x183: {  	(v2sf) =	vpush v63, $0x5;
	[tilespmem:s23], [sflag:$0x1] =	stream.linear.gather [hbm4b:s11+s2], $0x80, $0x38;
	[tilespmem:$0x10200] =	vst v63  }
0x184: {  	s24 =	sadd.s32 s3, s13;
	s25 =	sand.u32 $0x1FFFFFF0, s14;
	s26 =	spop (v2sf)  }
0x185: {  	(v2sf) =	vpush v63, $0x6;
	[tilespmem:s22], [sflag:$0x1] =	stream.linear.gather [hbm4b:s24+s2], $0x80, $0x38;
	[tilespmem:$0x10200] =	vst v63  }
0x186: {  	s28 =	sadd.s32 s3, s25;
	s29 =	sand.u32 $0x1FFFFFF0, s26;
	s31 =	spop (v2sf);
	(v2sf) =	vpush v63, $0x7  }
0x187: {  	[tilespmem:s18], [sflag:$0x1] =	stream.linear.gather [hbm4b:s28+s2], $0x80, $0x38;
	[tilespmem:$0x10200] =	vst v63  }
0x188: {  	s0 =	sadd.s32 $0x1900, s20;
	s5 =	sadd.s32 s3, s29;
	s10 =	spop (v2sf)  }
0x189: {  	[tilespmem:s0], [sflag:$0x1] =	stream.linear.gather [hbm4b:s5+s2], $0x80, $0x38;
	[tilespmem:$0x10200] =	vst v63  }
0x18a: {  	s8 =	sand.u32 $0x1FFFFFF0, s31;
	(v2sf) =	vpush v63, $0x8;
	s13 =	sand.u32 $0x1FFFFFF0, s10;
	s14 =	spop (v2sf)  }
0x18b: {  	s11 =	sadd.s32 s3, s8;
	s18 =	sadd.s32 s3, s13;
	s23 =	spop (v2sf)  }
0x18c: {  	(v2sf) =	vpush v63, $0x9;
	[tilespmem:s17], [sflag:$0x1] =	stream.linear.gather [hbm4b:s11+s2], $0x80, $0x38;
	[tilespmem:$0x10200] =	vst v63  }
0x18d: {  	s22 =	sand.u32 $0x1FFFFFF0, s14;
	s25 =	sand.u32 $0x1FFFFFF0, s23;
	s26 =	spop (v2sf)  }
0x18e: {  	(v2sf) =	vpush v63, $0xA;
	s24 =	sadd.s32 s3, s22;
	s28 =	sadd.s32 s3, s25;
	s29 =	sand.u32 $0x1FFFFFF0, s26  }
0x18f: {  	[tilespmem:s6], [sflag:$0x1] =	stream.linear.gather [hbm4b:s18+s2], $0x80, $0x38;
	[tilespmem:$0x10200] =	vst v63  }
0x190: {  	(v2sf) =	vpush v63, $0xB;
	s31 =	spop (v2sf);
	s25 =	rddreg [dreg:$0xa];
	s5 =	sadd.s32 s3, s29  }
0x191: {  	[tilespmem:s4], [sflag:$0x1] =	stream.linear.gather [hbm4b:s24+s2], $0x80, $0x38;
	[tilespmem:$0x10200] =	vst v63  }
0x192: {  	(v2sf) =	vpush v63, $0xC;
	s6 =	sand.u32 $0x1FFFFFF0, s31;
	s31 =	rddreg [dreg:$0x9];
	s7 =	spop (v2sf)  }
0x193: {  	[tilespmem:s15], [sflag:$0x1] =	stream.linear.gather [hbm4b:s28+s2], $0x80, $0x38;
	[tilespmem:$0x10200] =	vst v63  }
0x194: {  	s8 =	sadd.s32 s3, s6;
	s10 =	sand.u32 $0x1FFFFFF0, s7;
	s11 =	spop (v2sf)  }
0x195: {  	s7 =	rddreg [dreg:$0x8];
	s13 =	sand.u32 $0x1FFFFFF0, s11;
	s14 =	spop (v2sf)  }
0x196: {  	(v2sf) =	vpush v63, $0xD;
	[tilespmem:s12], [sflag:$0x1] =	stream.linear.gather [hbm4b:s5+s2], $0x80, $0x38;
	[tilespmem:$0x10200] =	vst v63  }
0x197: {  	s11 =	rddreg [dreg:$0x7];
	s12 =	sadd.s32 s3, s10;
	s17 =	sand.u32 $0x1FFFFFF0, s14  }
0x198: {  	(v2sf) =	vpush v63, $0xE;
	[tilespmem:s9], [sflag:$0x1] =	stream.linear.gather [hbm4b:s8+s2], $0x80, $0x38;
	[tilespmem:$0x10200] =	vst v63  }
0x199: {  	s15 =	sadd.s32 s3, s13;
	s18 =	spop (v2sf);
	s22 =	sadd.s32 s3, s17  }
0x19a: {  	(v2sf) =	vpush v63, $0xF;
	[tilespmem:s21], [sflag:$0x1] =	stream.linear.gather [hbm4b:s12+s2], $0x80, $0x38;
	[tilespmem:$0x10200] =	vst v63  }
0x19b: {  	s23 =	sand.u32 $0x1FFFFFF0, s18;
	s21 =	rddreg [dreg:$0xb];
	s24 =	spop (v2sf)  }
0x19c: {  	[tilespmem:s21], [sflag:$0x1] =	stream.linear.gather [hbm4b:s15+s2], $0x80, $0x38;
	[tilespmem:$0x10200] =	vst v63  }
0x19d: {  	s26 =	sadd.s32 s3, s23;
	s28 =	sand.u32 $0x1FFFFFF0, s24;
	s29 =	spop (v2sf)  }
0x19e: {  	[tilespmem:s25], [sflag:$0x1] =	stream.linear.gather [hbm4b:s22+s2], $0x80, $0x38;
	[tilespmem:$0x10200] =	vst v63  }
0x19f: {  	s15 =	rddreg [dreg:$0x6];
	s4 =	sand.u32 $0x1FFFFFF0, s29;
	s6 =	spop (v2sf)  }
0x1a0: {  	[tilespmem:s31], [sflag:$0x1] =	stream.linear.gather [hbm4b:s26+s2], $0x80, $0x38;
	[tilespmem:$0x10200] =	vst v63  }
0x1a1: {  	s1 =	sadd.s32 s3, s28;
	s8 =	sadd.s32 s3, s4;
	s10 =	spop (v2sf)  }
0x1a2: {  	[tilespmem:s7], [sflag:$0x1] =	stream.linear.gather [hbm4b:s1+s2], $0x80, $0x38;
	[tilespmem:$0x10200] =	vst v63  }
0x1a3: {  	s9 =	sand.u32 $0x1FFFFFF0, s6;
	s22 =	rddreg [dreg:$0x5];
	s13 =	sand.u32 $0x1FFFFFF0, s10  }
0x1a4: {  	[tilespmem:s11], [sflag:$0x1] =	stream.linear.gather [hbm4b:s8+s2], $0x80, $0x38;
	[tilespmem:$0x10200] =	vst v63  }
0x1a5: {  	s12 =	sadd.s32 s3, s9;
	s17 =	sadd.s32 s3, s13;
	s14 =	spop (v2sf)  }
0x1a6: {  	[tilespmem:s15], [sflag:$0x1] =	stream.linear.gather [hbm4b:s12+s2], $0x80, $0x38;
	[tilespmem:$0x10200] =	vst v63  }
0x1a7: {  	s26 =	rddreg [dreg:$0x4];
	s18 =	sand.u32 $0x1FFFFFF0, s14;
	s21 =	spop (v2sf)  }
0x1a8: {  	[tilespmem:s22], [sflag:$0x1] =	stream.linear.gather [hbm4b:s17+s2], $0x80, $0x38;
	[tilespmem:$0x10200] =	vst v63  }
0x1a9: {  	s23 =	sadd.s32 s3, s18;
	s24 =	sand.u32 $0x1FFFFFF0, s21;
	s25 =	spop (v2sf)  }
0x1aa: {  	[tilespmem:s26], [sflag:$0x1] =	stream.linear.gather [hbm4b:s23+s2], $0x80, $0x38;
	[tilespmem:$0x10200] =	vst v63  }
0x1ab: {  	s28 =	sadd.s32 $0x2100, s20;
	s1 =	sadd.s32 s3, s24;
	s4 =	sand.u32 $0x1FFFFFF0, s25  }
0x1ac: {  	[tilespmem:s28], [sflag:$0x1] =	stream.linear.gather [hbm4b:s1+s2], $0x80, $0x38;
	[tilespmem:$0x10200] =	vst v63  }
0x1ad: {  	s31 =	rddreg [dreg:$0x3];
	s29 =	sadd.s32 s3, s4  }
0x1ae: {  	[tilespmem:s31], [sflag:$0x1] =	stream.linear.gather [hbm4b:s29+s2], $0x80, $0x38;
	[tilespmem:$0x10200] =	vst v63  }
0x1af: {  	_ =	swait.ge [sflag:s16], $0x80  }
0x1b0: {  	[sflag:s16] =	ssyncset.done $0x0  }
0x1b1: {  	[sflag:s16] =	ssyncadd.s32 $0xFFFFFF80  }
0x1b2: {  	_ =	swait.ge [sflag:s16], $0x80  }
0x1b3: {  	[sflag:s16] =	ssyncset.done $0x0  }
0x1b4: {  	[sflag:s16] =	ssyncadd.s32 $0xFFFFFF80  }
0x1b5: {  	_ =	swait.ge [sflag:s16], $0x80  }
0x1b6: {  	[sflag:s16] =	ssyncset.done $0x0  }
0x1b7: {  	[sflag:s16] =	ssyncadd.s32 $0xFFFFFF80  }
0x1b8: {  	_ =	swait.ge [sflag:s16], $0x80  }
0x1b9: {  	[sflag:s16] =	ssyncset.done $0x0  }
0x1ba: {  	[sflag:s16] =	ssyncadd.s32 $0xFFFFFF80  }
0x1bb: {  	_ =	swait.ge [sflag:s16], $0x80  }
0x1bc: {  	[sflag:s16] =	ssyncset.done $0x0  }
0x1bd: {  	[sflag:s16] =	ssyncadd.s32 $0xFFFFFF80  }
0x1be: {  	_ =	swait.ge [sflag:s16], $0x80  }
0x1bf: {  	[sflag:s16] =	ssyncset.done $0x0  }
0x1c0: {  	[sflag:s16] =	ssyncadd.s32 $0xFFFFFF80  }
0x1c1: {  	_ =	swait.ge [sflag:s16], $0x80  }
0x1c2: {  	[sflag:s16] =	ssyncset.done $0x0  }
0x1c3: {  	[sflag:s16] =	ssyncadd.s32 $0xFFFFFF80  }
0x1c4: {  	_ =	swait.ge [sflag:s16], $0x80  }
0x1c5: {  	[sflag:s16] =	ssyncset.done $0x0  }
0x1c6: {  	[sflag:s16] =	ssyncadd.s32 $0xFFFFFF80  }
0x1c7: {  	_ =	swait.ge [sflag:s16], $0x80  }
0x1c8: {  	[sflag:s16] =	ssyncset.done $0x0  }
0x1c9: {  	[sflag:s16] =	ssyncadd.s32 $0xFFFFFF80  }
0x1ca: {  	_ =	swait.ge [sflag:s16], $0x80  }
0x1cb: {  	[sflag:s16] =	ssyncset.done $0x0  }
0x1cc: {  	[sflag:s16] =	ssyncadd.s32 $0xFFFFFF80  }
0x1cd: {  	_ =	swait.ge [sflag:s16], $0x80  }
0x1ce: {  	[sflag:s16] =	ssyncset.done $0x0  }
0x1cf: {  	[sflag:s16] =	ssyncadd.s32 $0xFFFFFF80  }
0x1d0: {  	_ =	swait.ge [sflag:s16], $0x80  }
0x1d1: {  	[sflag:s16] =	ssyncset.done $0x0  }
0x1d2: {  	[sflag:s16] =	ssyncadd.s32 $0xFFFFFF80  }
0x1d3: {  	_ =	swait.ge [sflag:s16], $0x80  }
0x1d4: {  	[sflag:s16] =	ssyncset.done $0x0  }
0x1d5: {  	p0 =	sne.s32 s19, $0x38000;
	[sflag:s16] =	ssyncadd.s32 $0xFFFFFF80  }
.Ltmp0:
0x1d6: {  	_ =	swait.ge [sflag:s16], $0x80;
	(pc) =	sbr.rel @p0 .LBB2_2-.Ltmp0, $4  }
0x1d7: {  	[sflag:s16] =	ssyncset.done $0x0  }
0x1d8: {  	[sflag:s16] =	ssyncadd.s32 $0xFFFFFF80  }
0x1d9: {  	_ =	swait.ge [sflag:s16], $0x80  }
0x1da: {  	s19 =	sadd.s32 $0x4000, s19;
	[sflag:s16] =	ssyncset.done $0x0  }
0x1db: {  	[sflag:s16] =	ssyncadd.s32 $0xFFFFFF80  }
0x1dc: {  	_ =	swait.ge [sflag:s16], $0x80  }
0x1dd: {  	[sflag:s16] =	ssyncset.done $0x0  }
0x1de: {  	[sflag:s16] =	ssyncadd.s32 $0xFFFFFF80  }
0x1df: {  	_ =	swait.ge [sflag:s16], $0x80  }
0x1e0: {  	[sflag:s16] =	ssyncset.done $0x0  }
0x1e1: {  	[sflag:s16] =	ssyncadd.s32 $0xFFFFFF80  }
0x1e2: {  	_ =	swait.ge [sflag:s16], $0x80  }
0x1e3: {  	[sflag:s16] =	ssyncset.done $0x0  }
0x1e4: {  	[sflag:s16] =	ssyncadd.s32 $0xFFFFFF80  }
0x1e5: {  	_ =	swait.ge [sflag:s16], $0x80  }
0x1e6: {  	[sflag:s16] =	ssyncset.done $0x0  }
0x1e7: {  	[sflag:s16] =	ssyncadd.s32 $0xFFFFFF80  }
0x1e8: {  	_ =	swait.ge [sflag:s16], $0x80  }
0x1e9: {  	[sflag:s16] =	ssyncset.done $0x0  }
0x1ea: {  	[sflag:s16] =	ssyncadd.s32 $0xFFFFFF80  }
0x1eb: {  	_ =	swait.ge [sflag:s16], $0x80  }
0x1ec: {  	[sflag:s16] =	ssyncset.done $0x0  }
0x1ed: {  	[sflag:s16] =	ssyncadd.s32 $0xFFFFFF80  }
0x1ee: {  	_ =	swait.ge [sflag:s16], $0x80  }
0x1ef: {  	[sflag:s16] =	ssyncset.done $0x0  }
0x1f0: {  	[sflag:s16] =	ssyncadd.s32 $0xFFFFFF80  }
0x1f1: {  	_ =	swait.ge [sflag:s16], $0x80  }
0x1f2: {  	[sflag:s16] =	ssyncset.done $0x0  }
0x1f3: {  	[sflag:s16] =	ssyncadd.s32 $0xFFFFFF80  }
0x1f4: {  	_ =	swait.ge [sflag:s16], $0x80  }
0x1f5: {  	[sflag:s16] =	ssyncset.done $0x0  }
0x1f6: {  	[sflag:s16] =	ssyncadd.s32 $0xFFFFFF80  }
0x1f7: {  	_ =	swait.ge [sflag:s16], $0x80  }
0x1f8: {  	[sflag:s16] =	ssyncset.done $0x0  }
0x1f9: {  	[sflag:s16] =	ssyncadd.s32 $0xFFFFFF80  }
0x1fa: {  	_ =	swait.ge [sflag:s16], $0x80  }
0x1fb: {  	[sflag:s16] =	ssyncset.done $0x0  }
0x1fc: {  	[sflag:s16] =	ssyncadd.s32 $0xFFFFFF80  }
0x1fd: {  	_ =	swait.ge [sflag:s16], $0x80  }
0x1fe: {  	[sflag:s16] =	ssyncset.done $0x0  }
0x1ff: {  	[sflag:s16] =	ssyncadd.s32 $0xFFFFFF80  }
0x200: {  	_ =	swait.ge [sflag:s16], $0x80  }
0x201: {  	[sflag:s16] =	ssyncset.done $0x0  }
0x202: {  	[sflag:s16] =	ssyncadd.s32 $0xFFFFFF80  }
0x203: {  	_ =	swait.ge [sflag:s16], $0x80  }
0x204: {  	[sflag:s16] =	ssyncset.done $0x0  }
0x205: {  	[sflag:s16] =	ssyncadd.s32 $0xFFFFFF80  }
0x206: {  	_ =	swait.ge [sflag:s16], $0x80  }
0x207: {  	[sflag:s16] =	ssyncset.done $0x0  }
0x208: {  	[sflag:s16] =	ssyncadd.s32 $0xFFFFFF80  }
0x209: {  	_ =	swait.ge [sflag:s16], $0x80  }
0x20a: {  	[sflag:s16] =	ssyncset.done $0x0  }
0x20b: {  	[sflag:s16] =	ssyncadd.s32 $0xFFFFFF80  }
0x20c: {  	_ =	swait.ge [sflag:s16], $0x80  }
0x20d: {  	[sflag:s16] =	ssyncset.done $0x0  }
0x20e: {  	[sflag:s16] =	ssyncadd.s32 $0xFFFFFF80  }
0x20f: {  	_ =	swait.ge [sflag:s16], $0x80  }
0x210: {  	[sflag:s16] =	ssyncset.done $0x0  }
0x211: {  	[sflag:s16] =	ssyncadd.s32 $0xFFFFFF80  }
0x212: {  	_ =	swait.ge [sflag:s16], $0x80  }
0x213: {  	[sflag:s16] =	ssyncset.done $0x0  }
0x214: {  	[sflag:s16] =	ssyncadd.s32 $0xFFFFFF80  }
0x215: {  	_ =	swait.ge [sflag:s16], $0x80  }
0x216: {  	[sflag:s16] =	ssyncset.done $0x0  }
0x217: {  	[sflag:s16] =	ssyncadd.s32 $0xFFFFFF80  }
0x218: {  	_ =	swait.ge [sflag:s16], $0x80  }
0x219: {  	[sflag:s16] =	ssyncset.done $0x0  }
0x21a: {  	[sflag:s16] =	ssyncadd.s32 $0xFFFFFF80  }
0x21b: {  	_ =	swait.ge [sflag:s16], $0x80  }
0x21c: {  	[sflag:s16] =	ssyncset.done $0x0  }
0x21d: {  	[sflag:s16] =	ssyncadd.s32 $0xFFFFFF80  }
0x21e: {  	_ =	swait.ge [sflag:s16], $0x80  }
0x21f: {  	[sflag:s16] =	ssyncset.done $0x0  }
0x220: {  	[sflag:s16] =	ssyncadd.s32 $0xFFFFFF80  }
0x221: {  	_ =	swait.ge [sflag:s16], $0x80  }
0x222: {  	[sflag:s16] =	ssyncset.done $0x0  }
0x223: {  	[sflag:s16] =	ssyncadd.s32 $0xFFFFFF80  }
0x224: {  	_ =	swait.ge [sflag:s16], $0x80  }
0x225: {  	[sflag:s16] =	ssyncset.done $0x0  }
0x226: {  	[sflag:s16] =	ssyncadd.s32 $0xFFFFFF80  }
0x227: {  	_ =	swait.ge [sflag:s16], $0x80  }
0x228: {  	[sflag:s16] =	ssyncset.done $0x0  }
0x229: {  	[sflag:s16] =	ssyncadd.s32 $0xFFFFFF80  }
0x22a: {  	_ =	swait.ge [sflag:s16], $0x80  }
0x22b: {  	[sflag:s16] =	ssyncset.done $0x0  }
0x22c: {  	[sflag:s16] =	ssyncadd.s32 $0xFFFFFF80  }
0x22d: {  	_ =	swait.ge [sflag:s16], $0x80  }
0x22e: {  	[sflag:s16] =	ssyncset.done $0x0  }
0x22f: {  	[sflag:s16] =	ssyncadd.s32 $0xFFFFFF80  }
0x230: {  	_ =	swait.ge [sflag:s16], $0x80  }
0x231: {  	[sflag:s16] =	ssyncset.done $0x0  }
0x232: {  	[sflag:s16] =	ssyncadd.s32 $0xFFFFFF80  }
0x233: {  	_ =	swait.ge [sflag:s16], $0x80  }
0x234: {  	[sflag:s16] =	ssyncset.done $0x0  }
0x235: {  	[sflag:s16] =	ssyncadd.s32 $0xFFFFFF80  }
0x236: {  	_ =	swait.ge [sflag:s16], $0x80  }
0x237: {  	[sflag:s16] =	ssyncset.done $0x0  }
0x238: {  	[sflag:s16] =	ssyncadd.s32 $0xFFFFFF80  }
0x239: {  	_ =	swait.ge [sflag:s16], $0x80  }
0x23a: {  	[sflag:s16] =	ssyncset.done $0x0  }
0x23b: {  	[sflag:s16] =	ssyncadd.s32 $0xFFFFFF80  }
0x23c: {  	_ =	swait.ge [sflag:s16], $0x80  }
0x23d: {  	[sflag:s16] =	ssyncset.done $0x0  }
0x23e: {  	[sflag:s16] =	ssyncadd.s32 $0xFFFFFF80  }
0x23f: {  	_ =	swait.ge [sflag:s16], $0x80  }
0x240: {  	[sflag:s16] =	ssyncset.done $0x0  }
0x241: {  	[sflag:s16] =	ssyncadd.s32 $0xFFFFFF80  }
0x242: {  	_ =	swait.ge [sflag:s16], $0x80  }
0x243: {  	[sflag:s16] =	ssyncset.done $0x0  }
0x244: {  	[sflag:s16] =	ssyncadd.s32 $0xFFFFFF80  }
0x245: {  	_ =	swait.ge [sflag:s16], $0x80  }
0x246: {  	[sflag:s16] =	ssyncset.done $0x0  }
0x247: {  	[sflag:s16] =	ssyncadd.s32 $0xFFFFFF80  }
0x248: {  	_ =	swait.ge [sflag:s16], $0x80  }
0x249: {  	[sflag:s16] =	ssyncset.done $0x0  }
0x24a: {  	[sflag:s16] =	ssyncadd.s32 $0xFFFFFF80  }
0x24b: {  	_ =	swait.ge [sflag:s16], $0x80  }
0x24c: {  	[sflag:s16] =	ssyncset.done $0x0  }
0x24d: {  	[sflag:s16] =	ssyncadd.s32 $0xFFFFFF80  }
0x24e: {  	_ =	swait.ge [sflag:s16], $0x80  }
0x24f: {  	[sflag:s16] =	ssyncset.done $0x0  }
0x250: {  	[sflag:s16] =	ssyncadd.s32 $0xFFFFFF80  }
0x251: {  	_ =	swait.ge [sflag:s16], $0x80  }
0x252: {  	[sflag:s16] =	ssyncset.done $0x0  }
0x253: {  	[sflag:s16] =	ssyncadd.s32 $0xFFFFFF80  }
0x254: {  	_ =	swait.ge [sflag:s16], $0x80  }
0x255: {  	[sflag:s16] =	ssyncset.done $0x0  }
0x256: {  	[sflag:s16] =	ssyncadd.s32 $0xFFFFFF80  }
0x257: {  	_ =	swait.ge [sflag:s16], $0x80  }
0x258: {  	[sflag:s16] =	ssyncset.done $0x0  }
0x259: {  	[sflag:s16] =	ssyncadd.s32 $0xFFFFFF80  }
0x25a: {  	_ =	swait.ge [sflag:s16], $0x80  }
0x25b: {  	[sflag:s16] =	ssyncset.done $0x0  }
0x25c: {  	[sflag:s16] =	ssyncadd.s32 $0xFFFFFF80  }
0x25d: {  	_ =	swait.ge [sflag:s16], $0x80  }
0x25e: {  	[sflag:s16] =	ssyncset.done $0x0  }
0x25f: {  	[sflag:s16] =	ssyncadd.s32 $0xFFFFFF80  }
0x260: {  	_ =	swait.ge [sflag:s16], $0x80  }
0x261: {  	[sflag:s16] =	ssyncset.done $0x0  }
0x262: {  	[sflag:s16] =	ssyncadd.s32 $0xFFFFFF80  }
0x263: {  	_ =	swait.ge [sflag:s16], $0x80  }
0x264: {  	[sflag:s16] =	ssyncset.done $0x0  }
0x265: {  	[sflag:s16] =	ssyncadd.s32 $0xFFFFFF80  }
0x266: {  	_ =	swait.ge [sflag:s16], $0x80  }
0x267: {  	[sflag:s16] =	ssyncset.done $0x0  }
0x268: {  	[sflag:s16] =	ssyncadd.s32 $0xFFFFFF80  }
0x269: {  	_ =	swait.ge [sflag:s16], $0x80  }
0x26a: {  	[sflag:s16] =	ssyncset.done $0x0  }
0x26b: {  	[sflag:s16] =	ssyncadd.s32 $0xFFFFFF80  }
0x26c: {  	_ =	swait.ge [sflag:s16], $0x80  }
0x26d: {  	s4 =	simm.s32 $0x200;
	[sflag:s16] =	ssyncset.done $0x0  }
0x26e: {  	s1 =	simm.s32 $0x2;
	s0 =	rddreg [dreg:$0xd];
	[sflag:s16] =	ssyncadd.s32 $0xFFFFFF80  }
0x26f: {  	[hbm4b:s0+s2] =	stream.linear.scatter [tilespmem:s4], [sflag:$0x2], $0x10000, $0x38;
	[tilespmem:$0x10200] =	vst v63  }
0x270: {  	_ =	swait.ge [sflag:s1], $0x10000  }
0x271: {  	s5 =	rddreg [dreg:$0xf]  }
0x272: {  	s31 =	rddreg [dreg:$0xe];
	s5 =	sadd.s32 $0x1, s5  }
0x273: {  	p0 =	sne.s32 s5, s31  }
.Ltmp1:
0x274: {  	_ = 	snop;
	(pc) =	sbr.rel @p0 .LBB2_1-.Ltmp1, $3  }
0x275: {  	_ =	sdelay $0x1  }
0x276: {  	[sflag:s1] =	ssyncset.done $0x0  }
0x277: {  	[sflag:s1] =	ssyncadd.s32 $0xFFFF0000  }
0x278: {  	_ =	sfence.sel $0x180000  }
0x279: {  	[bflag:$0x0] =	sbarrier.arrive $0xFFFF  }
0x27a: {  	_ =	strace $0x90000047  }
0x27b: {  	s0 =	stileid.u32;
	[bflag:$0x2] =	sbarrier.arrive $0xFFFF  }
0x27c: {  	p0 =	sne.s32 s0, $0x0;
	s0 =	rddreg [dreg:$0x2]  }
0x27d: {  	s0 =	sadd.s32 @!p0 $0x100000, s0  }
0x27e: {  	[sflag:s0] =	ssyncadd.tile.s32 @!p0 $0x1;
	_ =	shalt  }
.Lfunc_end2:
_tile_overlayer_lowered:
.L_overlay_start_2:
0x27f: {  	(tag) =	ssettag $0x2  }
0x280: {  	s0 =	rddreg [dreg:$0x0];
	s2 =	stileid.u32  }
0x281: {  	s1 =	rddreg [dreg:$0x1];
	p0 =	sne.s32 s2, $0x0  }
0x282: {  	s3 =	rddreg [dreg:$0x2];
	[bflag:$0x3] =	sbarrier.arrive $0xFFFF;
	s2 =	simm.s32 @!p0 $0x1C02  }
0x283: {  	[timem:s3], [sflag:s2] =	dma.local @!p0 [hbm:s0], s1  }
0x284: {  	s0 =	simm.s32 @!p0 $0x2  }
0x285: {  	_ =	swait.ge @!p0 [sflag:s0], s1  }
0x286: {  	s1 =	ssub.s32 @!p0 $0x0, s1;
	[sflag:s0] =	ssyncset.done @!p0 $0x0  }
0x287: {  	[sflag:s0] =	ssyncadd.s32 @!p0 s1  }
0x288: {  	[bflag:$0x3] =	sbarrier.arrive $0xFFFF  }
0x289: {  	_ =	shalt  }

</sc_bundles>
